<compile_context>
chip_gen: v7x
topology: tpu7x:2x2x1
jax: 0.10.2.dev20260603
libtpu: 0.0.44.dev20260713+nightly
codegen_flags: <defaults>
</compile_context>

<pallas_src>
import functools

import jax
import jax.numpy as jnp
from jax import lax
from jax.experimental import pallas as pl
from jax.experimental.pallas import tpu as pltpu
from jax.experimental.pallas import tpu_sc as plsc

N = 10000
D = 128
H = 128
C = 2
G = 128

NC = 2
NS = 16
NW = NC * NS
K = 128
HK = 64
NPAD = 10240
RPT = NPAD // NS
BLK = 1024
NBLK = NPAD // BLK

_sc_mesh = plsc.VectorSubcoreMesh(core_axis_name="c", subcore_axis_name="s")
_sc_mesh1 = plsc.VectorSubcoreMesh(core_axis_name="c", subcore_axis_name="s",
                                   num_cores=1)


def _num_chunks(e_pad):
    return e_pad // (NW * K)



def _deg_body(nchunks, dst_hbm, ones_hbm, zeros_hbm, out_hbm,
              dst_v, ones_v, deg_sp, sem):
    c = lax.axis_index("c")
    s = lax.axis_index("s")
    w = s * NC + c
    pltpu.sync_copy(dst_hbm.at[pl.ds(w * nchunks, nchunks)], dst_v)
    pltpu.sync_copy(ones_hbm, ones_v)
    pltpu.sync_copy(zeros_hbm.at[pl.ds(s * RPT, RPT)],
                    deg_sp.at[pl.ds(s * RPT, RPT)])
    plsc.subcore_barrier()

    def body(j, carry):
        pltpu.sync_copy(ones_v, deg_sp.at[dst_v.at[j]], add=True)
        return carry

    lax.fori_loop(0, nchunks, body, 0)
    plsc.subcore_barrier()
    pltpu.sync_copy(deg_sp.at[pl.ds(s * RPT, RPT)],
                    out_hbm.at[c, pl.ds(s * RPT, RPT)])


def _make_deg_kernel(nchunks):
    return functools.partial(
        pl.kernel,
        out_type=jax.ShapeDtypeStruct((NC, NPAD, 128), jnp.float32),
        mesh=_sc_mesh,
        scratch_types=[
            pltpu.VMEM((nchunks, K), jnp.int32),
            pltpu.VMEM((K, 128), jnp.float32),
            pltpu.VMEM_SHARED((NPAD, 128), jnp.float32),
            pltpu.SemaphoreType.DMA,
        ],
    )(functools.partial(_deg_body, nchunks))


def _gather_halves(hs_hbm, sd_r, slot, buf, sem):
    buf_lo = buf.at[pl.ds(0, HK)]
    buf_hi = buf.at[pl.ds(HK, HK)]
    pltpu.async_copy(hs_hbm.at[sd_r.at[slot, 0, pl.ds(0, HK)]], buf_lo, sem)
    pltpu.async_copy(hs_hbm.at[sd_r.at[slot, 0, pl.ds(HK, HK)]], buf_hi, sem)


def _wait_halves(hs_hbm, sd_r, slot, buf, sem):
    buf_lo = buf.at[pl.ds(0, HK)]
    buf_hi = buf.at[pl.ds(HK, HK)]
    pltpu.make_async_copy(hs_hbm.at[sd_r.at[slot, 0, pl.ds(0, HK)]],
                          buf_lo, sem).wait()
    pltpu.make_async_copy(hs_hbm.at[sd_r.at[slot, 0, pl.ds(HK, HK)]],
                          buf_hi, sem).wait()


def _agg_body(n0, n1, total_rows, hs_hbm, sd_hbm, out_hbm,
              sd_r, buf_a, buf_b, agg_sp, gsem_a, gsem_b, isem):
    c = lax.axis_index("c")
    s = lax.axis_index("s")
    base = jnp.where(c == 0, s * n0, NS * n0 + s * n1)
    trips = jnp.where(c == 0, n0, n1)
    npairs = trips // 2

    def zbody(r, carry):
        for col in range(8):
            buf_a[r, pl.ds(col * 16, 16)] = jnp.zeros((16,), jnp.float32)
        return carry

    lax.fori_loop(0, K, zbody, 0)
    for blk in range(RPT // K):
        pltpu.sync_copy(buf_a, agg_sp.at[pl.ds(s * RPT + blk * K, K)])
    plsc.subcore_barrier()

    @pl.when(trips > 0)
    def _():
        pltpu.sync_copy(sd_hbm.at[pl.ds(base, 2)], sd_r.at[pl.ds(0, 2)])
        _gather_halves(hs_hbm, sd_r, 0, buf_a, gsem_a)
        _gather_halves(hs_hbm, sd_r, 1, buf_b, gsem_b)
        pltpu.async_copy(sd_hbm.at[pl.ds(base + 2, 2)], sd_r.at[pl.ds(2, 2)],
                         isem)

    def body(i, carry):
        j = base + 2 * i
        cur = (i % 2) * 2
        nxt = ((i + 1) % 2) * 2
        pltpu.make_async_copy(sd_hbm.at[pl.ds(base, 2)],
                              sd_r.at[pl.ds(0, 2)], isem).wait()

        _wait_halves(hs_hbm, sd_r, cur, buf_a, gsem_a)
        pltpu.sync_copy(buf_a, agg_sp.at[sd_r.at[cur, 1]], add=True)

        @pl.when(2 * i + 2 < trips)
        def _():
            _gather_halves(hs_hbm, sd_r, nxt, buf_a, gsem_a)

        _wait_halves(hs_hbm, sd_r, cur + 1, buf_b, gsem_b)
        pltpu.sync_copy(buf_b, agg_sp.at[sd_r.at[cur + 1, 1]], add=True)

        @pl.when(2 * i + 3 < trips)
        def _():
            _gather_halves(hs_hbm, sd_r, nxt + 1, buf_b, gsem_b)

        @pl.when(i + 1 < npairs)
        def _():
            row = jnp.minimum(j + 4, total_rows - 2)
            pltpu.async_copy(sd_hbm.at[pl.ds(row, 2)],
                             sd_r.at[pl.ds(cur, 2)], isem)
        return carry

    lax.fori_loop(0, npairs, body, 0)
    plsc.subcore_barrier()
    pltpu.sync_copy(agg_sp.at[pl.ds(s * RPT, RPT)],
                    out_hbm.at[c, pl.ds(s * RPT, RPT)])


def _make_agg_kernel(n0, n1, total_rows):
    return functools.partial(
        pl.kernel,
        out_type=jax.ShapeDtypeStruct((NC, NPAD, 128), jnp.float32),
        mesh=_sc_mesh,
        scratch_types=[
            pltpu.VMEM((4, 2, K), jnp.int32),
            pltpu.VMEM((K, 128), jnp.float32),
            pltpu.VMEM((K, 128), jnp.float32),
            pltpu.VMEM_SHARED((NPAD, 128), jnp.float32),
            pltpu.SemaphoreType.DMA,
            pltpu.SemaphoreType.DMA,
            pltpu.SemaphoreType.DMA,
        ],
    )(functools.partial(_agg_body, n0, n1, total_rows))



def _tca_body(x_ref, deg_ref, w1_ref, hs_ref, dinv_ref):
    deg = deg_ref[0, :, 0:1] + deg_ref[1, :, 0:1] + 1.0
    dinv = lax.rsqrt(deg)
    h = jnp.dot(x_ref[...], w1_ref[...], preferred_element_type=jnp.float32)
    hs_ref[...] = h * dinv
    dinv_ref[...] = dinv


def _tca(x_pad, deg2, w1):
    return pl.pallas_call(
        _tca_body,
        grid=(NBLK,),
        in_specs=[
            pl.BlockSpec((BLK, D), lambda i: (i, 0)),
            pl.BlockSpec((NC, BLK, 128), lambda i: (0, i, 0)),
            pl.BlockSpec((D, H), lambda i: (0, 0)),
        ],
        out_specs=[
            pl.BlockSpec((BLK, H), lambda i: (i, 0)),
            pl.BlockSpec((BLK, 1), lambda i: (i, 0)),
        ],
        out_shape=[
            jax.ShapeDtypeStruct((NPAD, H), jnp.float32),
            jax.ShapeDtypeStruct((NPAD, 1), jnp.float32),
        ],
    )(x_pad, deg2, w1)


def _tcb_body(agg_ref, hs1_ref, dinv_ref, b1_ref, w2_ref, hs2_ref):
    dinv = dinv_ref[...]
    tot = agg_ref[0] + agg_ref[1] + hs1_ref[...]
    h1r = jnp.maximum(dinv * tot + b1_ref[...], 0.0)
    hs2_ref[...] = dinv * jnp.dot(h1r, w2_ref[...],
                                  preferred_element_type=jnp.float32)


def _tcb(agg1, hs1, dinv, b1, w2):
    return pl.pallas_call(
        _tcb_body,
        grid=(NBLK,),
        in_specs=[
            pl.BlockSpec((NC, BLK, H), lambda i: (0, i, 0)),
            pl.BlockSpec((BLK, H), lambda i: (i, 0)),
            pl.BlockSpec((BLK, 1), lambda i: (i, 0)),
            pl.BlockSpec((1, H), lambda i: (0, 0)),
            pl.BlockSpec((H, H), lambda i: (0, 0)),
        ],
        out_specs=pl.BlockSpec((BLK, H), lambda i: (i, 0)),
        out_shape=jax.ShapeDtypeStruct((NPAD, H), jnp.float32),
    )(agg1, hs1, dinv, b1, w2)


def _tcc_body(agg_ref, hs2_ref, dinv_ref, b2_ref, batch_ref,
              wm1_ref, bm1_ref, wm2_ref, bm2_ref, out_ref,
              pool_ref, cnt_ref):
    i = pl.program_id(0)
    h2 = dinv_ref[...] * (agg_ref[0] + agg_ref[1] + hs2_ref[...]) + b2_ref[...]
    bb = batch_ref[0]
    gid = lax.broadcasted_iota(jnp.int32, (G, BLK), 0)
    eq = (gid == bb).astype(jnp.float32)
    ps = jnp.dot(eq, h2, preferred_element_type=jnp.float32)
    cs = jnp.sum(eq, axis=1, keepdims=True)

    @pl.when(i == 0)
    def _():
        pool_ref[...] = ps
        cnt_ref[...] = jnp.broadcast_to(cs, (G, H))

    @pl.when(i > 0)
    def _():
        pool_ref[...] += ps
        cnt_ref[...] += jnp.broadcast_to(cs, (G, H))

    @pl.when(i == pl.num_programs(0) - 1)
    def _():
        pooled = pool_ref[...] / jnp.maximum(cnt_ref[...], 1.0)
        a = jnp.maximum(
            jnp.dot(pooled, wm1_ref[...], preferred_element_type=jnp.float32)
            + bm1_ref[...], 0.0)
        out_ref[...] = (jnp.dot(a, wm2_ref[...],
                                preferred_element_type=jnp.float32)
                        + bm2_ref[...])


def _tcc(agg2, hs2, dinv, b2, batch_r, wm1, bm1, wm2p, bm2p):
    return pl.pallas_call(
        _tcc_body,
        grid=(NBLK,),
        in_specs=[
            pl.BlockSpec((NC, BLK, H), lambda i: (0, i, 0)),
            pl.BlockSpec((BLK, H), lambda i: (i, 0)),
            pl.BlockSpec((BLK, 1), lambda i: (i, 0)),
            pl.BlockSpec((1, H), lambda i: (0, 0)),
            pl.BlockSpec((1, 1, BLK), lambda i: (i, 0, 0)),
            pl.BlockSpec((H, H), lambda i: (0, 0)),
            pl.BlockSpec((1, H), lambda i: (0, 0)),
            pl.BlockSpec((H, H), lambda i: (0, 0)),
            pl.BlockSpec((1, H), lambda i: (0, 0)),
        ],
        out_specs=pl.BlockSpec((G, H), lambda i: (0, 0)),
        out_shape=jax.ShapeDtypeStruct((G, H), jnp.float32),
        scratch_shapes=[
            pltpu.VMEM((G, H), jnp.float32),
            pltpu.VMEM((G, H), jnp.float32),
        ],
    )(agg2, hs2, dinv, b2, batch_r, wm1, bm1, wm2p, bm2p)



def kernel(x, edge_index, batch, W1, b1, W2, b2, Wm1, bm1, Wm2, bm2):
    e = edge_index.shape[1]
    epw = -(-e // NW)
    nchunks = -(-epw // K)
    if nchunks % 2:
        nchunks += 1
    e_pad = NW * nchunks * K

    src = jnp.concatenate(
        [edge_index[0], jnp.full((e_pad - e,), N, dtype=jnp.int32)])
    dst = jnp.concatenate(
        [edge_index[1], jnp.full((e_pad - e,), N, dtype=jnp.int32)])
    src2 = src.reshape(NW * nchunks, K)
    dst2 = dst.reshape(NW * nchunks, K)
    sd3 = jnp.stack([src2, dst2], axis=1)

    per_pair = 2 * nchunks
    n0 = (per_pair * 7 // 8) // 2 * 2
    n1 = per_pair - n0

    x_pad = jnp.concatenate(
        [x, jnp.zeros((NPAD - N, D), dtype=jnp.float32)])
    batch_pad = jnp.concatenate(
        [batch, jnp.full((NPAD - N,), G, dtype=jnp.int32)]).reshape(NBLK, 1, BLK)

    ones128 = jnp.ones((K, 128), dtype=jnp.float32)
    zeros128 = jnp.zeros((NPAD, 128), dtype=jnp.float32)

    b1r = b1.reshape(1, H)
    b2r = b2.reshape(1, H)
    bm1r = bm1.reshape(1, H)
    wm2p = jnp.zeros((H, H), dtype=jnp.float32).at[:, :C].set(Wm2)
    bm2p = jnp.zeros((1, H), dtype=jnp.float32).at[0, :C].set(bm2)

    deg2 = _make_deg_kernel(nchunks)(dst2, ones128, zeros128)
    hs1, dinv = _tca(x_pad, deg2, W1)
    total_rows = NW * nchunks
    agg1 = _make_agg_kernel(n0, n1, total_rows)(hs1, sd3)
    hs2 = _tcb(agg1, hs1, dinv, b1r, W2)
    agg2 = _make_agg_kernel(n0, n1, total_rows)(hs2, sd3)
    outp = _tcc(agg2, hs2, dinv, b2r, batch_pad, Wm1, bm1r, wm2p, bm2p)
    return outp[:, :C]

# --- scband reference (transcript-rebuilt; emitter-appended) ---
"""Pipeline reference for scband-graph-classifier-1949915152972 (READ-ONLY COPY).

The authoritative reference and input builder live on the scoring server;
editing this copy changes nothing except your own understanding.
"""

import jax, jax.numpy as jnp
import numpy as np

N = 10000
E = 320000
D = 128
H = 128
C = 2
G = 128


def setup_inputs(seed: int = 0) -> dict:
    key = jax.random.key(seed)
    ks = jax.random.split(key, 12)
    x = jax.random.normal(ks[0], (N, D), dtype=jnp.float32)
    edge_index = jax.random.randint(ks[1], (2, E), 0, N, dtype=jnp.int32)
    batch = jnp.sort(jax.random.randint(ks[2], (N,), 0, G, dtype=jnp.int32))
    s = 0.05
    W1 = jax.random.normal(ks[3], (D, H), dtype=jnp.float32) * s
    b1 = jnp.zeros((H,), dtype=jnp.float32)
    W2 = jax.random.normal(ks[4], (H, H), dtype=jnp.float32) * s
    b2 = jnp.zeros((H,), dtype=jnp.float32)
    Wm1 = jax.random.normal(ks[5], (H, H), dtype=jnp.float32) * s
    bm1 = jnp.zeros((H,), dtype=jnp.float32)
    Wm2 = jax.random.normal(ks[6], (H, C), dtype=jnp.float32) * s
    bm2 = jnp.zeros((C,), dtype=jnp.float32)
    return {"x": x, "edge_index": edge_index, "batch": batch,
            "W1": W1, "b1": b1, "W2": W2, "b2": b2,
            "Wm1": Wm1, "bm1": bm1, "Wm2": Wm2, "bm2": bm2}


def _gcn_conv(x, src, dst, W, b):
    # PyG GCNConv: linear transform, then symmetric-normalized aggregation
    # with self-loops, then bias.
    n = x.shape[0]
    h = x @ W
    ones = jnp.ones(src.shape[0], dtype=x.dtype)
    deg = jnp.zeros((n,), dtype=x.dtype).at[dst].add(ones)
    deg_safe = jnp.where(deg > 0, deg, 1.0)
    dinv = jnp.where(deg > 0, 1.0 / jnp.sqrt(deg_safe), 0.0)
    norm = dinv[src] * dinv[dst]
    msg = h[src] * norm[:, None]
    out = jnp.zeros_like(h).at[dst].add(msg)
    return out + b


def reference(x, edge_index, batch, W1, b1, W2, b2, Wm1, bm1, Wm2, bm2):
    n = x.shape[0]
    loop = jnp.arange(n, dtype=edge_index.dtype)
    src = jnp.concatenate([edge_index[0], loop])
    dst = jnp.concatenate([edge_index[1], loop])
    h = _gcn_conv(x, src, dst, W1, b1)
    h = jax.nn.relu(h)
    # dropout is identity in eval mode
    h = _gcn_conv(h, src, dst, W2, b2)
    # global mean pool over graphs
    sums = jax.ops.segment_sum(h, batch, num_segments=G)
    cnt = jax.ops.segment_sum(jnp.ones((n,), dtype=h.dtype), batch, num_segments=G)
    pooled = sums / jnp.clip(cnt, 1.0)[:, None]
    # graph MLP
    out = jax.nn.relu(pooled @ Wm1 + bm1) @ Wm2 + bm2
    return out

if __name__ == "__main__":
    import jax
    _d = setup_inputs()
    print(jax.jit(kernel)(*tuple(_d.values())))

</pallas_src>

<mosaic_0001>
#map = affine_map<(d0, d1) -> (0, 0)>
#map1 = affine_map<(d0, d1) -> (0, 0, 0)>
module attributes {stable_mosaic.version = 14 : i64} {
  func.func @_deg_body(%arg0: i32, %arg1: i32, %arg2: memref<2560x128xi32, #tpu.memory_space<hbm>>, %arg3: memref<128x128xf32, #tpu.memory_space<hbm>>, %arg4: memref<10240x128xf32, #tpu.memory_space<hbm>>, %arg5: memref<2x10240x128xf32, #tpu.memory_space<hbm>>, %arg6: memref<80x128xi32, #tpu.memory_space<vmem>>, %arg7: memref<128x128xf32, #tpu.memory_space<vmem>>, %arg8: memref<10240x128xf32, #tpu.memory_space<vmem_shared>>, %arg9: memref<!tpu.dma_semaphore, #tpu.memory_space<semaphore_mem>>) attributes {dimension_semantics = [#tpu.dimension_semantics<core_parallel>, #tpu.dimension_semantics<subcore_parallel>], iteration_bounds = array<i64: 2, 16>, scalar_prefetch = 0 : i64, scratch_operands = 4 : i64, tpu.core_type = #tpu.core_type<sc_vector_subcore>, window_params = [{transform_indices = #map}, {transform_indices = #map}, {transform_indices = #map}, {transform_indices = #map1}]} {
    %mul3A = arith.constant 2 : i32
    %mul3A_0 = arith.muli %arg1, %mul3A : i32
    %add3A = arith.addi %mul3A_0, %arg0 : i32
    %mul3A_1 = arith.constant 80 : i32
    %mul3A_2 = arith.muli %add3A, %mul3A_1 : i32
    "tpu.region"() ({
      %run_scoped3A = tpu.sem_alloc : memref<!tpu.dma_semaphore, #tpu.memory_space<semaphore_mem>>
      %dma_start3A = arith.constant 0 : i32
      %dma_start3A_17 = tpu.memref_slice %arg2[%mul3A_2, %dma_start3A] : memref<2560x128xi32, #tpu.memory_space<hbm>> -> memref<80x128xi32, #tpu.memory_space<hbm>>
      %dma_start3A_18 = arith.constant 0 : i32
      %dma_start3A_19 = tpu.memref_slice %arg2[%mul3A_2, %dma_start3A_18] : memref<2560x128xi32, #tpu.memory_space<hbm>> -> memref<80x128xi32, #tpu.memory_space<hbm>>
      tpu.enqueue_dma source(%dma_start3A_19 : memref<80x128xi32, #tpu.memory_space<hbm>>) target(%arg6 : memref<80x128xi32, #tpu.memory_space<vmem>>) target_semaphore(%run_scoped3A : memref<!tpu.dma_semaphore, #tpu.memory_space<semaphore_mem>>)
      %dma_wait3A = arith.constant 0 : i32
      %dma_wait3A_20 = tpu.memref_slice %arg2[%mul3A_2, %dma_wait3A] : memref<2560x128xi32, #tpu.memory_space<hbm>> -> memref<80x128xi32, #tpu.memory_space<hbm>>
      %dma_wait3A_21 = arith.constant 0 : i32
      %dma_wait3A_22 = tpu.memref_slice %arg2[%mul3A_2, %dma_wait3A_21] : memref<2560x128xi32, #tpu.memory_space<hbm>> -> memref<80x128xi32, #tpu.memory_space<hbm>>
      tpu.wait_dma2 semaphore(%run_scoped3A : memref<!tpu.dma_semaphore, #tpu.memory_space<semaphore_mem>>) src(%dma_wait3A_22 : memref<80x128xi32, #tpu.memory_space<hbm>>) dst(%arg6 : memref<80x128xi32, #tpu.memory_space<vmem>>)
      tpu.yield
    }) : () -> ()
    "tpu.region"() ({
      %run_scoped3A = tpu.sem_alloc : memref<!tpu.dma_semaphore, #tpu.memory_space<semaphore_mem>>
      tpu.enqueue_dma source(%arg3 : memref<128x128xf32, #tpu.memory_space<hbm>>) target(%arg7 : memref<128x128xf32, #tpu.memory_space<vmem>>) target_semaphore(%run_scoped3A : memref<!tpu.dma_semaphore, #tpu.memory_space<semaphore_mem>>)
      tpu.wait_dma2 semaphore(%run_scoped3A : memref<!tpu.dma_semaphore, #tpu.memory_space<semaphore_mem>>) src(%arg3 : memref<128x128xf32, #tpu.memory_space<hbm>>) dst(%arg7 : memref<128x128xf32, #tpu.memory_space<vmem>>)
      tpu.yield
    }) : () -> ()
    %mul3A_3 = arith.constant 640 : i32
    %mul3A_4 = arith.muli %arg1, %mul3A_3 : i32
    %mul3A_5 = arith.constant 640 : i32
    %mul3A_6 = arith.muli %arg1, %mul3A_5 : i32
    "tpu.region"() ({
      %run_scoped3A = tpu.sem_alloc : memref<!tpu.dma_semaphore, #tpu.memory_space<semaphore_mem>>
      %dma_start3A = arith.constant 0 : i32
      %dma_start3A_17 = tpu.memref_slice %arg8[%mul3A_6, %dma_start3A] : memref<10240x128xf32, #tpu.memory_space<vmem_shared>> -> memref<640x128xf32, #tpu.memory_space<vmem_shared>>
      %dma_start3A_18 = arith.constant 0 : i32
      %dma_start3A_19 = tpu.memref_slice %arg4[%mul3A_4, %dma_start3A_18] : memref<10240x128xf32, #tpu.memory_space<hbm>> -> memref<640x128xf32, #tpu.memory_space<hbm>>
      tpu.enqueue_dma source(%dma_start3A_19 : memref<640x128xf32, #tpu.memory_space<hbm>>) target(%dma_start3A_17 : memref<640x128xf32, #tpu.memory_space<vmem_shared>>) target_semaphore(%run_scoped3A : memref<!tpu.dma_semaphore, #tpu.memory_space<semaphore_mem>>)
      %dma_wait3A = arith.constant 0 : i32
      %dma_wait3A_20 = tpu.memref_slice %arg8[%mul3A_6, %dma_wait3A] : memref<10240x128xf32, #tpu.memory_space<vmem_shared>> -> memref<640x128xf32, #tpu.memory_space<vmem_shared>>
      %dma_wait3A_21 = arith.constant 0 : i32
      %dma_wait3A_22 = tpu.memref_slice %arg4[%mul3A_4, %dma_wait3A_21] : memref<10240x128xf32, #tpu.memory_space<hbm>> -> memref<640x128xf32, #tpu.memory_space<hbm>>
      tpu.wait_dma2 semaphore(%run_scoped3A : memref<!tpu.dma_semaphore, #tpu.memory_space<semaphore_mem>>) src(%dma_wait3A_22 : memref<640x128xf32, #tpu.memory_space<hbm>>) dst(%dma_wait3A_20 : memref<640x128xf32, #tpu.memory_space<vmem_shared>>)
      tpu.yield
    }) : () -> ()
    %barrier3A = arith.constant 0 : index
    tpu.barrier barrier_id(%barrier3A)
    %scan3A = arith.constant 0 : i32
    %scan3A_7 = arith.constant 0 : i32
    %scan3A_8 = arith.constant 80 : i32
    %scan3A_9 = arith.addi %scan3A_7, %scan3A_8 : i32
    %scan3A_10 = arith.constant 1 : i32
    scf.for %scan3A_17 = %scan3A_7 to %scan3A_9 step %scan3A_10  : i32 {
      "tpu.region"() ({
        %run_scoped3A = tpu.sem_alloc : memref<!tpu.dma_semaphore, #tpu.memory_space<semaphore_mem>>
        %dma_start3A = arith.constant 0 : i32
        %dma_start3A_18 = tpu.memref_slice %arg6[%scan3A_17, %dma_start3A] : memref<80x128xi32, #tpu.memory_space<vmem>> -> memref<1x128xi32, #tpu.memory_space<vmem>>
        %dma_start3A_19 = tpu.memref_squeeze %dma_start3A_18 : memref<1x128xi32, #tpu.memory_space<vmem>> -> memref<128xi32, #tpu.memory_space<vmem>>
        %dma_start3A_20 = arith.constant 0 : i32
        %dma_start3A_21 = arith.constant 0 : i32
        %dma_start3A_22 = tpu.memref_slice %arg8[%dma_start3A_20, %dma_start3A_21] : memref<10240x128xf32, #tpu.memory_space<vmem_shared>> -> memref<10240x128xf32, #tpu.memory_space<vmem_shared>>
        tpu.enqueue_indirect_dma source(%arg7 : memref<128x128xf32, #tpu.memory_space<vmem>>) target(%dma_start3A_22 : memref<10240x128xf32, #tpu.memory_space<vmem_shared>>) offsets(%dma_start3A_19 : memref<128xi32, #tpu.memory_space<vmem>>) semaphore(%run_scoped3A : memref<!tpu.dma_semaphore, #tpu.memory_space<semaphore_mem>>) {add = true}
        %dma_wait3A = arith.constant 0 : i32
        %dma_wait3A_23 = tpu.memref_slice %arg6[%scan3A_17, %dma_wait3A] : memref<80x128xi32, #tpu.memory_space<vmem>> -> memref<1x128xi32, #tpu.memory_space<vmem>>
        %dma_wait3A_24 = tpu.memref_squeeze %dma_wait3A_23 : memref<1x128xi32, #tpu.memory_space<vmem>> -> memref<128xi32, #tpu.memory_space<vmem>>
        %dma_wait3A_25 = arith.constant 0 : i32
        %dma_wait3A_26 = arith.constant 0 : i32
        %dma_wait3A_27 = tpu.memref_slice %arg8[%dma_wait3A_25, %dma_wait3A_26] : memref<10240x128xf32, #tpu.memory_space<vmem_shared>> -> memref<10240x128xf32, #tpu.memory_space<vmem_shared>>
        tpu.wait_indirect_dma semaphore(%run_scoped3A : memref<!tpu.dma_semaphore, #tpu.memory_space<semaphore_mem>>) src(%arg7 : memref<128x128xf32, #tpu.memory_space<vmem>>) dst(%dma_wait3A_27 : memref<10240x128xf32, #tpu.memory_space<vmem_shared>>)
        tpu.yield
      }) : () -> ()
    }
    %scan3A_11 = arith.constant 80 : i32
    %barrier3A_12 = arith.constant 0 : index
    tpu.barrier barrier_id(%barrier3A_12)
    %mul3A_13 = arith.constant 640 : i32
    %mul3A_14 = arith.muli %arg1, %mul3A_13 : i32
    %mul3A_15 = arith.constant 640 : i32
    %mul3A_16 = arith.muli %arg1, %mul3A_15 : i32
    "tpu.region"() ({
      %run_scoped3A = tpu.sem_alloc : memref<!tpu.dma_semaphore, #tpu.memory_space<semaphore_mem>>
      %dma_start3A = arith.constant 0 : i32
      %dma_start3A_17 = tpu.memref_slice %arg5[%arg0, %mul3A_16, %dma_start3A] : memref<2x10240x128xf32, #tpu.memory_space<hbm>> -> memref<1x640x128xf32, #tpu.memory_space<hbm>>
      %dma_start3A_18 = tpu.memref_squeeze %dma_start3A_17 : memref<1x640x128xf32, #tpu.memory_space<hbm>> -> memref<640x128xf32, #tpu.memory_space<hbm>>
      %dma_start3A_19 = arith.constant 0 : i32
      %dma_start3A_20 = tpu.memref_slice %arg8[%mul3A_14, %dma_start3A_19] : memref<10240x128xf32, #tpu.memory_space<vmem_shared>> -> memref<640x128xf32, #tpu.memory_space<vmem_shared>>
      tpu.enqueue_dma source(%dma_start3A_20 : memref<640x128xf32, #tpu.memory_space<vmem_shared>>) target(%dma_start3A_18 : memref<640x128xf32, #tpu.memory_space<hbm>>) target_semaphore(%run_scoped3A : memref<!tpu.dma_semaphore, #tpu.memory_space<semaphore_mem>>)
      %dma_wait3A = arith.constant 0 : i32
      %dma_wait3A_21 = tpu.memref_slice %arg5[%arg0, %mul3A_16, %dma_wait3A] : memref<2x10240x128xf32, #tpu.memory_space<hbm>> -> memref<1x640x128xf32, #tpu.memory_space<hbm>>
      %dma_wait3A_22 = tpu.memref_squeeze %dma_wait3A_21 : memref<1x640x128xf32, #tpu.memory_space<hbm>> -> memref<640x128xf32, #tpu.memory_space<hbm>>
      %dma_wait3A_23 = arith.constant 0 : i32
      %dma_wait3A_24 = tpu.memref_slice %arg8[%mul3A_14, %dma_wait3A_23] : memref<10240x128xf32, #tpu.memory_space<vmem_shared>> -> memref<640x128xf32, #tpu.memory_space<vmem_shared>>
      tpu.wait_dma2 semaphore(%run_scoped3A : memref<!tpu.dma_semaphore, #tpu.memory_space<semaphore_mem>>) src(%dma_wait3A_24 : memref<640x128xf32, #tpu.memory_space<vmem_shared>>) dst(%dma_wait3A_22 : memref<640x128xf32, #tpu.memory_space<hbm>>)
      tpu.yield
    }) : () -> ()
    return
  }
}

#map = affine_map<(d0, d1) -> (0, 0)>
#map1 = affine_map<(d0, d1) -> (0, 0, 0)>
module attributes {stable_mosaic.version = 14 : i64} {
  func.func @_agg_body(%arg0: i32, %arg1: i32, %arg2: memref<10240x128xf32, #tpu.memory_space<hbm>>, %arg3: memref<2560x2x128xi32, #tpu.memory_space<hbm>>, %arg4: memref<2x10240x128xf32, #tpu.memory_space<hbm>>, %arg5: memref<4x2x128xi32, #tpu.memory_space<vmem>>, %arg6: memref<128x128xf32, #tpu.memory_space<vmem>>, %arg7: memref<128x128xf32, #tpu.memory_space<vmem>>, %arg8: memref<10240x128xf32, #tpu.memory_space<vmem_shared>>, %arg9: memref<!tpu.dma_semaphore, #tpu.memory_space<semaphore_mem>>, %arg10: memref<!tpu.dma_semaphore, #tpu.memory_space<semaphore_mem>>, %arg11: memref<!tpu.dma_semaphore, #tpu.memory_space<semaphore_mem>>) attributes {dimension_semantics = [#tpu.dimension_semantics<core_parallel>, #tpu.dimension_semantics<subcore_parallel>], iteration_bounds = array<i64: 2, 16>, scalar_prefetch = 0 : i64, scratch_operands = 7 : i64, tpu.core_type = #tpu.core_type<sc_vector_subcore>, window_params = [{transform_indices = #map}, {transform_indices = #map1}, {transform_indices = #map1}]} {
    %eq3A = arith.constant 0 : i32
    %eq3A_0 = arith.cmpi eq, %arg0, %eq3A : i32
    %mul3A = arith.constant 140 : i32
    %mul3A_1 = arith.muli %arg1, %mul3A : i32
    %mul3A_2 = arith.constant 20 : i32
    %mul3A_3 = arith.muli %arg1, %mul3A_2 : i32
    %add3A = arith.constant 2240 : i32
    %add3A_4 = arith.addi %add3A, %mul3A_3 : i32
    %select_n3A = arith.select %eq3A_0, %mul3A_1, %add3A_4 : i32
    %eq3A_5 = arith.constant 0 : i32
    %eq3A_6 = arith.cmpi eq, %arg0, %eq3A_5 : i32
    %jit3A = arith.constant 140 : i32
    %jit3A_7 = arith.constant 20 : i32
    %select_n3A_8 = arith.select %eq3A_6, %jit3A, %jit3A_7 : i32
    %jit3A_9 = arith.constant 2 : i32
    %div3A = arith.divsi %select_n3A_8, %jit3A_9 : i32
    %sign3A = arith.constant 0 : i32
    %sign3A_10 = arith.cmpi sgt, %select_n3A_8, %sign3A : i32
    %sign3A_11 = arith.extui %sign3A_10 : i1 to i32
    %sign3A_12 = arith.constant 0 : i32
    %sign3A_13 = arith.cmpi slt, %select_n3A_8, %sign3A_12 : i32
    %sign3A_14 = arith.extui %sign3A_13 : i1 to i32
    %sign3A_15 = arith.subi %sign3A_11, %sign3A_14 : i32
    %sign3A_16 = arith.constant 0 : i32
    %sign3A_17 = arith.cmpi sgt, %jit3A_9, %sign3A_16 : i32
    %sign3A_18 = arith.extui %sign3A_17 : i1 to i32
    %sign3A_19 = arith.constant 0 : i32
    %sign3A_20 = arith.cmpi slt, %jit3A_9, %sign3A_19 : i32
    %sign3A_21 = arith.extui %sign3A_20 : i1 to i32
    %sign3A_22 = arith.subi %sign3A_18, %sign3A_21 : i32
    %ne3A = arith.cmpi ne, %sign3A_15, %sign3A_22 : i32
    %rem3A = arith.remsi %select_n3A_8, %jit3A_9 : i32
    %ne3A_23 = arith.constant 0 : i32
    %ne3A_24 = arith.cmpi ne, %rem3A, %ne3A_23 : i32
    %and3A = arith.andi %ne3A, %ne3A_24 : i1
    %sub3A = arith.constant 1 : i32
    %sub3A_25 = arith.subi %div3A, %sub3A : i32
    %select_n3A_26 = arith.select %and3A, %sub3A_25, %div3A : i32
    %scan3A = arith.constant 0 : i32
    %scan3A_27 = arith.constant 0 : i32
    %scan3A_28 = arith.constant 128 : i32
    %scan3A_29 = arith.addi %scan3A_27, %scan3A_28 : i32
    %scan3A_30 = arith.constant 1 : i32
    scf.for %scan3A_68 = %scan3A_27 to %scan3A_29 step %scan3A_30  : i32 {
      %broadcast_in_dim3A = arith.constant 0.000000e+00 : f32
      %broadcast_in_dim3A_69 = vector.broadcast %broadcast_in_dim3A : f32 to vector<16xf32>
      %swap3A = arith.index_cast %scan3A_68 : i32 to index
      %swap3A_70 = arith.constant 0 : index
      %swap3A_71 = tpu.vector_load %arg6[%swap3A, %swap3A_70] {strides = array<i32>} : memref<128x128xf32, #tpu.memory_space<vmem>>, vector<1x16xf32>,
      %swap3A_72 = vector.shape_cast %swap3A_71 : vector<1x16xf32> to vector<16xf32>
      %swap3A_73 = vector.shape_cast %broadcast_in_dim3A_69 : vector<16xf32> to vector<1x16xf32>
      tpu.vector_store %arg6[%swap3A, %swap3A_70], %swap3A_73 {strides = array<i32>} : memref<128x128xf32, #tpu.memory_space<vmem>>, vector<1x16xf32>,
      %broadcast_in_dim3A_74 = arith.constant 0.000000e+00 : f32
      %broadcast_in_dim3A_75 = vector.broadcast %broadcast_in_dim3A_74 : f32 to vector<16xf32>
      %swap3A_76 = arith.index_cast %scan3A_68 : i32 to index
      %swap3A_77 = arith.constant 16 : index
      %swap3A_78 = tpu.vector_load %arg6[%swap3A_76, %swap3A_77] {strides = array<i32>} : memref<128x128xf32, #tpu.memory_space<vmem>>, vector<1x16xf32>,
      %swap3A_79 = vector.shape_cast %swap3A_78 : vector<1x16xf32> to vector<16xf32>
      %swap3A_80 = vector.shape_cast %broadcast_in_dim3A_75 : vector<16xf32> to vector<1x16xf32>
      tpu.vector_store %arg6[%swap3A_76, %swap3A_77], %swap3A_80 {strides = array<i32>} : memref<128x128xf32, #tpu.memory_space<vmem>>, vector<1x16xf32>,
      %broadcast_in_dim3A_81 = arith.constant 0.000000e+00 : f32
      %broadcast_in_dim3A_82 = vector.broadcast %broadcast_in_dim3A_81 : f32 to vector<16xf32>
      %swap3A_83 = arith.index_cast %scan3A_68 : i32 to index
      %swap3A_84 = arith.constant 32 : index
      %swap3A_85 = tpu.vector_load %arg6[%swap3A_83, %swap3A_84] {strides = array<i32>} : memref<128x128xf32, #tpu.memory_space<vmem>>, vector<1x16xf32>,
      %swap3A_86 = vector.shape_cast %swap3A_85 : vector<1x16xf32> to vector<16xf32>
      %swap3A_87 = vector.shape_cast %broadcast_in_dim3A_82 : vector<16xf32> to vector<1x16xf32>
      tpu.vector_store %arg6[%swap3A_83, %swap3A_84], %swap3A_87 {strides = array<i32>} : memref<128x128xf32, #tpu.memory_space<vmem>>, vector<1x16xf32>,
      %broadcast_in_dim3A_88 = arith.constant 0.000000e+00 : f32
      %broadcast_in_dim3A_89 = vector.broadcast %broadcast_in_dim3A_88 : f32 to vector<16xf32>
      %swap3A_90 = arith.index_cast %scan3A_68 : i32 to index
      %swap3A_91 = arith.constant 48 : index
      %swap3A_92 = tpu.vector_load %arg6[%swap3A_90, %swap3A_91] {strides = array<i32>} : memref<128x128xf32, #tpu.memory_space<vmem>>, vector<1x16xf32>,
      %swap3A_93 = vector.shape_cast %swap3A_92 : vector<1x16xf32> to vector<16xf32>
      %swap3A_94 = vector.shape_cast %broadcast_in_dim3A_89 : vector<16xf32> to vector<1x16xf32>
      tpu.vector_store %arg6[%swap3A_90, %swap3A_91], %swap3A_94 {strides = array<i32>} : memref<128x128xf32, #tpu.memory_space<vmem>>, vector<1x16xf32>,
      %broadcast_in_dim3A_95 = arith.constant 0.000000e+00 : f32
      %broadcast_in_dim3A_96 = vector.broadcast %broadcast_in_dim3A_95 : f32 to vector<16xf32>
      %swap3A_97 = arith.index_cast %scan3A_68 : i32 to index
      %swap3A_98 = arith.constant 64 : index
      %swap3A_99 = tpu.vector_load %arg6[%swap3A_97, %swap3A_98] {strides = array<i32>} : memref<128x128xf32, #tpu.memory_space<vmem>>, vector<1x16xf32>,
      %swap3A_100 = vector.shape_cast %swap3A_99 : vector<1x16xf32> to vector<16xf32>
      %swap3A_101 = vector.shape_cast %broadcast_in_dim3A_96 : vector<16xf32> to vector<1x16xf32>
      tpu.vector_store %arg6[%swap3A_97, %swap3A_98], %swap3A_101 {strides = array<i32>} : memref<128x128xf32, #tpu.memory_space<vmem>>, vector<1x16xf32>,
      %broadcast_in_dim3A_102 = arith.constant 0.000000e+00 : f32
      %broadcast_in_dim3A_103 = vector.broadcast %broadcast_in_dim3A_102 : f32 to vector<16xf32>
      %swap3A_104 = arith.index_cast %scan3A_68 : i32 to index
      %swap3A_105 = arith.constant 80 : index
      %swap3A_106 = tpu.vector_load %arg6[%swap3A_104, %swap3A_105] {strides = array<i32>} : memref<128x128xf32, #tpu.memory_space<vmem>>, vector<1x16xf32>,
      %swap3A_107 = vector.shape_cast %swap3A_106 : vector<1x16xf32> to vector<16xf32>
      %swap3A_108 = vector.shape_cast %broadcast_in_dim3A_103 : vector<16xf32> to vector<1x16xf32>
      tpu.vector_store %arg6[%swap3A_104, %swap3A_105], %swap3A_108 {strides = array<i32>} : memref<128x128xf32, #tpu.memory_space<vmem>>, vector<1x16xf32>,
      %broadcast_in_dim3A_109 = arith.constant 0.000000e+00 : f32
      %broadcast_in_dim3A_110 = vector.broadcast %broadcast_in_dim3A_109 : f32 to vector<16xf32>
      %swap3A_111 = arith.index_cast %scan3A_68 : i32 to index
      %swap3A_112 = arith.constant 96 : index
      %swap3A_113 = tpu.vector_load %arg6[%swap3A_111, %swap3A_112] {strides = array<i32>} : memref<128x128xf32, #tpu.memory_space<vmem>>, vector<1x16xf32>,
      %swap3A_114 = vector.shape_cast %swap3A_113 : vector<1x16xf32> to vector<16xf32>
      %swap3A_115 = vector.shape_cast %broadcast_in_dim3A_110 : vector<16xf32> to vector<1x16xf32>
      tpu.vector_store %arg6[%swap3A_111, %swap3A_112], %swap3A_115 {strides = array<i32>} : memref<128x128xf32, #tpu.memory_space<vmem>>, vector<1x16xf32>,
      %broadcast_in_dim3A_116 = arith.constant 0.000000e+00 : f32
      %broadcast_in_dim3A_117 = vector.broadcast %broadcast_in_dim3A_116 : f32 to vector<16xf32>
      %swap3A_118 = arith.index_cast %scan3A_68 : i32 to index
      %swap3A_119 = arith.constant 112 : index
      %swap3A_120 = tpu.vector_load %arg6[%swap3A_118, %swap3A_119] {strides = array<i32>} : memref<128x128xf32, #tpu.memory_space<vmem>>, vector<1x16xf32>,
      %swap3A_121 = vector.shape_cast %swap3A_120 : vector<1x16xf32> to vector<16xf32>
      %swap3A_122 = vector.shape_cast %broadcast_in_dim3A_117 : vector<16xf32> to vector<1x16xf32>
      tpu.vector_store %arg6[%swap3A_118, %swap3A_119], %swap3A_122 {strides = array<i32>} : memref<128x128xf32, #tpu.memory_space<vmem>>, vector<1x16xf32>,
    }
    %scan3A_31 = arith.constant 128 : i32
    %mul3A_32 = arith.constant 640 : i32
    %mul3A_33 = arith.muli %arg1, %mul3A_32 : i32
    %add3A_34 = arith.constant 0 : i32
    %add3A_35 = arith.addi %mul3A_33, %add3A_34 : i32
    "tpu.region"() ({
      %run_scoped3A = tpu.sem_alloc : memref<!tpu.dma_semaphore, #tpu.memory_space<semaphore_mem>>
      %dma_start3A = arith.constant 0 : i32
      %dma_start3A_68 = tpu.memref_slice %arg8[%add3A_35, %dma_start3A] : memref<10240x128xf32, #tpu.memory_space<vmem_shared>> -> memref<128x128xf32, #tpu.memory_space<vmem_shared>>
      %dma_start3A_69 = arith.constant 0 : i32
      %dma_start3A_70 = tpu.memref_slice %arg8[%add3A_35, %dma_start3A_69] : memref<10240x128xf32, #tpu.memory_space<vmem_shared>> -> memref<128x128xf32, #tpu.memory_space<vmem_shared>>
      tpu.enqueue_dma source(%arg6 : memref<128x128xf32, #tpu.memory_space<vmem>>) target(%dma_start3A_70 : memref<128x128xf32, #tpu.memory_space<vmem_shared>>) target_semaphore(%run_scoped3A : memref<!tpu.dma_semaphore, #tpu.memory_space<semaphore_mem>>)
      %dma_wait3A = arith.constant 0 : i32
      %dma_wait3A_71 = tpu.memref_slice %arg8[%add3A_35, %dma_wait3A] : memref<10240x128xf32, #tpu.memory_space<vmem_shared>> -> memref<128x128xf32, #tpu.memory_space<vmem_shared>>
      %dma_wait3A_72 = arith.constant 0 : i32
      %dma_wait3A_73 = tpu.memref_slice %arg8[%add3A_35, %dma_wait3A_72] : memref<10240x128xf32, #tpu.memory_space<vmem_shared>> -> memref<128x128xf32, #tpu.memory_space<vmem_shared>>
      tpu.wait_dma2 semaphore(%run_scoped3A : memref<!tpu.dma_semaphore, #tpu.memory_space<semaphore_mem>>) src(%arg6 : memref<128x128xf32, #tpu.memory_space<vmem>>) dst(%dma_wait3A_73 : memref<128x128xf32, #tpu.memory_space<vmem_shared>>)
      tpu.yield
    }) : () -> ()
    %mul3A_36 = arith.constant 640 : i32
    %mul3A_37 = arith.muli %arg1, %mul3A_36 : i32
    %add3A_38 = arith.constant 128 : i32
    %add3A_39 = arith.addi %mul3A_37, %add3A_38 : i32
    "tpu.region"() ({
      %run_scoped3A = tpu.sem_alloc : memref<!tpu.dma_semaphore, #tpu.memory_space<semaphore_mem>>
      %dma_start3A = arith.constant 0 : i32
      %dma_start3A_68 = tpu.memref_slice %arg8[%add3A_39, %dma_start3A] : memref<10240x128xf32, #tpu.memory_space<vmem_shared>> -> memref<128x128xf32, #tpu.memory_space<vmem_shared>>
      %dma_start3A_69 = arith.constant 0 : i32
      %dma_start3A_70 = tpu.memref_slice %arg8[%add3A_39, %dma_start3A_69] : memref<10240x128xf32, #tpu.memory_space<vmem_shared>> -> memref<128x128xf32, #tpu.memory_space<vmem_shared>>
      tpu.enqueue_dma source(%arg6 : memref<128x128xf32, #tpu.memory_space<vmem>>) target(%dma_start3A_70 : memref<128x128xf32, #tpu.memory_space<vmem_shared>>) target_semaphore(%run_scoped3A : memref<!tpu.dma_semaphore, #tpu.memory_space<semaphore_mem>>)
      %dma_wait3A = arith.constant 0 : i32
      %dma_wait3A_71 = tpu.memref_slice %arg8[%add3A_39, %dma_wait3A] : memref<10240x128xf32, #tpu.memory_space<vmem_shared>> -> memref<128x128xf32, #tpu.memory_space<vmem_shared>>
      %dma_wait3A_72 = arith.constant 0 : i32
      %dma_wait3A_73 = tpu.memref_slice %arg8[%add3A_39, %dma_wait3A_72] : memref<10240x128xf32, #tpu.memory_space<vmem_shared>> -> memref<128x128xf32, #tpu.memory_space<vmem_shared>>
      tpu.wait_dma2 semaphore(%run_scoped3A : memref<!tpu.dma_semaphore, #tpu.memory_space<semaphore_mem>>) src(%arg6 : memref<128x128xf32, #tpu.memory_space<vmem>>) dst(%dma_wait3A_73 : memref<128x128xf32, #tpu.memory_space<vmem_shared>>)
      tpu.yield
    }) : () -> ()
    %mul3A_40 = arith.constant 640 : i32
    %mul3A_41 = arith.muli %arg1, %mul3A_40 : i32
    %add3A_42 = arith.constant 256 : i32
    %add3A_43 = arith.addi %mul3A_41, %add3A_42 : i32
    "tpu.region"() ({
      %run_scoped3A = tpu.sem_alloc : memref<!tpu.dma_semaphore, #tpu.memory_space<semaphore_mem>>
      %dma_start3A = arith.constant 0 : i32
      %dma_start3A_68 = tpu.memref_slice %arg8[%add3A_43, %dma_start3A] : memref<10240x128xf32, #tpu.memory_space<vmem_shared>> -> memref<128x128xf32, #tpu.memory_space<vmem_shared>>
      %dma_start3A_69 = arith.constant 0 : i32
      %dma_start3A_70 = tpu.memref_slice %arg8[%add3A_43, %dma_start3A_69] : memref<10240x128xf32, #tpu.memory_space<vmem_shared>> -> memref<128x128xf32, #tpu.memory_space<vmem_shared>>
      tpu.enqueue_dma source(%arg6 : memref<128x128xf32, #tpu.memory_space<vmem>>) target(%dma_start3A_70 : memref<128x128xf32, #tpu.memory_space<vmem_shared>>) target_semaphore(%run_scoped3A : memref<!tpu.dma_semaphore, #tpu.memory_space<semaphore_mem>>)
      %dma_wait3A = arith.constant 0 : i32
      %dma_wait3A_71 = tpu.memref_slice %arg8[%add3A_43, %dma_wait3A] : memref<10240x128xf32, #tpu.memory_space<vmem_shared>> -> memref<128x128xf32, #tpu.memory_space<vmem_shared>>
      %dma_wait3A_72 = arith.constant 0 : i32
      %dma_wait3A_73 = tpu.memref_slice %arg8[%add3A_43, %dma_wait3A_72] : memref<10240x128xf32, #tpu.memory_space<vmem_shared>> -> memref<128x128xf32, #tpu.memory_space<vmem_shared>>
      tpu.wait_dma2 semaphore(%run_scoped3A : memref<!tpu.dma_semaphore, #tpu.memory_space<semaphore_mem>>) src(%arg6 : memref<128x128xf32, #tpu.memory_space<vmem>>) dst(%dma_wait3A_73 : memref<128x128xf32, #tpu.memory_space<vmem_shared>>)
      tpu.yield
    }) : () -> ()
    %mul3A_44 = arith.constant 640 : i32
    %mul3A_45 = arith.muli %arg1, %mul3A_44 : i32
    %add3A_46 = arith.constant 384 : i32
    %add3A_47 = arith.addi %mul3A_45, %add3A_46 : i32
    "tpu.region"() ({
      %run_scoped3A = tpu.sem_alloc : memref<!tpu.dma_semaphore, #tpu.memory_space<semaphore_mem>>
      %dma_start3A = arith.constant 0 : i32
      %dma_start3A_68 = tpu.memref_slice %arg8[%add3A_47, %dma_start3A] : memref<10240x128xf32, #tpu.memory_space<vmem_shared>> -> memref<128x128xf32, #tpu.memory_space<vmem_shared>>
      %dma_start3A_69 = arith.constant 0 : i32
      %dma_start3A_70 = tpu.memref_slice %arg8[%add3A_47, %dma_start3A_69] : memref<10240x128xf32, #tpu.memory_space<vmem_shared>> -> memref<128x128xf32, #tpu.memory_space<vmem_shared>>
      tpu.enqueue_dma source(%arg6 : memref<128x128xf32, #tpu.memory_space<vmem>>) target(%dma_start3A_70 : memref<128x128xf32, #tpu.memory_space<vmem_shared>>) target_semaphore(%run_scoped3A : memref<!tpu.dma_semaphore, #tpu.memory_space<semaphore_mem>>)
      %dma_wait3A = arith.constant 0 : i32
      %dma_wait3A_71 = tpu.memref_slice %arg8[%add3A_47, %dma_wait3A] : memref<10240x128xf32, #tpu.memory_space<vmem_shared>> -> memref<128x128xf32, #tpu.memory_space<vmem_shared>>
      %dma_wait3A_72 = arith.constant 0 : i32
      %dma_wait3A_73 = tpu.memref_slice %arg8[%add3A_47, %dma_wait3A_72] : memref<10240x128xf32, #tpu.memory_space<vmem_shared>> -> memref<128x128xf32, #tpu.memory_space<vmem_shared>>
      tpu.wait_dma2 semaphore(%run_scoped3A : memref<!tpu.dma_semaphore, #tpu.memory_space<semaphore_mem>>) src(%arg6 : memref<128x128xf32, #tpu.memory_space<vmem>>) dst(%dma_wait3A_73 : memref<128x128xf32, #tpu.memory_space<vmem_shared>>)
      tpu.yield
    }) : () -> ()
    %mul3A_48 = arith.constant 640 : i32
    %mul3A_49 = arith.muli %arg1, %mul3A_48 : i32
    %add3A_50 = arith.constant 512 : i32
    %add3A_51 = arith.addi %mul3A_49, %add3A_50 : i32
    "tpu.region"() ({
      %run_scoped3A = tpu.sem_alloc : memref<!tpu.dma_semaphore, #tpu.memory_space<semaphore_mem>>
      %dma_start3A = arith.constant 0 : i32
      %dma_start3A_68 = tpu.memref_slice %arg8[%add3A_51, %dma_start3A] : memref<10240x128xf32, #tpu.memory_space<vmem_shared>> -> memref<128x128xf32, #tpu.memory_space<vmem_shared>>
      %dma_start3A_69 = arith.constant 0 : i32
      %dma_start3A_70 = tpu.memref_slice %arg8[%add3A_51, %dma_start3A_69] : memref<10240x128xf32, #tpu.memory_space<vmem_shared>> -> memref<128x128xf32, #tpu.memory_space<vmem_shared>>
      tpu.enqueue_dma source(%arg6 : memref<128x128xf32, #tpu.memory_space<vmem>>) target(%dma_start3A_70 : memref<128x128xf32, #tpu.memory_space<vmem_shared>>) target_semaphore(%run_scoped3A : memref<!tpu.dma_semaphore, #tpu.memory_space<semaphore_mem>>)
      %dma_wait3A = arith.constant 0 : i32
      %dma_wait3A_71 = tpu.memref_slice %arg8[%add3A_51, %dma_wait3A] : memref<10240x128xf32, #tpu.memory_space<vmem_shared>> -> memref<128x128xf32, #tpu.memory_space<vmem_shared>>
      %dma_wait3A_72 = arith.constant 0 : i32
      %dma_wait3A_73 = tpu.memref_slice %arg8[%add3A_51, %dma_wait3A_72] : memref<10240x128xf32, #tpu.memory_space<vmem_shared>> -> memref<128x128xf32, #tpu.memory_space<vmem_shared>>
      tpu.wait_dma2 semaphore(%run_scoped3A : memref<!tpu.dma_semaphore, #tpu.memory_space<semaphore_mem>>) src(%arg6 : memref<128x128xf32, #tpu.memory_space<vmem>>) dst(%dma_wait3A_73 : memref<128x128xf32, #tpu.memory_space<vmem_shared>>)
      tpu.yield
    }) : () -> ()
    %barrier3A = arith.constant 0 : index
    tpu.barrier barrier_id(%barrier3A)
    %gt3A = arith.constant 0 : i32
    %gt3A_52 = arith.cmpi sgt, %select_n3A_8, %gt3A : i32
    %convert_element_type3A = arith.extui %gt3A_52 : i1 to i32
    %cond3A = arith.constant 0 : i32
    %cond3A_53 = arith.cmpi ne, %convert_element_type3A, %cond3A : i32
    scf.if %cond3A_53 {
      "tpu.region"() ({
        %run_scoped3A = tpu.sem_alloc : memref<!tpu.dma_semaphore, #tpu.memory_space<semaphore_mem>>
        %dma_start3A_127 = arith.constant 0 : i32
        %dma_start3A_128 = arith.constant 0 : i32
        %dma_start3A_129 = arith.constant 0 : i32
        %dma_start3A_130 = tpu.memref_slice %arg5[%dma_start3A_127, %dma_start3A_128, %dma_start3A_129] : memref<4x2x128xi32, #tpu.memory_space<vmem>> -> memref<2x2x128xi32, #tpu.memory_space<vmem>>
        %dma_start3A_131 = arith.constant 0 : i32
        %dma_start3A_132 = arith.constant 0 : i32
        %dma_start3A_133 = tpu.memref_slice %arg3[%select_n3A, %dma_start3A_131, %dma_start3A_132] : memref<2560x2x128xi32, #tpu.memory_space<hbm>> -> memref<2x2x128xi32, #tpu.memory_space<hbm>>
        %dma_start3A_134 = arith.constant 0 : i32
        %dma_start3A_135 = arith.constant 0 : i32
        %dma_start3A_136 = arith.constant 0 : i32
        %dma_start3A_137 = tpu.memref_slice %arg5[%dma_start3A_134, %dma_start3A_135, %dma_start3A_136] : memref<4x2x128xi32, #tpu.memory_space<vmem>> -> memref<2x2x128xi32, #tpu.memory_space<vmem>>
        %dma_start3A_138 = arith.constant 0 : i32
        %dma_start3A_139 = arith.constant 0 : i32
        %dma_start3A_140 = tpu.memref_slice %arg3[%select_n3A, %dma_start3A_138, %dma_start3A_139] : memref<2560x2x128xi32, #tpu.memory_space<hbm>> -> memref<2x2x128xi32, #tpu.memory_space<hbm>>
        tpu.enqueue_dma source(%dma_start3A_140 : memref<2x2x128xi32, #tpu.memory_space<hbm>>) target(%dma_start3A_137 : memref<2x2x128xi32, #tpu.memory_space<vmem>>) target_semaphore(%run_scoped3A : memref<!tpu.dma_semaphore, #tpu.memory_space<semaphore_mem>>)
        %dma_wait3A = arith.constant 0 : i32
        %dma_wait3A_141 = arith.constant 0 : i32
        %dma_wait3A_142 = arith.constant 0 : i32
        %dma_wait3A_143 = tpu.memref_slice %arg5[%dma_wait3A, %dma_wait3A_141, %dma_wait3A_142] : memref<4x2x128xi32, #tpu.memory_space<vmem>> -> memref<2x2x128xi32, #tpu.memory_space<vmem>>
        %dma_wait3A_144 = arith.constant 0 : i32
        %dma_wait3A_145 = arith.constant 0 : i32
        %dma_wait3A_146 = tpu.memref_slice %arg3[%select_n3A, %dma_wait3A_144, %dma_wait3A_145] : memref<2560x2x128xi32, #tpu.memory_space<hbm>> -> memref<2x2x128xi32, #tpu.memory_space<hbm>>
        %dma_wait3A_147 = arith.constant 0 : i32
        %dma_wait3A_148 = arith.constant 0 : i32
        %dma_wait3A_149 = arith.constant 0 : i32
        %dma_wait3A_150 = tpu.memref_slice %arg5[%dma_wait3A_147, %dma_wait3A_148, %dma_wait3A_149] : memref<4x2x128xi32, #tpu.memory_space<vmem>> -> memref<2x2x128xi32, #tpu.memory_space<vmem>>
        %dma_wait3A_151 = arith.constant 0 : i32
        %dma_wait3A_152 = arith.constant 0 : i32
        %dma_wait3A_153 = tpu.memref_slice %arg3[%select_n3A, %dma_wait3A_151, %dma_wait3A_152] : memref<2560x2x128xi32, #tpu.memory_space<hbm>> -> memref<2x2x128xi32, #tpu.memory_space<hbm>>
        tpu.wait_dma2 semaphore(%run_scoped3A : memref<!tpu.dma_semaphore, #tpu.memory_space<semaphore_mem>>) src(%dma_wait3A_153 : memref<2x2x128xi32, #tpu.memory_space<hbm>>) dst(%dma_wait3A_150 : memref<2x2x128xi32, #tpu.memory_space<vmem>>)
        tpu.yield
      }) : () -> ()
      %dma_start3A = arith.constant 0 : i32
      %dma_start3A_68 = arith.constant 0 : i32
      %dma_start3A_69 = arith.constant 0 : i32
      %dma_start3A_70 = arith.constant 0 : i32
      %dma_start3A_71 = tpu.memref_slice %arg6[%dma_start3A_69, %dma_start3A_70] : memref<128x128xf32, #tpu.memory_space<vmem>> -> memref<64x128xf32, #tpu.memory_space<vmem>>
      %dma_start3A_72 = arith.constant 0 : i32
      %dma_start3A_73 = tpu.memref_slice %arg5[%dma_start3A, %dma_start3A_68, %dma_start3A_72] : memref<4x2x128xi32, #tpu.memory_space<vmem>> -> memref<1x1x64xi32, #tpu.memory_space<vmem>>
      %dma_start3A_74 = tpu.memref_squeeze %dma_start3A_73 : memref<1x1x64xi32, #tpu.memory_space<vmem>> -> memref<64xi32, #tpu.memory_space<vmem>>
      %dma_start3A_75 = arith.constant 0 : i32
      %dma_start3A_76 = arith.constant 0 : i32
      %dma_start3A_77 = tpu.memref_slice %arg2[%dma_start3A_75, %dma_start3A_76] : memref<10240x128xf32, #tpu.memory_space<hbm>> -> memref<10240x128xf32, #tpu.memory_space<hbm>>
      tpu.enqueue_indirect_dma source(%dma_start3A_77 : memref<10240x128xf32, #tpu.memory_space<hbm>>) target(%dma_start3A_71 : memref<64x128xf32, #tpu.memory_space<vmem>>) offsets(%dma_start3A_74 : memref<64xi32, #tpu.memory_space<vmem>>) semaphore(%arg9 : memref<!tpu.dma_semaphore, #tpu.memory_space<semaphore_mem>>)
      %dma_start3A_78 = arith.constant 0 : i32
      %dma_start3A_79 = arith.constant 0 : i32
      %dma_start3A_80 = arith.constant 64 : i32
      %dma_start3A_81 = arith.constant 0 : i32
      %dma_start3A_82 = tpu.memref_slice %arg6[%dma_start3A_80, %dma_start3A_81] : memref<128x128xf32, #tpu.memory_space<vmem>> -> memref<64x128xf32, #tpu.memory_space<vmem>>
      %dma_start3A_83 = arith.constant 64 : i32
      %dma_start3A_84 = tpu.memref_slice %arg5[%dma_start3A_78, %dma_start3A_79, %dma_start3A_83] : memref<4x2x128xi32, #tpu.memory_space<vmem>> -> memref<1x1x64xi32, #tpu.memory_space<vmem>>
      %dma_start3A_85 = tpu.memref_squeeze %dma_start3A_84 : memref<1x1x64xi32, #tpu.memory_space<vmem>> -> memref<64xi32, #tpu.memory_space<vmem>>
      %dma_start3A_86 = arith.constant 0 : i32
      %dma_start3A_87 = arith.constant 0 : i32
      %dma_start3A_88 = tpu.memref_slice %arg2[%dma_start3A_86, %dma_start3A_87] : memref<10240x128xf32, #tpu.memory_space<hbm>> -> memref<10240x128xf32, #tpu.memory_space<hbm>>
      tpu.enqueue_indirect_dma source(%dma_start3A_88 : memref<10240x128xf32, #tpu.memory_space<hbm>>) target(%dma_start3A_82 : memref<64x128xf32, #tpu.memory_space<vmem>>) offsets(%dma_start3A_85 : memref<64xi32, #tpu.memory_space<vmem>>) semaphore(%arg9 : memref<!tpu.dma_semaphore, #tpu.memory_space<semaphore_mem>>)
      %dma_start3A_89 = arith.constant 1 : i32
      %dma_start3A_90 = arith.constant 0 : i32
      %dma_start3A_91 = arith.constant 0 : i32
      %dma_start3A_92 = arith.constant 0 : i32
      %dma_start3A_93 = tpu.memref_slice %arg7[%dma_start3A_91, %dma_start3A_92] : memref<128x128xf32, #tpu.memory_space<vmem>> -> memref<64x128xf32, #tpu.memory_space<vmem>>
      %dma_start3A_94 = arith.constant 0 : i32
      %dma_start3A_95 = tpu.memref_slice %arg5[%dma_start3A_89, %dma_start3A_90, %dma_start3A_94] : memref<4x2x128xi32, #tpu.memory_space<vmem>> -> memref<1x1x64xi32, #tpu.memory_space<vmem>>
      %dma_start3A_96 = tpu.memref_squeeze %dma_start3A_95 : memref<1x1x64xi32, #tpu.memory_space<vmem>> -> memref<64xi32, #tpu.memory_space<vmem>>
      %dma_start3A_97 = arith.constant 0 : i32
      %dma_start3A_98 = arith.constant 0 : i32
      %dma_start3A_99 = tpu.memref_slice %arg2[%dma_start3A_97, %dma_start3A_98] : memref<10240x128xf32, #tpu.memory_space<hbm>> -> memref<10240x128xf32, #tpu.memory_space<hbm>>
      tpu.enqueue_indirect_dma source(%dma_start3A_99 : memref<10240x128xf32, #tpu.memory_space<hbm>>) target(%dma_start3A_93 : memref<64x128xf32, #tpu.memory_space<vmem>>) offsets(%dma_start3A_96 : memref<64xi32, #tpu.memory_space<vmem>>) semaphore(%arg10 : memref<!tpu.dma_semaphore, #tpu.memory_space<semaphore_mem>>)
      %dma_start3A_100 = arith.constant 1 : i32
      %dma_start3A_101 = arith.constant 0 : i32
      %dma_start3A_102 = arith.constant 64 : i32
      %dma_start3A_103 = arith.constant 0 : i32
      %dma_start3A_104 = tpu.memref_slice %arg7[%dma_start3A_102, %dma_start3A_103] : memref<128x128xf32, #tpu.memory_space<vmem>> -> memref<64x128xf32, #tpu.memory_space<vmem>>
      %dma_start3A_105 = arith.constant 64 : i32
      %dma_start3A_106 = tpu.memref_slice %arg5[%dma_start3A_100, %dma_start3A_101, %dma_start3A_105] : memref<4x2x128xi32, #tpu.memory_space<vmem>> -> memref<1x1x64xi32, #tpu.memory_space<vmem>>
      %dma_start3A_107 = tpu.memref_squeeze %dma_start3A_106 : memref<1x1x64xi32, #tpu.memory_space<vmem>> -> memref<64xi32, #tpu.memory_space<vmem>>
      %dma_start3A_108 = arith.constant 0 : i32
      %dma_start3A_109 = arith.constant 0 : i32
      %dma_start3A_110 = tpu.memref_slice %arg2[%dma_start3A_108, %dma_start3A_109] : memref<10240x128xf32, #tpu.memory_space<hbm>> -> memref<10240x128xf32, #tpu.memory_space<hbm>>
      tpu.enqueue_indirect_dma source(%dma_start3A_110 : memref<10240x128xf32, #tpu.memory_space<hbm>>) target(%dma_start3A_104 : memref<64x128xf32, #tpu.memory_space<vmem>>) offsets(%dma_start3A_107 : memref<64xi32, #tpu.memory_space<vmem>>) semaphore(%arg10 : memref<!tpu.dma_semaphore, #tpu.memory_space<semaphore_mem>>)
      %add3A_111 = arith.constant 2 : i32
      %add3A_112 = arith.addi %select_n3A, %add3A_111 : i32
      %dma_start3A_113 = arith.constant 2 : i32
      %dma_start3A_114 = arith.constant 0 : i32
      %dma_start3A_115 = arith.constant 0 : i32
      %dma_start3A_116 = tpu.memref_slice %arg5[%dma_start3A_113, %dma_start3A_114, %dma_start3A_115] : memref<4x2x128xi32, #tpu.memory_space<vmem>> -> memref<2x2x128xi32, #tpu.memory_space<vmem>>
      %dma_start3A_117 = arith.constant 0 : i32
      %dma_start3A_118 = arith.constant 0 : i32
      %dma_start3A_119 = tpu.memref_slice %arg3[%add3A_112, %dma_start3A_117, %dma_start3A_118] : memref<2560x2x128xi32, #tpu.memory_space<hbm>> -> memref<2x2x128xi32, #tpu.memory_space<hbm>>
      %dma_start3A_120 = arith.constant 2 : i32
      %dma_start3A_121 = arith.constant 0 : i32
      %dma_start3A_122 = arith.constant 0 : i32
      %dma_start3A_123 = tpu.memref_slice %arg5[%dma_start3A_120, %dma_start3A_121, %dma_start3A_122] : memref<4x2x128xi32, #tpu.memory_space<vmem>> -> memref<2x2x128xi32, #tpu.memory_space<vmem>>
      %dma_start3A_124 = arith.constant 0 : i32
      %dma_start3A_125 = arith.constant 0 : i32
      %dma_start3A_126 = tpu.memref_slice %arg3[%add3A_112, %dma_start3A_124, %dma_start3A_125] : memref<2560x2x128xi32, #tpu.memory_space<hbm>> -> memref<2x2x128xi32, #tpu.memory_space<hbm>>
      tpu.enqueue_dma source(%dma_start3A_126 : memref<2x2x128xi32, #tpu.memory_space<hbm>>) target(%dma_start3A_123 : memref<2x2x128xi32, #tpu.memory_space<vmem>>) target_semaphore(%arg11 : memref<!tpu.dma_semaphore, #tpu.memory_space<semaphore_mem>>)
    } else {
    }
    %while3A = arith.constant 0 : i32
    %while3A_54 = arith.constant 0 : i32
    %while3A_55 = arith.subi %select_n3A_26, %while3A_54 : i32
    %while3A_56 = arith.addi %while3A_54, %while3A_55 : i32
    %while3A_57 = arith.constant 1 : i32
    %while3A_58 = arith.divsi %while3A_55, %while3A_57 : i32
    %while3A_59 = arith.muli %while3A_58, %while3A_57 : i32
    %while3A_60 = arith.addi %while3A_54, %while3A_59 : i32
    %while3A_61 = arith.constant 1 : i32
    scf.for %while3A_68 = %while3A_54 to %while3A_60 step %while3A_61  : i32 {
      %mul3A_69 = arith.constant 2 : i32
      %mul3A_70 = arith.muli %mul3A_69, %while3A_68 : i32
      %add3A_71 = arith.addi %select_n3A, %mul3A_70 : i32
      %jit3A_72 = arith.constant 2 : i32
      %eq3A_73 = arith.constant 0 : i32
      %eq3A_74 = arith.cmpi eq, %jit3A_72, %eq3A_73 : i32
      %jit3A_75 = arith.constant 1 : i32
      %select_n3A_76 = arith.select %eq3A_74, %jit3A_75, %jit3A_72 : i32
      %rem3A_77 = arith.remsi %while3A_68, %select_n3A_76 : i32
      %ne3A_78 = arith.constant 0 : i32
      %ne3A_79 = arith.cmpi ne, %rem3A_77, %ne3A_78 : i32
      %lt3A = arith.constant 0 : i32
      %lt3A_80 = arith.cmpi slt, %rem3A_77, %lt3A : i32
      %lt3A_81 = arith.constant 0 : i32
      %lt3A_82 = arith.cmpi slt, %select_n3A_76, %lt3A_81 : i32
      %ne3A_83 = arith.xori %lt3A_80, %lt3A_82 : i1
      %and3A_84 = arith.andi %ne3A_83, %ne3A_79 : i1
      %add3A_85 = arith.addi %rem3A_77, %select_n3A_76 : i32
      %select_n3A_86 = arith.select %and3A_84, %add3A_85, %rem3A_77 : i32
      %mul3A_87 = arith.constant 2 : i32
      %mul3A_88 = arith.muli %select_n3A_86, %mul3A_87 : i32
      %add3A_89 = arith.constant 1 : i32
      %add3A_90 = arith.addi %while3A_68, %add3A_89 : i32
      %jit3A_91 = arith.constant 2 : i32
      %eq3A_92 = arith.constant 0 : i32
      %eq3A_93 = arith.cmpi eq, %jit3A_91, %eq3A_92 : i32
      %jit3A_94 = arith.constant 1 : i32
      %select_n3A_95 = arith.select %eq3A_93, %jit3A_94, %jit3A_91 : i32
      %rem3A_96 = arith.remsi %add3A_90, %select_n3A_95 : i32
      %ne3A_97 = arith.constant 0 : i32
      %ne3A_98 = arith.cmpi ne, %rem3A_96, %ne3A_97 : i32
      %lt3A_99 = arith.constant 0 : i32
      %lt3A_100 = arith.cmpi slt, %rem3A_96, %lt3A_99 : i32
      %lt3A_101 = arith.constant 0 : i32
      %lt3A_102 = arith.cmpi slt, %select_n3A_95, %lt3A_101 : i32
      %ne3A_103 = arith.xori %lt3A_100, %lt3A_102 : i1
      %and3A_104 = arith.andi %ne3A_103, %ne3A_98 : i1
      %add3A_105 = arith.addi %rem3A_96, %select_n3A_95 : i32
      %select_n3A_106 = arith.select %and3A_104, %add3A_105, %rem3A_96 : i32
      %mul3A_107 = arith.constant 2 : i32
      %mul3A_108 = arith.muli %select_n3A_106, %mul3A_107 : i32
      %dma_wait3A = arith.constant 0 : i32
      %dma_wait3A_109 = arith.constant 0 : i32
      %dma_wait3A_110 = arith.constant 0 : i32
      %dma_wait3A_111 = tpu.memref_slice %arg5[%dma_wait3A, %dma_wait3A_109, %dma_wait3A_110] : memref<4x2x128xi32, #tpu.memory_space<vmem>> -> memref<2x2x128xi32, #tpu.memory_space<vmem>>
      %dma_wait3A_112 = arith.constant 0 : i32
      %dma_wait3A_113 = arith.constant 0 : i32
      %dma_wait3A_114 = tpu.memref_slice %arg3[%select_n3A, %dma_wait3A_112, %dma_wait3A_113] : memref<2560x2x128xi32, #tpu.memory_space<hbm>> -> memref<2x2x128xi32, #tpu.memory_space<hbm>>
      %dma_wait3A_115 = arith.constant 0 : i32
      %dma_wait3A_116 = arith.constant 0 : i32
      %dma_wait3A_117 = arith.constant 0 : i32
      %dma_wait3A_118 = tpu.memref_slice %arg5[%dma_wait3A_115, %dma_wait3A_116, %dma_wait3A_117] : memref<4x2x128xi32, #tpu.memory_space<vmem>> -> memref<2x2x128xi32, #tpu.memory_space<vmem>>
      %dma_wait3A_119 = arith.constant 0 : i32
      %dma_wait3A_120 = arith.constant 0 : i32
      %dma_wait3A_121 = tpu.memref_slice %arg3[%select_n3A, %dma_wait3A_119, %dma_wait3A_120] : memref<2560x2x128xi32, #tpu.memory_space<hbm>> -> memref<2x2x128xi32, #tpu.memory_space<hbm>>
      tpu.wait_dma2 semaphore(%arg11 : memref<!tpu.dma_semaphore, #tpu.memory_space<semaphore_mem>>) src(%dma_wait3A_121 : memref<2x2x128xi32, #tpu.memory_space<hbm>>) dst(%dma_wait3A_118 : memref<2x2x128xi32, #tpu.memory_space<vmem>>)
      %dma_wait3A_122 = arith.constant 0 : i32
      %dma_wait3A_123 = arith.constant 0 : i32
      %dma_wait3A_124 = arith.constant 0 : i32
      %dma_wait3A_125 = tpu.memref_slice %arg6[%dma_wait3A_123, %dma_wait3A_124] : memref<128x128xf32, #tpu.memory_space<vmem>> -> memref<64x128xf32, #tpu.memory_space<vmem>>
      %dma_wait3A_126 = arith.constant 0 : i32
      %dma_wait3A_127 = tpu.memref_slice %arg5[%mul3A_88, %dma_wait3A_122, %dma_wait3A_126] : memref<4x2x128xi32, #tpu.memory_space<vmem>> -> memref<1x1x64xi32, #tpu.memory_space<vmem>>
      %dma_wait3A_128 = tpu.memref_squeeze %dma_wait3A_127 : memref<1x1x64xi32, #tpu.memory_space<vmem>> -> memref<64xi32, #tpu.memory_space<vmem>>
      %dma_wait3A_129 = arith.constant 0 : i32
      %dma_wait3A_130 = arith.constant 0 : i32
      %dma_wait3A_131 = tpu.memref_slice %arg2[%dma_wait3A_129, %dma_wait3A_130] : memref<10240x128xf32, #tpu.memory_space<hbm>> -> memref<10240x128xf32, #tpu.memory_space<hbm>>
      tpu.wait_indirect_dma semaphore(%arg9 : memref<!tpu.dma_semaphore, #tpu.memory_space<semaphore_mem>>) src(%dma_wait3A_131 : memref<10240x128xf32, #tpu.memory_space<hbm>>) dst(%dma_wait3A_125 : memref<64x128xf32, #tpu.memory_space<vmem>>)
      %dma_wait3A_132 = arith.constant 0 : i32
      %dma_wait3A_133 = arith.constant 64 : i32
      %dma_wait3A_134 = arith.constant 0 : i32
      %dma_wait3A_135 = tpu.memref_slice %arg6[%dma_wait3A_133, %dma_wait3A_134] : memref<128x128xf32, #tpu.memory_space<vmem>> -> memref<64x128xf32, #tpu.memory_space<vmem>>
      %dma_wait3A_136 = arith.constant 64 : i32
      %dma_wait3A_137 = tpu.memref_slice %arg5[%mul3A_88, %dma_wait3A_132, %dma_wait3A_136] : memref<4x2x128xi32, #tpu.memory_space<vmem>> -> memref<1x1x64xi32, #tpu.memory_space<vmem>>
      %dma_wait3A_138 = tpu.memref_squeeze %dma_wait3A_137 : memref<1x1x64xi32, #tpu.memory_space<vmem>> -> memref<64xi32, #tpu.memory_space<vmem>>
      %dma_wait3A_139 = arith.constant 0 : i32
      %dma_wait3A_140 = arith.constant 0 : i32
      %dma_wait3A_141 = tpu.memref_slice %arg2[%dma_wait3A_139, %dma_wait3A_140] : memref<10240x128xf32, #tpu.memory_space<hbm>> -> memref<10240x128xf32, #tpu.memory_space<hbm>>
      tpu.wait_indirect_dma semaphore(%arg9 : memref<!tpu.dma_semaphore, #tpu.memory_space<semaphore_mem>>) src(%dma_wait3A_141 : memref<10240x128xf32, #tpu.memory_space<hbm>>) dst(%dma_wait3A_135 : memref<64x128xf32, #tpu.memory_space<vmem>>)
      %run_scoped3A = arith.constant 1 : i32
      "tpu.region"() ({
        %run_scoped3A_189 = tpu.sem_alloc : memref<!tpu.dma_semaphore, #tpu.memory_space<semaphore_mem>>
        %dma_start3A = arith.constant 0 : i32
        %dma_start3A_190 = tpu.memref_slice %arg5[%mul3A_88, %run_scoped3A, %dma_start3A] : memref<4x2x128xi32, #tpu.memory_space<vmem>> -> memref<1x1x128xi32, #tpu.memory_space<vmem>>
        %dma_start3A_191 = tpu.memref_squeeze %dma_start3A_190 : memref<1x1x128xi32, #tpu.memory_space<vmem>> -> memref<128xi32, #tpu.memory_space<vmem>>
        %dma_start3A_192 = arith.constant 0 : i32
        %dma_start3A_193 = arith.constant 0 : i32
        %dma_start3A_194 = tpu.memref_slice %arg8[%dma_start3A_192, %dma_start3A_193] : memref<10240x128xf32, #tpu.memory_space<vmem_shared>> -> memref<10240x128xf32, #tpu.memory_space<vmem_shared>>
        tpu.enqueue_indirect_dma source(%arg6 : memref<128x128xf32, #tpu.memory_space<vmem>>) target(%dma_start3A_194 : memref<10240x128xf32, #tpu.memory_space<vmem_shared>>) offsets(%dma_start3A_191 : memref<128xi32, #tpu.memory_space<vmem>>) semaphore(%run_scoped3A_189 : memref<!tpu.dma_semaphore, #tpu.memory_space<semaphore_mem>>) {add = true}
        %dma_wait3A_195 = arith.constant 0 : i32
        %dma_wait3A_196 = tpu.memref_slice %arg5[%mul3A_88, %run_scoped3A, %dma_wait3A_195] : memref<4x2x128xi32, #tpu.memory_space<vmem>> -> memref<1x1x128xi32, #tpu.memory_space<vmem>>
        %dma_wait3A_197 = tpu.memref_squeeze %dma_wait3A_196 : memref<1x1x128xi32, #tpu.memory_space<vmem>> -> memref<128xi32, #tpu.memory_space<vmem>>
        %dma_wait3A_198 = arith.constant 0 : i32
        %dma_wait3A_199 = arith.constant 0 : i32
        %dma_wait3A_200 = tpu.memref_slice %arg8[%dma_wait3A_198, %dma_wait3A_199] : memref<10240x128xf32, #tpu.memory_space<vmem_shared>> -> memref<10240x128xf32, #tpu.memory_space<vmem_shared>>
        tpu.wait_indirect_dma semaphore(%run_scoped3A_189 : memref<!tpu.dma_semaphore, #tpu.memory_space<semaphore_mem>>) src(%arg6 : memref<128x128xf32, #tpu.memory_space<vmem>>) dst(%dma_wait3A_200 : memref<10240x128xf32, #tpu.memory_space<vmem_shared>>)
        tpu.yield
      }) : () -> ()
      %mul3A_142 = arith.constant 2 : i32
      %mul3A_143 = arith.muli %mul3A_142, %while3A_68 : i32
      %add3A_144 = arith.constant 2 : i32
      %add3A_145 = arith.addi %mul3A_143, %add3A_144 : i32
      %lt3A_146 = arith.cmpi slt, %add3A_145, %select_n3A_8 : i32
      %convert_element_type3A_147 = arith.extui %lt3A_146 : i1 to i32
      %cond3A_148 = arith.constant 0 : i32
      %cond3A_149 = arith.cmpi ne, %convert_element_type3A_147, %cond3A_148 : i32
      scf.if %cond3A_149 {
        %dma_start3A = arith.constant 0 : i32
        %dma_start3A_189 = arith.constant 0 : i32
        %dma_start3A_190 = arith.constant 0 : i32
        %dma_start3A_191 = tpu.memref_slice %arg6[%dma_start3A_189, %dma_start3A_190] : memref<128x128xf32, #tpu.memory_space<vmem>> -> memref<64x128xf32, #tpu.memory_space<vmem>>
        %dma_start3A_192 = arith.constant 0 : i32
        %dma_start3A_193 = tpu.memref_slice %arg5[%mul3A_108, %dma_start3A, %dma_start3A_192] : memref<4x2x128xi32, #tpu.memory_space<vmem>> -> memref<1x1x64xi32, #tpu.memory_space<vmem>>
        %dma_start3A_194 = tpu.memref_squeeze %dma_start3A_193 : memref<1x1x64xi32, #tpu.memory_space<vmem>> -> memref<64xi32, #tpu.memory_space<vmem>>
        %dma_start3A_195 = arith.constant 0 : i32
        %dma_start3A_196 = arith.constant 0 : i32
        %dma_start3A_197 = tpu.memref_slice %arg2[%dma_start3A_195, %dma_start3A_196] : memref<10240x128xf32, #tpu.memory_space<hbm>> -> memref<10240x128xf32, #tpu.memory_space<hbm>>
        tpu.enqueue_indirect_dma source(%dma_start3A_197 : memref<10240x128xf32, #tpu.memory_space<hbm>>) target(%dma_start3A_191 : memref<64x128xf32, #tpu.memory_space<vmem>>) offsets(%dma_start3A_194 : memref<64xi32, #tpu.memory_space<vmem>>) semaphore(%arg9 : memref<!tpu.dma_semaphore, #tpu.memory_space<semaphore_mem>>)
        %dma_start3A_198 = arith.constant 0 : i32
        %dma_start3A_199 = arith.constant 64 : i32
        %dma_start3A_200 = arith.constant 0 : i32
        %dma_start3A_201 = tpu.memref_slice %arg6[%dma_start3A_199, %dma_start3A_200] : memref<128x128xf32, #tpu.memory_space<vmem>> -> memref<64x128xf32, #tpu.memory_space<vmem>>
        %dma_start3A_202 = arith.constant 64 : i32
        %dma_start3A_203 = tpu.memref_slice %arg5[%mul3A_108, %dma_start3A_198, %dma_start3A_202] : memref<4x2x128xi32, #tpu.memory_space<vmem>> -> memref<1x1x64xi32, #tpu.memory_space<vmem>>
        %dma_start3A_204 = tpu.memref_squeeze %dma_start3A_203 : memref<1x1x64xi32, #tpu.memory_space<vmem>> -> memref<64xi32, #tpu.memory_space<vmem>>
        %dma_start3A_205 = arith.constant 0 : i32
        %dma_start3A_206 = arith.constant 0 : i32
        %dma_start3A_207 = tpu.memref_slice %arg2[%dma_start3A_205, %dma_start3A_206] : memref<10240x128xf32, #tpu.memory_space<hbm>> -> memref<10240x128xf32, #tpu.memory_space<hbm>>
        tpu.enqueue_indirect_dma source(%dma_start3A_207 : memref<10240x128xf32, #tpu.memory_space<hbm>>) target(%dma_start3A_201 : memref<64x128xf32, #tpu.memory_space<vmem>>) offsets(%dma_start3A_204 : memref<64xi32, #tpu.memory_space<vmem>>) semaphore(%arg9 : memref<!tpu.dma_semaphore, #tpu.memory_space<semaphore_mem>>)
      } else {
      }
      %add3A_150 = arith.constant 1 : i32
      %add3A_151 = arith.addi %mul3A_88, %add3A_150 : i32
      %dma_wait3A_152 = arith.constant 0 : i32
      %dma_wait3A_153 = arith.constant 0 : i32
      %dma_wait3A_154 = arith.constant 0 : i32
      %dma_wait3A_155 = tpu.memref_slice %arg7[%dma_wait3A_153, %dma_wait3A_154] : memref<128x128xf32, #tpu.memory_space<vmem>> -> memref<64x128xf32, #tpu.memory_space<vmem>>
      %dma_wait3A_156 = arith.constant 0 : i32
      %dma_wait3A_157 = tpu.memref_slice %arg5[%add3A_151, %dma_wait3A_152, %dma_wait3A_156] : memref<4x2x128xi32, #tpu.memory_space<vmem>> -> memref<1x1x64xi32, #tpu.memory_space<vmem>>
      %dma_wait3A_158 = tpu.memref_squeeze %dma_wait3A_157 : memref<1x1x64xi32, #tpu.memory_space<vmem>> -> memref<64xi32, #tpu.memory_space<vmem>>
      %dma_wait3A_159 = arith.constant 0 : i32
      %dma_wait3A_160 = arith.constant 0 : i32
      %dma_wait3A_161 = tpu.memref_slice %arg2[%dma_wait3A_159, %dma_wait3A_160] : memref<10240x128xf32, #tpu.memory_space<hbm>> -> memref<10240x128xf32, #tpu.memory_space<hbm>>
      tpu.wait_indirect_dma semaphore(%arg10 : memref<!tpu.dma_semaphore, #tpu.memory_space<semaphore_mem>>) src(%dma_wait3A_161 : memref<10240x128xf32, #tpu.memory_space<hbm>>) dst(%dma_wait3A_155 : memref<64x128xf32, #tpu.memory_space<vmem>>)
      %dma_wait3A_162 = arith.constant 0 : i32
      %dma_wait3A_163 = arith.constant 64 : i32
      %dma_wait3A_164 = arith.constant 0 : i32
      %dma_wait3A_165 = tpu.memref_slice %arg7[%dma_wait3A_163, %dma_wait3A_164] : memref<128x128xf32, #tpu.memory_space<vmem>> -> memref<64x128xf32, #tpu.memory_space<vmem>>
      %dma_wait3A_166 = arith.constant 64 : i32
      %dma_wait3A_167 = tpu.memref_slice %arg5[%add3A_151, %dma_wait3A_162, %dma_wait3A_166] : memref<4x2x128xi32, #tpu.memory_space<vmem>> -> memref<1x1x64xi32, #tpu.memory_space<vmem>>
      %dma_wait3A_168 = tpu.memref_squeeze %dma_wait3A_167 : memref<1x1x64xi32, #tpu.memory_space<vmem>> -> memref<64xi32, #tpu.memory_space<vmem>>
      %dma_wait3A_169 = arith.constant 0 : i32
      %dma_wait3A_170 = arith.constant 0 : i32
      %dma_wait3A_171 = tpu.memref_slice %arg2[%dma_wait3A_169, %dma_wait3A_170] : memref<10240x128xf32, #tpu.memory_space<hbm>> -> memref<10240x128xf32, #tpu.memory_space<hbm>>
      tpu.wait_indirect_dma semaphore(%arg10 : memref<!tpu.dma_semaphore, #tpu.memory_space<semaphore_mem>>) src(%dma_wait3A_171 : memref<10240x128xf32, #tpu.memory_space<hbm>>) dst(%dma_wait3A_165 : memref<64x128xf32, #tpu.memory_space<vmem>>)
      %add3A_172 = arith.constant 1 : i32
      %add3A_173 = arith.addi %mul3A_88, %add3A_172 : i32
      %run_scoped3A_174 = arith.constant 1 : i32
      "tpu.region"() ({
        %run_scoped3A_189 = tpu.sem_alloc : memref<!tpu.dma_semaphore, #tpu.memory_space<semaphore_mem>>
        %dma_start3A = arith.constant 0 : i32
        %dma_start3A_190 = tpu.memref_slice %arg5[%add3A_173, %run_scoped3A_174, %dma_start3A] : memref<4x2x128xi32, #tpu.memory_space<vmem>> -> memref<1x1x128xi32, #tpu.memory_space<vmem>>
        %dma_start3A_191 = tpu.memref_squeeze %dma_start3A_190 : memref<1x1x128xi32, #tpu.memory_space<vmem>> -> memref<128xi32, #tpu.memory_space<vmem>>
        %dma_start3A_192 = arith.constant 0 : i32
        %dma_start3A_193 = arith.constant 0 : i32
        %dma_start3A_194 = tpu.memref_slice %arg8[%dma_start3A_192, %dma_start3A_193] : memref<10240x128xf32, #tpu.memory_space<vmem_shared>> -> memref<10240x128xf32, #tpu.memory_space<vmem_shared>>
        tpu.enqueue_indirect_dma source(%arg7 : memref<128x128xf32, #tpu.memory_space<vmem>>) target(%dma_start3A_194 : memref<10240x128xf32, #tpu.memory_space<vmem_shared>>) offsets(%dma_start3A_191 : memref<128xi32, #tpu.memory_space<vmem>>) semaphore(%run_scoped3A_189 : memref<!tpu.dma_semaphore, #tpu.memory_space<semaphore_mem>>) {add = true}
        %dma_wait3A_195 = arith.constant 0 : i32
        %dma_wait3A_196 = tpu.memref_slice %arg5[%add3A_173, %run_scoped3A_174, %dma_wait3A_195] : memref<4x2x128xi32, #tpu.memory_space<vmem>> -> memref<1x1x128xi32, #tpu.memory_space<vmem>>
        %dma_wait3A_197 = tpu.memref_squeeze %dma_wait3A_196 : memref<1x1x128xi32, #tpu.memory_space<vmem>> -> memref<128xi32, #tpu.memory_space<vmem>>
        %dma_wait3A_198 = arith.constant 0 : i32
        %dma_wait3A_199 = arith.constant 0 : i32
        %dma_wait3A_200 = tpu.memref_slice %arg8[%dma_wait3A_198, %dma_wait3A_199] : memref<10240x128xf32, #tpu.memory_space<vmem_shared>> -> memref<10240x128xf32, #tpu.memory_space<vmem_shared>>
        tpu.wait_indirect_dma semaphore(%run_scoped3A_189 : memref<!tpu.dma_semaphore, #tpu.memory_space<semaphore_mem>>) src(%arg7 : memref<128x128xf32, #tpu.memory_space<vmem>>) dst(%dma_wait3A_200 : memref<10240x128xf32, #tpu.memory_space<vmem_shared>>)
        tpu.yield
      }) : () -> ()
      %mul3A_175 = arith.constant 2 : i32
      %mul3A_176 = arith.muli %mul3A_175, %while3A_68 : i32
      %add3A_177 = arith.constant 3 : i32
      %add3A_178 = arith.addi %mul3A_176, %add3A_177 : i32
      %lt3A_179 = arith.cmpi slt, %add3A_178, %select_n3A_8 : i32
      %convert_element_type3A_180 = arith.extui %lt3A_179 : i1 to i32
      %cond3A_181 = arith.constant 0 : i32
      %cond3A_182 = arith.cmpi ne, %convert_element_type3A_180, %cond3A_181 : i32
      scf.if %cond3A_182 {
        %add3A_189 = arith.constant 1 : i32
        %add3A_190 = arith.addi %mul3A_108, %add3A_189 : i32
        %dma_start3A = arith.constant 0 : i32
        %dma_start3A_191 = arith.constant 0 : i32
        %dma_start3A_192 = arith.constant 0 : i32
        %dma_start3A_193 = tpu.memref_slice %arg7[%dma_start3A_191, %dma_start3A_192] : memref<128x128xf32, #tpu.memory_space<vmem>> -> memref<64x128xf32, #tpu.memory_space<vmem>>
        %dma_start3A_194 = arith.constant 0 : i32
        %dma_start3A_195 = tpu.memref_slice %arg5[%add3A_190, %dma_start3A, %dma_start3A_194] : memref<4x2x128xi32, #tpu.memory_space<vmem>> -> memref<1x1x64xi32, #tpu.memory_space<vmem>>
        %dma_start3A_196 = tpu.memref_squeeze %dma_start3A_195 : memref<1x1x64xi32, #tpu.memory_space<vmem>> -> memref<64xi32, #tpu.memory_space<vmem>>
        %dma_start3A_197 = arith.constant 0 : i32
        %dma_start3A_198 = arith.constant 0 : i32
        %dma_start3A_199 = tpu.memref_slice %arg2[%dma_start3A_197, %dma_start3A_198] : memref<10240x128xf32, #tpu.memory_space<hbm>> -> memref<10240x128xf32, #tpu.memory_space<hbm>>
        tpu.enqueue_indirect_dma source(%dma_start3A_199 : memref<10240x128xf32, #tpu.memory_space<hbm>>) target(%dma_start3A_193 : memref<64x128xf32, #tpu.memory_space<vmem>>) offsets(%dma_start3A_196 : memref<64xi32, #tpu.memory_space<vmem>>) semaphore(%arg10 : memref<!tpu.dma_semaphore, #tpu.memory_space<semaphore_mem>>)
        %dma_start3A_200 = arith.constant 0 : i32
        %dma_start3A_201 = arith.constant 64 : i32
        %dma_start3A_202 = arith.constant 0 : i32
        %dma_start3A_203 = tpu.memref_slice %arg7[%dma_start3A_201, %dma_start3A_202] : memref<128x128xf32, #tpu.memory_space<vmem>> -> memref<64x128xf32, #tpu.memory_space<vmem>>
        %dma_start3A_204 = arith.constant 64 : i32
        %dma_start3A_205 = tpu.memref_slice %arg5[%add3A_190, %dma_start3A_200, %dma_start3A_204] : memref<4x2x128xi32, #tpu.memory_space<vmem>> -> memref<1x1x64xi32, #tpu.memory_space<vmem>>
        %dma_start3A_206 = tpu.memref_squeeze %dma_start3A_205 : memref<1x1x64xi32, #tpu.memory_space<vmem>> -> memref<64xi32, #tpu.memory_space<vmem>>
        %dma_start3A_207 = arith.constant 0 : i32
        %dma_start3A_208 = arith.constant 0 : i32
        %dma_start3A_209 = tpu.memref_slice %arg2[%dma_start3A_207, %dma_start3A_208] : memref<10240x128xf32, #tpu.memory_space<hbm>> -> memref<10240x128xf32, #tpu.memory_space<hbm>>
        tpu.enqueue_indirect_dma source(%dma_start3A_209 : memref<10240x128xf32, #tpu.memory_space<hbm>>) target(%dma_start3A_203 : memref<64x128xf32, #tpu.memory_space<vmem>>) offsets(%dma_start3A_206 : memref<64xi32, #tpu.memory_space<vmem>>) semaphore(%arg10 : memref<!tpu.dma_semaphore, #tpu.memory_space<semaphore_mem>>)
      } else {
      }
      %add3A_183 = arith.constant 1 : i32
      %add3A_184 = arith.addi %while3A_68, %add3A_183 : i32
      %lt3A_185 = arith.cmpi slt, %add3A_184, %select_n3A_26 : i32
      %convert_element_type3A_186 = arith.extui %lt3A_185 : i1 to i32
      %cond3A_187 = arith.constant 0 : i32
      %cond3A_188 = arith.cmpi ne, %convert_element_type3A_186, %cond3A_187 : i32
      scf.if %cond3A_188 {
        %add3A_189 = arith.constant 4 : i32
        %add3A_190 = arith.addi %add3A_71, %add3A_189 : i32
        %min3A = arith.constant 2558 : i32
        %min3A_191 = arith.minsi %add3A_190, %min3A : i32
        %dma_start3A = arith.constant 0 : i32
        %dma_start3A_192 = arith.constant 0 : i32
        %dma_start3A_193 = tpu.memref_slice %arg5[%mul3A_88, %dma_start3A, %dma_start3A_192] : memref<4x2x128xi32, #tpu.memory_space<vmem>> -> memref<2x2x128xi32, #tpu.memory_space<vmem>>
        %dma_start3A_194 = arith.constant 0 : i32
        %dma_start3A_195 = arith.constant 0 : i32
        %dma_start3A_196 = tpu.memref_slice %arg3[%min3A_191, %dma_start3A_194, %dma_start3A_195] : memref<2560x2x128xi32, #tpu.memory_space<hbm>> -> memref<2x2x128xi32, #tpu.memory_space<hbm>>
        %dma_start3A_197 = arith.constant 0 : i32
        %dma_start3A_198 = arith.constant 0 : i32
        %dma_start3A_199 = tpu.memref_slice %arg5[%mul3A_88, %dma_start3A_197, %dma_start3A_198] : memref<4x2x128xi32, #tpu.memory_space<vmem>> -> memref<2x2x128xi32, #tpu.memory_space<vmem>>
        %dma_start3A_200 = arith.constant 0 : i32
        %dma_start3A_201 = arith.constant 0 : i32
        %dma_start3A_202 = tpu.memref_slice %arg3[%min3A_191, %dma_start3A_200, %dma_start3A_201] : memref<2560x2x128xi32, #tpu.memory_space<hbm>> -> memref<2x2x128xi32, #tpu.memory_space<hbm>>
        tpu.enqueue_dma source(%dma_start3A_202 : memref<2x2x128xi32, #tpu.memory_space<hbm>>) target(%dma_start3A_199 : memref<2x2x128xi32, #tpu.memory_space<vmem>>) target_semaphore(%arg11 : memref<!tpu.dma_semaphore, #tpu.memory_space<semaphore_mem>>)
      } else {
      }
    }
    %while3A_62 = arith.constant 1 : i32
    scf.for %while3A_68 = %while3A_60 to %while3A_56 step %while3A_62  : i32 {
      %mul3A_69 = arith.constant 2 : i32
      %mul3A_70 = arith.muli %mul3A_69, %while3A_68 : i32
      %add3A_71 = arith.addi %select_n3A, %mul3A_70 : i32
      %jit3A_72 = arith.constant 2 : i32
      %eq3A_73 = arith.constant 0 : i32
      %eq3A_74 = arith.cmpi eq, %jit3A_72, %eq3A_73 : i32
      %jit3A_75 = arith.constant 1 : i32
      %select_n3A_76 = arith.select %eq3A_74, %jit3A_75, %jit3A_72 : i32
      %rem3A_77 = arith.remsi %while3A_68, %select_n3A_76 : i32
      %ne3A_78 = arith.constant 0 : i32
      %ne3A_79 = arith.cmpi ne, %rem3A_77, %ne3A_78 : i32
      %lt3A = arith.constant 0 : i32
      %lt3A_80 = arith.cmpi slt, %rem3A_77, %lt3A : i32
      %lt3A_81 = arith.constant 0 : i32
      %lt3A_82 = arith.cmpi slt, %select_n3A_76, %lt3A_81 : i32
      %ne3A_83 = arith.xori %lt3A_80, %lt3A_82 : i1
      %and3A_84 = arith.andi %ne3A_83, %ne3A_79 : i1
      %add3A_85 = arith.addi %rem3A_77, %select_n3A_76 : i32
      %select_n3A_86 = arith.select %and3A_84, %add3A_85, %rem3A_77 : i32
      %mul3A_87 = arith.constant 2 : i32
      %mul3A_88 = arith.muli %select_n3A_86, %mul3A_87 : i32
      %add3A_89 = arith.constant 1 : i32
      %add3A_90 = arith.addi %while3A_68, %add3A_89 : i32
      %jit3A_91 = arith.constant 2 : i32
      %eq3A_92 = arith.constant 0 : i32
      %eq3A_93 = arith.cmpi eq, %jit3A_91, %eq3A_92 : i32
      %jit3A_94 = arith.constant 1 : i32
      %select_n3A_95 = arith.select %eq3A_93, %jit3A_94, %jit3A_91 : i32
      %rem3A_96 = arith.remsi %add3A_90, %select_n3A_95 : i32
      %ne3A_97 = arith.constant 0 : i32
      %ne3A_98 = arith.cmpi ne, %rem3A_96, %ne3A_97 : i32
      %lt3A_99 = arith.constant 0 : i32
      %lt3A_100 = arith.cmpi slt, %rem3A_96, %lt3A_99 : i32
      %lt3A_101 = arith.constant 0 : i32
      %lt3A_102 = arith.cmpi slt, %select_n3A_95, %lt3A_101 : i32
      %ne3A_103 = arith.xori %lt3A_100, %lt3A_102 : i1
      %and3A_104 = arith.andi %ne3A_103, %ne3A_98 : i1
      %add3A_105 = arith.addi %rem3A_96, %select_n3A_95 : i32
      %select_n3A_106 = arith.select %and3A_104, %add3A_105, %rem3A_96 : i32
      %mul3A_107 = arith.constant 2 : i32
      %mul3A_108 = arith.muli %select_n3A_106, %mul3A_107 : i32
      %dma_wait3A = arith.constant 0 : i32
      %dma_wait3A_109 = arith.constant 0 : i32
      %dma_wait3A_110 = arith.constant 0 : i32
      %dma_wait3A_111 = tpu.memref_slice %arg5[%dma_wait3A, %dma_wait3A_109, %dma_wait3A_110] : memref<4x2x128xi32, #tpu.memory_space<vmem>> -> memref<2x2x128xi32, #tpu.memory_space<vmem>>
      %dma_wait3A_112 = arith.constant 0 : i32
      %dma_wait3A_113 = arith.constant 0 : i32
      %dma_wait3A_114 = tpu.memref_slice %arg3[%select_n3A, %dma_wait3A_112, %dma_wait3A_113] : memref<2560x2x128xi32, #tpu.memory_space<hbm>> -> memref<2x2x128xi32, #tpu.memory_space<hbm>>
      %dma_wait3A_115 = arith.constant 0 : i32
      %dma_wait3A_116 = arith.constant 0 : i32
      %dma_wait3A_117 = arith.constant 0 : i32
      %dma_wait3A_118 = tpu.memref_slice %arg5[%dma_wait3A_115, %dma_wait3A_116, %dma_wait3A_117] : memref<4x2x128xi32, #tpu.memory_space<vmem>> -> memref<2x2x128xi32, #tpu.memory_space<vmem>>
      %dma_wait3A_119 = arith.constant 0 : i32
      %dma_wait3A_120 = arith.constant 0 : i32
      %dma_wait3A_121 = tpu.memref_slice %arg3[%select_n3A, %dma_wait3A_119, %dma_wait3A_120] : memref<2560x2x128xi32, #tpu.memory_space<hbm>> -> memref<2x2x128xi32, #tpu.memory_space<hbm>>
      tpu.wait_dma2 semaphore(%arg11 : memref<!tpu.dma_semaphore, #tpu.memory_space<semaphore_mem>>) src(%dma_wait3A_121 : memref<2x2x128xi32, #tpu.memory_space<hbm>>) dst(%dma_wait3A_118 : memref<2x2x128xi32, #tpu.memory_space<vmem>>)
      %dma_wait3A_122 = arith.constant 0 : i32
      %dma_wait3A_123 = arith.constant 0 : i32
      %dma_wait3A_124 = arith.constant 0 : i32
      %dma_wait3A_125 = tpu.memref_slice %arg6[%dma_wait3A_123, %dma_wait3A_124] : memref<128x128xf32, #tpu.memory_space<vmem>> -> memref<64x128xf32, #tpu.memory_space<vmem>>
      %dma_wait3A_126 = arith.constant 0 : i32
      %dma_wait3A_127 = tpu.memref_slice %arg5[%mul3A_88, %dma_wait3A_122, %dma_wait3A_126] : memref<4x2x128xi32, #tpu.memory_space<vmem>> -> memref<1x1x64xi32, #tpu.memory_space<vmem>>
      %dma_wait3A_128 = tpu.memref_squeeze %dma_wait3A_127 : memref<1x1x64xi32, #tpu.memory_space<vmem>> -> memref<64xi32, #tpu.memory_space<vmem>>
      %dma_wait3A_129 = arith.constant 0 : i32
      %dma_wait3A_130 = arith.constant 0 : i32
      %dma_wait3A_131 = tpu.memref_slice %arg2[%dma_wait3A_129, %dma_wait3A_130] : memref<10240x128xf32, #tpu.memory_space<hbm>> -> memref<10240x128xf32, #tpu.memory_space<hbm>>
      tpu.wait_indirect_dma semaphore(%arg9 : memref<!tpu.dma_semaphore, #tpu.memory_space<semaphore_mem>>) src(%dma_wait3A_131 : memref<10240x128xf32, #tpu.memory_space<hbm>>) dst(%dma_wait3A_125 : memref<64x128xf32, #tpu.memory_space<vmem>>)
      %dma_wait3A_132 = arith.constant 0 : i32
      %dma_wait3A_133 = arith.constant 64 : i32
      %dma_wait3A_134 = arith.constant 0 : i32
      %dma_wait3A_135 = tpu.memref_slice %arg6[%dma_wait3A_133, %dma_wait3A_134] : memref<128x128xf32, #tpu.memory_space<vmem>> -> memref<64x128xf32, #tpu.memory_space<vmem>>
      %dma_wait3A_136 = arith.constant 64 : i32
      %dma_wait3A_137 = tpu.memref_slice %arg5[%mul3A_88, %dma_wait3A_132, %dma_wait3A_136] : memref<4x2x128xi32, #tpu.memory_space<vmem>> -> memref<1x1x64xi32, #tpu.memory_space<vmem>>
      %dma_wait3A_138 = tpu.memref_squeeze %dma_wait3A_137 : memref<1x1x64xi32, #tpu.memory_space<vmem>> -> memref<64xi32, #tpu.memory_space<vmem>>
      %dma_wait3A_139 = arith.constant 0 : i32
      %dma_wait3A_140 = arith.constant 0 : i32
      %dma_wait3A_141 = tpu.memref_slice %arg2[%dma_wait3A_139, %dma_wait3A_140] : memref<10240x128xf32, #tpu.memory_space<hbm>> -> memref<10240x128xf32, #tpu.memory_space<hbm>>
      tpu.wait_indirect_dma semaphore(%arg9 : memref<!tpu.dma_semaphore, #tpu.memory_space<semaphore_mem>>) src(%dma_wait3A_141 : memref<10240x128xf32, #tpu.memory_space<hbm>>) dst(%dma_wait3A_135 : memref<64x128xf32, #tpu.memory_space<vmem>>)
      %run_scoped3A = arith.constant 1 : i32
      "tpu.region"() ({
        %run_scoped3A_189 = tpu.sem_alloc : memref<!tpu.dma_semaphore, #tpu.memory_space<semaphore_mem>>
        %dma_start3A = arith.constant 0 : i32
        %dma_start3A_190 = tpu.memref_slice %arg5[%mul3A_88, %run_scoped3A, %dma_start3A] : memref<4x2x128xi32, #tpu.memory_space<vmem>> -> memref<1x1x128xi32, #tpu.memory_space<vmem>>
        %dma_start3A_191 = tpu.memref_squeeze %dma_start3A_190 : memref<1x1x128xi32, #tpu.memory_space<vmem>> -> memref<128xi32, #tpu.memory_space<vmem>>
        %dma_start3A_192 = arith.constant 0 : i32
        %dma_start3A_193 = arith.constant 0 : i32
        %dma_start3A_194 = tpu.memref_slice %arg8[%dma_start3A_192, %dma_start3A_193] : memref<10240x128xf32, #tpu.memory_space<vmem_shared>> -> memref<10240x128xf32, #tpu.memory_space<vmem_shared>>
        tpu.enqueue_indirect_dma source(%arg6 : memref<128x128xf32, #tpu.memory_space<vmem>>) target(%dma_start3A_194 : memref<10240x128xf32, #tpu.memory_space<vmem_shared>>) offsets(%dma_start3A_191 : memref<128xi32, #tpu.memory_space<vmem>>) semaphore(%run_scoped3A_189 : memref<!tpu.dma_semaphore, #tpu.memory_space<semaphore_mem>>) {add = true}
        %dma_wait3A_195 = arith.constant 0 : i32
        %dma_wait3A_196 = tpu.memref_slice %arg5[%mul3A_88, %run_scoped3A, %dma_wait3A_195] : memref<4x2x128xi32, #tpu.memory_space<vmem>> -> memref<1x1x128xi32, #tpu.memory_space<vmem>>
        %dma_wait3A_197 = tpu.memref_squeeze %dma_wait3A_196 : memref<1x1x128xi32, #tpu.memory_space<vmem>> -> memref<128xi32, #tpu.memory_space<vmem>>
        %dma_wait3A_198 = arith.constant 0 : i32
        %dma_wait3A_199 = arith.constant 0 : i32
        %dma_wait3A_200 = tpu.memref_slice %arg8[%dma_wait3A_198, %dma_wait3A_199] : memref<10240x128xf32, #tpu.memory_space<vmem_shared>> -> memref<10240x128xf32, #tpu.memory_space<vmem_shared>>
        tpu.wait_indirect_dma semaphore(%run_scoped3A_189 : memref<!tpu.dma_semaphore, #tpu.memory_space<semaphore_mem>>) src(%arg6 : memref<128x128xf32, #tpu.memory_space<vmem>>) dst(%dma_wait3A_200 : memref<10240x128xf32, #tpu.memory_space<vmem_shared>>)
        tpu.yield
      }) : () -> ()
      %mul3A_142 = arith.constant 2 : i32
      %mul3A_143 = arith.muli %mul3A_142, %while3A_68 : i32
      %add3A_144 = arith.constant 2 : i32
      %add3A_145 = arith.addi %mul3A_143, %add3A_144 : i32
      %lt3A_146 = arith.cmpi slt, %add3A_145, %select_n3A_8 : i32
      %convert_element_type3A_147 = arith.extui %lt3A_146 : i1 to i32
      %cond3A_148 = arith.constant 0 : i32
      %cond3A_149 = arith.cmpi ne, %convert_element_type3A_147, %cond3A_148 : i32
      scf.if %cond3A_149 {
        %dma_start3A = arith.constant 0 : i32
        %dma_start3A_189 = arith.constant 0 : i32
        %dma_start3A_190 = arith.constant 0 : i32
        %dma_start3A_191 = tpu.memref_slice %arg6[%dma_start3A_189, %dma_start3A_190] : memref<128x128xf32, #tpu.memory_space<vmem>> -> memref<64x128xf32, #tpu.memory_space<vmem>>
        %dma_start3A_192 = arith.constant 0 : i32
        %dma_start3A_193 = tpu.memref_slice %arg5[%mul3A_108, %dma_start3A, %dma_start3A_192] : memref<4x2x128xi32, #tpu.memory_space<vmem>> -> memref<1x1x64xi32, #tpu.memory_space<vmem>>
        %dma_start3A_194 = tpu.memref_squeeze %dma_start3A_193 : memref<1x1x64xi32, #tpu.memory_space<vmem>> -> memref<64xi32, #tpu.memory_space<vmem>>
        %dma_start3A_195 = arith.constant 0 : i32
        %dma_start3A_196 = arith.constant 0 : i32
        %dma_start3A_197 = tpu.memref_slice %arg2[%dma_start3A_195, %dma_start3A_196] : memref<10240x128xf32, #tpu.memory_space<hbm>> -> memref<10240x128xf32, #tpu.memory_space<hbm>>
        tpu.enqueue_indirect_dma source(%dma_start3A_197 : memref<10240x128xf32, #tpu.memory_space<hbm>>) target(%dma_start3A_191 : memref<64x128xf32, #tpu.memory_space<vmem>>) offsets(%dma_start3A_194 : memref<64xi32, #tpu.memory_space<vmem>>) semaphore(%arg9 : memref<!tpu.dma_semaphore, #tpu.memory_space<semaphore_mem>>)
        %dma_start3A_198 = arith.constant 0 : i32
        %dma_start3A_199 = arith.constant 64 : i32
        %dma_start3A_200 = arith.constant 0 : i32
        %dma_start3A_201 = tpu.memref_slice %arg6[%dma_start3A_199, %dma_start3A_200] : memref<128x128xf32, #tpu.memory_space<vmem>> -> memref<64x128xf32, #tpu.memory_space<vmem>>
        %dma_start3A_202 = arith.constant 64 : i32
        %dma_start3A_203 = tpu.memref_slice %arg5[%mul3A_108, %dma_start3A_198, %dma_start3A_202] : memref<4x2x128xi32, #tpu.memory_space<vmem>> -> memref<1x1x64xi32, #tpu.memory_space<vmem>>
        %dma_start3A_204 = tpu.memref_squeeze %dma_start3A_203 : memref<1x1x64xi32, #tpu.memory_space<vmem>> -> memref<64xi32, #tpu.memory_space<vmem>>
        %dma_start3A_205 = arith.constant 0 : i32
        %dma_start3A_206 = arith.constant 0 : i32
        %dma_start3A_207 = tpu.memref_slice %arg2[%dma_start3A_205, %dma_start3A_206] : memref<10240x128xf32, #tpu.memory_space<hbm>> -> memref<10240x128xf32, #tpu.memory_space<hbm>>
        tpu.enqueue_indirect_dma source(%dma_start3A_207 : memref<10240x128xf32, #tpu.memory_space<hbm>>) target(%dma_start3A_201 : memref<64x128xf32, #tpu.memory_space<vmem>>) offsets(%dma_start3A_204 : memref<64xi32, #tpu.memory_space<vmem>>) semaphore(%arg9 : memref<!tpu.dma_semaphore, #tpu.memory_space<semaphore_mem>>)
      } else {
      }
      %add3A_150 = arith.constant 1 : i32
      %add3A_151 = arith.addi %mul3A_88, %add3A_150 : i32
      %dma_wait3A_152 = arith.constant 0 : i32
      %dma_wait3A_153 = arith.constant 0 : i32
      %dma_wait3A_154 = arith.constant 0 : i32
      %dma_wait3A_155 = tpu.memref_slice %arg7[%dma_wait3A_153, %dma_wait3A_154] : memref<128x128xf32, #tpu.memory_space<vmem>> -> memref<64x128xf32, #tpu.memory_space<vmem>>
      %dma_wait3A_156 = arith.constant 0 : i32
      %dma_wait3A_157 = tpu.memref_slice %arg5[%add3A_151, %dma_wait3A_152, %dma_wait3A_156] : memref<4x2x128xi32, #tpu.memory_space<vmem>> -> memref<1x1x64xi32, #tpu.memory_space<vmem>>
      %dma_wait3A_158 = tpu.memref_squeeze %dma_wait3A_157 : memref<1x1x64xi32, #tpu.memory_space<vmem>> -> memref<64xi32, #tpu.memory_space<vmem>>
      %dma_wait3A_159 = arith.constant 0 : i32
      %dma_wait3A_160 = arith.constant 0 : i32
      %dma_wait3A_161 = tpu.memref_slice %arg2[%dma_wait3A_159, %dma_wait3A_160] : memref<10240x128xf32, #tpu.memory_space<hbm>> -> memref<10240x128xf32, #tpu.memory_space<hbm>>
      tpu.wait_indirect_dma semaphore(%arg10 : memref<!tpu.dma_semaphore, #tpu.memory_space<semaphore_mem>>) src(%dma_wait3A_161 : memref<10240x128xf32, #tpu.memory_space<hbm>>) dst(%dma_wait3A_155 : memref<64x128xf32, #tpu.memory_space<vmem>>)
      %dma_wait3A_162 = arith.constant 0 : i32
      %dma_wait3A_163 = arith.constant 64 : i32
      %dma_wait3A_164 = arith.constant 0 : i32
      %dma_wait3A_165 = tpu.memref_slice %arg7[%dma_wait3A_163, %dma_wait3A_164] : memref<128x128xf32, #tpu.memory_space<vmem>> -> memref<64x128xf32, #tpu.memory_space<vmem>>
      %dma_wait3A_166 = arith.constant 64 : i32
      %dma_wait3A_167 = tpu.memref_slice %arg5[%add3A_151, %dma_wait3A_162, %dma_wait3A_166] : memref<4x2x128xi32, #tpu.memory_space<vmem>> -> memref<1x1x64xi32, #tpu.memory_space<vmem>>
      %dma_wait3A_168 = tpu.memref_squeeze %dma_wait3A_167 : memref<1x1x64xi32, #tpu.memory_space<vmem>> -> memref<64xi32, #tpu.memory_space<vmem>>
      %dma_wait3A_169 = arith.constant 0 : i32
      %dma_wait3A_170 = arith.constant 0 : i32
      %dma_wait3A_171 = tpu.memref_slice %arg2[%dma_wait3A_169, %dma_wait3A_170] : memref<10240x128xf32, #tpu.memory_space<hbm>> -> memref<10240x128xf32, #tpu.memory_space<hbm>>
      tpu.wait_indirect_dma semaphore(%arg10 : memref<!tpu.dma_semaphore, #tpu.memory_space<semaphore_mem>>) src(%dma_wait3A_171 : memref<10240x128xf32, #tpu.memory_space<hbm>>) dst(%dma_wait3A_165 : memref<64x128xf32, #tpu.memory_space<vmem>>)
      %add3A_172 = arith.constant 1 : i32
      %add3A_173 = arith.addi %mul3A_88, %add3A_172 : i32
      %run_scoped3A_174 = arith.constant 1 : i32
      "tpu.region"() ({
        %run_scoped3A_189 = tpu.sem_alloc : memref<!tpu.dma_semaphore, #tpu.memory_space<semaphore_mem>>
        %dma_start3A = arith.constant 0 : i32
        %dma_start3A_190 = tpu.memref_slice %arg5[%add3A_173, %run_scoped3A_174, %dma_start3A] : memref<4x2x128xi32, #tpu.memory_space<vmem>> -> memref<1x1x128xi32, #tpu.memory_space<vmem>>
        %dma_start3A_191 = tpu.memref_squeeze %dma_start3A_190 : memref<1x1x128xi32, #tpu.memory_space<vmem>> -> memref<128xi32, #tpu.memory_space<vmem>>
        %dma_start3A_192 = arith.constant 0 : i32
        %dma_start3A_193 = arith.constant 0 : i32
        %dma_start3A_194 = tpu.memref_slice %arg8[%dma_start3A_192, %dma_start3A_193] : memref<10240x128xf32, #tpu.memory_space<vmem_shared>> -> memref<10240x128xf32, #tpu.memory_space<vmem_shared>>
        tpu.enqueue_indirect_dma source(%arg7 : memref<128x128xf32, #tpu.memory_space<vmem>>) target(%dma_start3A_194 : memref<10240x128xf32, #tpu.memory_space<vmem_shared>>) offsets(%dma_start3A_191 : memref<128xi32, #tpu.memory_space<vmem>>) semaphore(%run_scoped3A_189 : memref<!tpu.dma_semaphore, #tpu.memory_space<semaphore_mem>>) {add = true}
        %dma_wait3A_195 = arith.constant 0 : i32
        %dma_wait3A_196 = tpu.memref_slice %arg5[%add3A_173, %run_scoped3A_174, %dma_wait3A_195] : memref<4x2x128xi32, #tpu.memory_space<vmem>> -> memref<1x1x128xi32, #tpu.memory_space<vmem>>
        %dma_wait3A_197 = tpu.memref_squeeze %dma_wait3A_196 : memref<1x1x128xi32, #tpu.memory_space<vmem>> -> memref<128xi32, #tpu.memory_space<vmem>>
        %dma_wait3A_198 = arith.constant 0 : i32
        %dma_wait3A_199 = arith.constant 0 : i32
        %dma_wait3A_200 = tpu.memref_slice %arg8[%dma_wait3A_198, %dma_wait3A_199] : memref<10240x128xf32, #tpu.memory_space<vmem_shared>> -> memref<10240x128xf32, #tpu.memory_space<vmem_shared>>
        tpu.wait_indirect_dma semaphore(%run_scoped3A_189 : memref<!tpu.dma_semaphore, #tpu.memory_space<semaphore_mem>>) src(%arg7 : memref<128x128xf32, #tpu.memory_space<vmem>>) dst(%dma_wait3A_200 : memref<10240x128xf32, #tpu.memory_space<vmem_shared>>)
        tpu.yield
      }) : () -> ()
      %mul3A_175 = arith.constant 2 : i32
      %mul3A_176 = arith.muli %mul3A_175, %while3A_68 : i32
      %add3A_177 = arith.constant 3 : i32
      %add3A_178 = arith.addi %mul3A_176, %add3A_177 : i32
      %lt3A_179 = arith.cmpi slt, %add3A_178, %select_n3A_8 : i32
      %convert_element_type3A_180 = arith.extui %lt3A_179 : i1 to i32
      %cond3A_181 = arith.constant 0 : i32
      %cond3A_182 = arith.cmpi ne, %convert_element_type3A_180, %cond3A_181 : i32
      scf.if %cond3A_182 {
        %add3A_189 = arith.constant 1 : i32
        %add3A_190 = arith.addi %mul3A_108, %add3A_189 : i32
        %dma_start3A = arith.constant 0 : i32
        %dma_start3A_191 = arith.constant 0 : i32
        %dma_start3A_192 = arith.constant 0 : i32
        %dma_start3A_193 = tpu.memref_slice %arg7[%dma_start3A_191, %dma_start3A_192] : memref<128x128xf32, #tpu.memory_space<vmem>> -> memref<64x128xf32, #tpu.memory_space<vmem>>
        %dma_start3A_194 = arith.constant 0 : i32
        %dma_start3A_195 = tpu.memref_slice %arg5[%add3A_190, %dma_start3A, %dma_start3A_194] : memref<4x2x128xi32, #tpu.memory_space<vmem>> -> memref<1x1x64xi32, #tpu.memory_space<vmem>>
        %dma_start3A_196 = tpu.memref_squeeze %dma_start3A_195 : memref<1x1x64xi32, #tpu.memory_space<vmem>> -> memref<64xi32, #tpu.memory_space<vmem>>
        %dma_start3A_197 = arith.constant 0 : i32
        %dma_start3A_198 = arith.constant 0 : i32
        %dma_start3A_199 = tpu.memref_slice %arg2[%dma_start3A_197, %dma_start3A_198] : memref<10240x128xf32, #tpu.memory_space<hbm>> -> memref<10240x128xf32, #tpu.memory_space<hbm>>
        tpu.enqueue_indirect_dma source(%dma_start3A_199 : memref<10240x128xf32, #tpu.memory_space<hbm>>) target(%dma_start3A_193 : memref<64x128xf32, #tpu.memory_space<vmem>>) offsets(%dma_start3A_196 : memref<64xi32, #tpu.memory_space<vmem>>) semaphore(%arg10 : memref<!tpu.dma_semaphore, #tpu.memory_space<semaphore_mem>>)
        %dma_start3A_200 = arith.constant 0 : i32
        %dma_start3A_201 = arith.constant 64 : i32
        %dma_start3A_202 = arith.constant 0 : i32
        %dma_start3A_203 = tpu.memref_slice %arg7[%dma_start3A_201, %dma_start3A_202] : memref<128x128xf32, #tpu.memory_space<vmem>> -> memref<64x128xf32, #tpu.memory_space<vmem>>
        %dma_start3A_204 = arith.constant 64 : i32
        %dma_start3A_205 = tpu.memref_slice %arg5[%add3A_190, %dma_start3A_200, %dma_start3A_204] : memref<4x2x128xi32, #tpu.memory_space<vmem>> -> memref<1x1x64xi32, #tpu.memory_space<vmem>>
        %dma_start3A_206 = tpu.memref_squeeze %dma_start3A_205 : memref<1x1x64xi32, #tpu.memory_space<vmem>> -> memref<64xi32, #tpu.memory_space<vmem>>
        %dma_start3A_207 = arith.constant 0 : i32
        %dma_start3A_208 = arith.constant 0 : i32
        %dma_start3A_209 = tpu.memref_slice %arg2[%dma_start3A_207, %dma_start3A_208] : memref<10240x128xf32, #tpu.memory_space<hbm>> -> memref<10240x128xf32, #tpu.memory_space<hbm>>
        tpu.enqueue_indirect_dma source(%dma_start3A_209 : memref<10240x128xf32, #tpu.memory_space<hbm>>) target(%dma_start3A_203 : memref<64x128xf32, #tpu.memory_space<vmem>>) offsets(%dma_start3A_206 : memref<64xi32, #tpu.memory_space<vmem>>) semaphore(%arg10 : memref<!tpu.dma_semaphore, #tpu.memory_space<semaphore_mem>>)
      } else {
      }
      %add3A_183 = arith.constant 1 : i32
      %add3A_184 = arith.addi %while3A_68, %add3A_183 : i32
      %lt3A_185 = arith.cmpi slt, %add3A_184, %select_n3A_26 : i32
      %convert_element_type3A_186 = arith.extui %lt3A_185 : i1 to i32
      %cond3A_187 = arith.constant 0 : i32
      %cond3A_188 = arith.cmpi ne, %convert_element_type3A_186, %cond3A_187 : i32
      scf.if %cond3A_188 {
        %add3A_189 = arith.constant 4 : i32
        %add3A_190 = arith.addi %add3A_71, %add3A_189 : i32
        %min3A = arith.constant 2558 : i32
        %min3A_191 = arith.minsi %add3A_190, %min3A : i32
        %dma_start3A = arith.constant 0 : i32
        %dma_start3A_192 = arith.constant 0 : i32
        %dma_start3A_193 = tpu.memref_slice %arg5[%mul3A_88, %dma_start3A, %dma_start3A_192] : memref<4x2x128xi32, #tpu.memory_space<vmem>> -> memref<2x2x128xi32, #tpu.memory_space<vmem>>
        %dma_start3A_194 = arith.constant 0 : i32
        %dma_start3A_195 = arith.constant 0 : i32
        %dma_start3A_196 = tpu.memref_slice %arg3[%min3A_191, %dma_start3A_194, %dma_start3A_195] : memref<2560x2x128xi32, #tpu.memory_space<hbm>> -> memref<2x2x128xi32, #tpu.memory_space<hbm>>
        %dma_start3A_197 = arith.constant 0 : i32
        %dma_start3A_198 = arith.constant 0 : i32
        %dma_start3A_199 = tpu.memref_slice %arg5[%mul3A_88, %dma_start3A_197, %dma_start3A_198] : memref<4x2x128xi32, #tpu.memory_space<vmem>> -> memref<2x2x128xi32, #tpu.memory_space<vmem>>
        %dma_start3A_200 = arith.constant 0 : i32
        %dma_start3A_201 = arith.constant 0 : i32
        %dma_start3A_202 = tpu.memref_slice %arg3[%min3A_191, %dma_start3A_200, %dma_start3A_201] : memref<2560x2x128xi32, #tpu.memory_space<hbm>> -> memref<2x2x128xi32, #tpu.memory_space<hbm>>
        tpu.enqueue_dma source(%dma_start3A_202 : memref<2x2x128xi32, #tpu.memory_space<hbm>>) target(%dma_start3A_199 : memref<2x2x128xi32, #tpu.memory_space<vmem>>) target_semaphore(%arg11 : memref<!tpu.dma_semaphore, #tpu.memory_space<semaphore_mem>>)
      } else {
      }
    }
    %barrier3A_63 = arith.constant 0 : index
    tpu.barrier barrier_id(%barrier3A_63)
    %mul3A_64 = arith.constant 640 : i32
    %mul3A_65 = arith.muli %arg1, %mul3A_64 : i32
    %mul3A_66 = arith.constant 640 : i32
    %mul3A_67 = arith.muli %arg1, %mul3A_66 : i32
    "tpu.region"() ({
      %run_scoped3A = tpu.sem_alloc : memref<!tpu.dma_semaphore, #tpu.memory_space<semaphore_mem>>
      %dma_start3A = arith.constant 0 : i32
      %dma_start3A_68 = tpu.memref_slice %arg4[%arg0, %mul3A_67, %dma_start3A] : memref<2x10240x128xf32, #tpu.memory_space<hbm>> -> memref<1x640x128xf32, #tpu.memory_space<hbm>>
      %dma_start3A_69 = tpu.memref_squeeze %dma_start3A_68 : memref<1x640x128xf32, #tpu.memory_space<hbm>> -> memref<640x128xf32, #tpu.memory_space<hbm>>
      %dma_start3A_70 = arith.constant 0 : i32
      %dma_start3A_71 = tpu.memref_slice %arg8[%mul3A_65, %dma_start3A_70] : memref<10240x128xf32, #tpu.memory_space<vmem_shared>> -> memref<640x128xf32, #tpu.memory_space<vmem_shared>>
      tpu.enqueue_dma source(%dma_start3A_71 : memref<640x128xf32, #tpu.memory_space<vmem_shared>>) target(%dma_start3A_69 : memref<640x128xf32, #tpu.memory_space<hbm>>) target_semaphore(%run_scoped3A : memref<!tpu.dma_semaphore, #tpu.memory_space<semaphore_mem>>)
      %dma_wait3A = arith.constant 0 : i32
      %dma_wait3A_72 = tpu.memref_slice %arg4[%arg0, %mul3A_67, %dma_wait3A] : memref<2x10240x128xf32, #tpu.memory_space<hbm>> -> memref<1x640x128xf32, #tpu.memory_space<hbm>>
      %dma_wait3A_73 = tpu.memref_squeeze %dma_wait3A_72 : memref<1x640x128xf32, #tpu.memory_space<hbm>> -> memref<640x128xf32, #tpu.memory_space<hbm>>
      %dma_wait3A_74 = arith.constant 0 : i32
      %dma_wait3A_75 = tpu.memref_slice %arg8[%mul3A_65, %dma_wait3A_74] : memref<10240x128xf32, #tpu.memory_space<vmem_shared>> -> memref<640x128xf32, #tpu.memory_space<vmem_shared>>
      tpu.wait_dma2 semaphore(%run_scoped3A : memref<!tpu.dma_semaphore, #tpu.memory_space<semaphore_mem>>) src(%dma_wait3A_75 : memref<640x128xf32, #tpu.memory_space<vmem_shared>>) dst(%dma_wait3A_73 : memref<640x128xf32, #tpu.memory_space<hbm>>)
      tpu.yield
    }) : () -> ()
    return
  }
}

#map = affine_map<(d0, d1) -> (0, 0)>
#map1 = affine_map<(d0, d1) -> (0, 0, 0)>
module attributes {stable_mosaic.version = 14 : i64} {
  func.func @_agg_body(%arg0: i32, %arg1: i32, %arg2: memref<10240x128xf32, #tpu.memory_space<hbm>>, %arg3: memref<2560x2x128xi32, #tpu.memory_space<hbm>>, %arg4: memref<2x10240x128xf32, #tpu.memory_space<hbm>>, %arg5: memref<4x2x128xi32, #tpu.memory_space<vmem>>, %arg6: memref<128x128xf32, #tpu.memory_space<vmem>>, %arg7: memref<128x128xf32, #tpu.memory_space<vmem>>, %arg8: memref<10240x128xf32, #tpu.memory_space<vmem_shared>>, %arg9: memref<!tpu.dma_semaphore, #tpu.memory_space<semaphore_mem>>, %arg10: memref<!tpu.dma_semaphore, #tpu.memory_space<semaphore_mem>>, %arg11: memref<!tpu.dma_semaphore, #tpu.memory_space<semaphore_mem>>) attributes {dimension_semantics = [#tpu.dimension_semantics<core_parallel>, #tpu.dimension_semantics<subcore_parallel>], iteration_bounds = array<i64: 2, 16>, scalar_prefetch = 0 : i64, scratch_operands = 7 : i64, tpu.core_type = #tpu.core_type<sc_vector_subcore>, window_params = [{transform_indices = #map}, {transform_indices = #map1}, {transform_indices = #map1}]} {
    %eq3A = arith.constant 0 : i32
    %eq3A_0 = arith.cmpi eq, %arg0, %eq3A : i32
    %mul3A = arith.constant 140 : i32
    %mul3A_1 = arith.muli %arg1, %mul3A : i32
    %mul3A_2 = arith.constant 20 : i32
    %mul3A_3 = arith.muli %arg1, %mul3A_2 : i32
    %add3A = arith.constant 2240 : i32
    %add3A_4 = arith.addi %add3A, %mul3A_3 : i32
    %select_n3A = arith.select %eq3A_0, %mul3A_1, %add3A_4 : i32
    %eq3A_5 = arith.constant 0 : i32
    %eq3A_6 = arith.cmpi eq, %arg0, %eq3A_5 : i32
    %jit3A = arith.constant 140 : i32
    %jit3A_7 = arith.constant 20 : i32
    %select_n3A_8 = arith.select %eq3A_6, %jit3A, %jit3A_7 : i32
    %jit3A_9 = arith.constant 2 : i32
    %div3A = arith.divsi %select_n3A_8, %jit3A_9 : i32
    %sign3A = arith.constant 0 : i32
    %sign3A_10 = arith.cmpi sgt, %select_n3A_8, %sign3A : i32
    %sign3A_11 = arith.extui %sign3A_10 : i1 to i32
    %sign3A_12 = arith.constant 0 : i32
    %sign3A_13 = arith.cmpi slt, %select_n3A_8, %sign3A_12 : i32
    %sign3A_14 = arith.extui %sign3A_13 : i1 to i32
    %sign3A_15 = arith.subi %sign3A_11, %sign3A_14 : i32
    %sign3A_16 = arith.constant 0 : i32
    %sign3A_17 = arith.cmpi sgt, %jit3A_9, %sign3A_16 : i32
    %sign3A_18 = arith.extui %sign3A_17 : i1 to i32
    %sign3A_19 = arith.constant 0 : i32
    %sign3A_20 = arith.cmpi slt, %jit3A_9, %sign3A_19 : i32
    %sign3A_21 = arith.extui %sign3A_20 : i1 to i32
    %sign3A_22 = arith.subi %sign3A_18, %sign3A_21 : i32
    %ne3A = arith.cmpi ne, %sign3A_15, %sign3A_22 : i32
    %rem3A = arith.remsi %select_n3A_8, %jit3A_9 : i32
    %ne3A_23 = arith.constant 0 : i32
    %ne3A_24 = arith.cmpi ne, %rem3A, %ne3A_23 : i32
    %and3A = arith.andi %ne3A, %ne3A_24 : i1
    %sub3A = arith.constant 1 : i32
    %sub3A_25 = arith.subi %div3A, %sub3A : i32
    %select_n3A_26 = arith.select %and3A, %sub3A_25, %div3A : i32
    %scan3A = arith.constant 0 : i32
    %scan3A_27 = arith.constant 0 : i32
    %scan3A_28 = arith.constant 128 : i32
    %scan3A_29 = arith.addi %scan3A_27, %scan3A_28 : i32
    %scan3A_30 = arith.constant 1 : i32
    scf.for %scan3A_68 = %scan3A_27 to %scan3A_29 step %scan3A_30  : i32 {
      %broadcast_in_dim3A = arith.constant 0.000000e+00 : f32
      %broadcast_in_dim3A_69 = vector.broadcast %broadcast_in_dim3A : f32 to vector<16xf32>
      %swap3A = arith.index_cast %scan3A_68 : i32 to index
      %swap3A_70 = arith.constant 0 : index
      %swap3A_71 = tpu.vector_load %arg6[%swap3A, %swap3A_70] {strides = array<i32>} : memref<128x128xf32, #tpu.memory_space<vmem>>, vector<1x16xf32>,
      %swap3A_72 = vector.shape_cast %swap3A_71 : vector<1x16xf32> to vector<16xf32>
      %swap3A_73 = vector.shape_cast %broadcast_in_dim3A_69 : vector<16xf32> to vector<1x16xf32>
      tpu.vector_store %arg6[%swap3A, %swap3A_70], %swap3A_73 {strides = array<i32>} : memref<128x128xf32, #tpu.memory_space<vmem>>, vector<1x16xf32>,
      %broadcast_in_dim3A_74 = arith.constant 0.000000e+00 : f32
      %broadcast_in_dim3A_75 = vector.broadcast %broadcast_in_dim3A_74 : f32 to vector<16xf32>
      %swap3A_76 = arith.index_cast %scan3A_68 : i32 to index
      %swap3A_77 = arith.constant 16 : index
      %swap3A_78 = tpu.vector_load %arg6[%swap3A_76, %swap3A_77] {strides = array<i32>} : memref<128x128xf32, #tpu.memory_space<vmem>>, vector<1x16xf32>,
      %swap3A_79 = vector.shape_cast %swap3A_78 : vector<1x16xf32> to vector<16xf32>
      %swap3A_80 = vector.shape_cast %broadcast_in_dim3A_75 : vector<16xf32> to vector<1x16xf32>
      tpu.vector_store %arg6[%swap3A_76, %swap3A_77], %swap3A_80 {strides = array<i32>} : memref<128x128xf32, #tpu.memory_space<vmem>>, vector<1x16xf32>,
      %broadcast_in_dim3A_81 = arith.constant 0.000000e+00 : f32
      %broadcast_in_dim3A_82 = vector.broadcast %broadcast_in_dim3A_81 : f32 to vector<16xf32>
      %swap3A_83 = arith.index_cast %scan3A_68 : i32 to index
      %swap3A_84 = arith.constant 32 : index
      %swap3A_85 = tpu.vector_load %arg6[%swap3A_83, %swap3A_84] {strides = array<i32>} : memref<128x128xf32, #tpu.memory_space<vmem>>, vector<1x16xf32>,
      %swap3A_86 = vector.shape_cast %swap3A_85 : vector<1x16xf32> to vector<16xf32>
      %swap3A_87 = vector.shape_cast %broadcast_in_dim3A_82 : vector<16xf32> to vector<1x16xf32>
      tpu.vector_store %arg6[%swap3A_83, %swap3A_84], %swap3A_87 {strides = array<i32>} : memref<128x128xf32, #tpu.memory_space<vmem>>, vector<1x16xf32>,
      %broadcast_in_dim3A_88 = arith.constant 0.000000e+00 : f32
      %broadcast_in_dim3A_89 = vector.broadcast %broadcast_in_dim3A_88 : f32 to vector<16xf32>
      %swap3A_90 = arith.index_cast %scan3A_68 : i32 to index
      %swap3A_91 = arith.constant 48 : index
      %swap3A_92 = tpu.vector_load %arg6[%swap3A_90, %swap3A_91] {strides = array<i32>} : memref<128x128xf32, #tpu.memory_space<vmem>>, vector<1x16xf32>,
      %swap3A_93 = vector.shape_cast %swap3A_92 : vector<1x16xf32> to vector<16xf32>
      %swap3A_94 = vector.shape_cast %broadcast_in_dim3A_89 : vector<16xf32> to vector<1x16xf32>
      tpu.vector_store %arg6[%swap3A_90, %swap3A_91], %swap3A_94 {strides = array<i32>} : memref<128x128xf32, #tpu.memory_space<vmem>>, vector<1x16xf32>,
      %broadcast_in_dim3A_95 = arith.constant 0.000000e+00 : f32
      %broadcast_in_dim3A_96 = vector.broadcast %broadcast_in_dim3A_95 : f32 to vector<16xf32>
      %swap3A_97 = arith.index_cast %scan3A_68 : i32 to index
      %swap3A_98 = arith.constant 64 : index
      %swap3A_99 = tpu.vector_load %arg6[%swap3A_97, %swap3A_98] {strides = array<i32>} : memref<128x128xf32, #tpu.memory_space<vmem>>, vector<1x16xf32>,
      %swap3A_100 = vector.shape_cast %swap3A_99 : vector<1x16xf32> to vector<16xf32>
      %swap3A_101 = vector.shape_cast %broadcast_in_dim3A_96 : vector<16xf32> to vector<1x16xf32>
      tpu.vector_store %arg6[%swap3A_97, %swap3A_98], %swap3A_101 {strides = array<i32>} : memref<128x128xf32, #tpu.memory_space<vmem>>, vector<1x16xf32>,
      %broadcast_in_dim3A_102 = arith.constant 0.000000e+00 : f32
      %broadcast_in_dim3A_103 = vector.broadcast %broadcast_in_dim3A_102 : f32 to vector<16xf32>
      %swap3A_104 = arith.index_cast %scan3A_68 : i32 to index
      %swap3A_105 = arith.constant 80 : index
      %swap3A_106 = tpu.vector_load %arg6[%swap3A_104, %swap3A_105] {strides = array<i32>} : memref<128x128xf32, #tpu.memory_space<vmem>>, vector<1x16xf32>,
      %swap3A_107 = vector.shape_cast %swap3A_106 : vector<1x16xf32> to vector<16xf32>
      %swap3A_108 = vector.shape_cast %broadcast_in_dim3A_103 : vector<16xf32> to vector<1x16xf32>
      tpu.vector_store %arg6[%swap3A_104, %swap3A_105], %swap3A_108 {strides = array<i32>} : memref<128x128xf32, #tpu.memory_space<vmem>>, vector<1x16xf32>,
      %broadcast_in_dim3A_109 = arith.constant 0.000000e+00 : f32
      %broadcast_in_dim3A_110 = vector.broadcast %broadcast_in_dim3A_109 : f32 to vector<16xf32>
      %swap3A_111 = arith.index_cast %scan3A_68 : i32 to index
      %swap3A_112 = arith.constant 96 : index
      %swap3A_113 = tpu.vector_load %arg6[%swap3A_111, %swap3A_112] {strides = array<i32>} : memref<128x128xf32, #tpu.memory_space<vmem>>, vector<1x16xf32>,
      %swap3A_114 = vector.shape_cast %swap3A_113 : vector<1x16xf32> to vector<16xf32>
      %swap3A_115 = vector.shape_cast %broadcast_in_dim3A_110 : vector<16xf32> to vector<1x16xf32>
      tpu.vector_store %arg6[%swap3A_111, %swap3A_112], %swap3A_115 {strides = array<i32>} : memref<128x128xf32, #tpu.memory_space<vmem>>, vector<1x16xf32>,
      %broadcast_in_dim3A_116 = arith.constant 0.000000e+00 : f32
      %broadcast_in_dim3A_117 = vector.broadcast %broadcast_in_dim3A_116 : f32 to vector<16xf32>
      %swap3A_118 = arith.index_cast %scan3A_68 : i32 to index
      %swap3A_119 = arith.constant 112 : index
      %swap3A_120 = tpu.vector_load %arg6[%swap3A_118, %swap3A_119] {strides = array<i32>} : memref<128x128xf32, #tpu.memory_space<vmem>>, vector<1x16xf32>,
      %swap3A_121 = vector.shape_cast %swap3A_120 : vector<1x16xf32> to vector<16xf32>
      %swap3A_122 = vector.shape_cast %broadcast_in_dim3A_117 : vector<16xf32> to vector<1x16xf32>
      tpu.vector_store %arg6[%swap3A_118, %swap3A_119], %swap3A_122 {strides = array<i32>} : memref<128x128xf32, #tpu.memory_space<vmem>>, vector<1x16xf32>,
    }
    %scan3A_31 = arith.constant 128 : i32
    %mul3A_32 = arith.constant 640 : i32
    %mul3A_33 = arith.muli %arg1, %mul3A_32 : i32
    %add3A_34 = arith.constant 0 : i32
    %add3A_35 = arith.addi %mul3A_33, %add3A_34 : i32
    "tpu.region"() ({
      %run_scoped3A = tpu.sem_alloc : memref<!tpu.dma_semaphore, #tpu.memory_space<semaphore_mem>>
      %dma_start3A = arith.constant 0 : i32
      %dma_start3A_68 = tpu.memref_slice %arg8[%add3A_35, %dma_start3A] : memref<10240x128xf32, #tpu.memory_space<vmem_shared>> -> memref<128x128xf32, #tpu.memory_space<vmem_shared>>
      %dma_start3A_69 = arith.constant 0 : i32
      %dma_start3A_70 = tpu.memref_slice %arg8[%add3A_35, %dma_start3A_69] : memref<10240x128xf32, #tpu.memory_space<vmem_shared>> -> memref<128x128xf32, #tpu.memory_space<vmem_shared>>
      tpu.enqueue_dma source(%arg6 : memref<128x128xf32, #tpu.memory_space<vmem>>) target(%dma_start3A_70 : memref<128x128xf32, #tpu.memory_space<vmem_shared>>) target_semaphore(%run_scoped3A : memref<!tpu.dma_semaphore, #tpu.memory_space<semaphore_mem>>)
      %dma_wait3A = arith.constant 0 : i32
      %dma_wait3A_71 = tpu.memref_slice %arg8[%add3A_35, %dma_wait3A] : memref<10240x128xf32, #tpu.memory_space<vmem_shared>> -> memref<128x128xf32, #tpu.memory_space<vmem_shared>>
      %dma_wait3A_72 = arith.constant 0 : i32
      %dma_wait3A_73 = tpu.memref_slice %arg8[%add3A_35, %dma_wait3A_72] : memref<10240x128xf32, #tpu.memory_space<vmem_shared>> -> memref<128x128xf32, #tpu.memory_space<vmem_shared>>
      tpu.wait_dma2 semaphore(%run_scoped3A : memref<!tpu.dma_semaphore, #tpu.memory_space<semaphore_mem>>) src(%arg6 : memref<128x128xf32, #tpu.memory_space<vmem>>) dst(%dma_wait3A_73 : memref<128x128xf32, #tpu.memory_space<vmem_shared>>)
      tpu.yield
    }) : () -> ()
    %mul3A_36 = arith.constant 640 : i32
    %mul3A_37 = arith.muli %arg1, %mul3A_36 : i32
    %add3A_38 = arith.constant 128 : i32
    %add3A_39 = arith.addi %mul3A_37, %add3A_38 : i32
    "tpu.region"() ({
      %run_scoped3A = tpu.sem_alloc : memref<!tpu.dma_semaphore, #tpu.memory_space<semaphore_mem>>
      %dma_start3A = arith.constant 0 : i32
      %dma_start3A_68 = tpu.memref_slice %arg8[%add3A_39, %dma_start3A] : memref<10240x128xf32, #tpu.memory_space<vmem_shared>> -> memref<128x128xf32, #tpu.memory_space<vmem_shared>>
      %dma_start3A_69 = arith.constant 0 : i32
      %dma_start3A_70 = tpu.memref_slice %arg8[%add3A_39, %dma_start3A_69] : memref<10240x128xf32, #tpu.memory_space<vmem_shared>> -> memref<128x128xf32, #tpu.memory_space<vmem_shared>>
      tpu.enqueue_dma source(%arg6 : memref<128x128xf32, #tpu.memory_space<vmem>>) target(%dma_start3A_70 : memref<128x128xf32, #tpu.memory_space<vmem_shared>>) target_semaphore(%run_scoped3A : memref<!tpu.dma_semaphore, #tpu.memory_space<semaphore_mem>>)
      %dma_wait3A = arith.constant 0 : i32
      %dma_wait3A_71 = tpu.memref_slice %arg8[%add3A_39, %dma_wait3A] : memref<10240x128xf32, #tpu.memory_space<vmem_shared>> -> memref<128x128xf32, #tpu.memory_space<vmem_shared>>
      %dma_wait3A_72 = arith.constant 0 : i32
      %dma_wait3A_73 = tpu.memref_slice %arg8[%add3A_39, %dma_wait3A_72] : memref<10240x128xf32, #tpu.memory_space<vmem_shared>> -> memref<128x128xf32, #tpu.memory_space<vmem_shared>>
      tpu.wait_dma2 semaphore(%run_scoped3A : memref<!tpu.dma_semaphore, #tpu.memory_space<semaphore_mem>>) src(%arg6 : memref<128x128xf32, #tpu.memory_space<vmem>>) dst(%dma_wait3A_73 : memref<128x128xf32, #tpu.memory_space<vmem_shared>>)
      tpu.yield
    }) : () -> ()
    %mul3A_40 = arith.constant 640 : i32
    %mul3A_41 = arith.muli %arg1, %mul3A_40 : i32
    %add3A_42 = arith.constant 256 : i32
    %add3A_43 = arith.addi %mul3A_41, %add3A_42 : i32
    "tpu.region"() ({
      %run_scoped3A = tpu.sem_alloc : memref<!tpu.dma_semaphore, #tpu.memory_space<semaphore_mem>>
      %dma_start3A = arith.constant 0 : i32
      %dma_start3A_68 = tpu.memref_slice %arg8[%add3A_43, %dma_start3A] : memref<10240x128xf32, #tpu.memory_space<vmem_shared>> -> memref<128x128xf32, #tpu.memory_space<vmem_shared>>
      %dma_start3A_69 = arith.constant 0 : i32
      %dma_start3A_70 = tpu.memref_slice %arg8[%add3A_43, %dma_start3A_69] : memref<10240x128xf32, #tpu.memory_space<vmem_shared>> -> memref<128x128xf32, #tpu.memory_space<vmem_shared>>
      tpu.enqueue_dma source(%arg6 : memref<128x128xf32, #tpu.memory_space<vmem>>) target(%dma_start3A_70 : memref<128x128xf32, #tpu.memory_space<vmem_shared>>) target_semaphore(%run_scoped3A : memref<!tpu.dma_semaphore, #tpu.memory_space<semaphore_mem>>)
      %dma_wait3A = arith.constant 0 : i32
      %dma_wait3A_71 = tpu.memref_slice %arg8[%add3A_43, %dma_wait3A] : memref<10240x128xf32, #tpu.memory_space<vmem_shared>> -> memref<128x128xf32, #tpu.memory_space<vmem_shared>>
      %dma_wait3A_72 = arith.constant 0 : i32
      %dma_wait3A_73 = tpu.memref_slice %arg8[%add3A_43, %dma_wait3A_72] : memref<10240x128xf32, #tpu.memory_space<vmem_shared>> -> memref<128x128xf32, #tpu.memory_space<vmem_shared>>
      tpu.wait_dma2 semaphore(%run_scoped3A : memref<!tpu.dma_semaphore, #tpu.memory_space<semaphore_mem>>) src(%arg6 : memref<128x128xf32, #tpu.memory_space<vmem>>) dst(%dma_wait3A_73 : memref<128x128xf32, #tpu.memory_space<vmem_shared>>)
      tpu.yield
    }) : () -> ()
    %mul3A_44 = arith.constant 640 : i32
    %mul3A_45 = arith.muli %arg1, %mul3A_44 : i32
    %add3A_46 = arith.constant 384 : i32
    %add3A_47 = arith.addi %mul3A_45, %add3A_46 : i32
    "tpu.region"() ({
      %run_scoped3A = tpu.sem_alloc : memref<!tpu.dma_semaphore, #tpu.memory_space<semaphore_mem>>
      %dma_start3A = arith.constant 0 : i32
      %dma_start3A_68 = tpu.memref_slice %arg8[%add3A_47, %dma_start3A] : memref<10240x128xf32, #tpu.memory_space<vmem_shared>> -> memref<128x128xf32, #tpu.memory_space<vmem_shared>>
      %dma_start3A_69 = arith.constant 0 : i32
      %dma_start3A_70 = tpu.memref_slice %arg8[%add3A_47, %dma_start3A_69] : memref<10240x128xf32, #tpu.memory_space<vmem_shared>> -> memref<128x128xf32, #tpu.memory_space<vmem_shared>>
      tpu.enqueue_dma source(%arg6 : memref<128x128xf32, #tpu.memory_space<vmem>>) target(%dma_start3A_70 : memref<128x128xf32, #tpu.memory_space<vmem_shared>>) target_semaphore(%run_scoped3A : memref<!tpu.dma_semaphore, #tpu.memory_space<semaphore_mem>>)
      %dma_wait3A = arith.constant 0 : i32
      %dma_wait3A_71 = tpu.memref_slice %arg8[%add3A_47, %dma_wait3A] : memref<10240x128xf32, #tpu.memory_space<vmem_shared>> -> memref<128x128xf32, #tpu.memory_space<vmem_shared>>
      %dma_wait3A_72 = arith.constant 0 : i32
      %dma_wait3A_73 = tpu.memref_slice %arg8[%add3A_47, %dma_wait3A_72] : memref<10240x128xf32, #tpu.memory_space<vmem_shared>> -> memref<128x128xf32, #tpu.memory_space<vmem_shared>>
      tpu.wait_dma2 semaphore(%run_scoped3A : memref<!tpu.dma_semaphore, #tpu.memory_space<semaphore_mem>>) src(%arg6 : memref<128x128xf32, #tpu.memory_space<vmem>>) dst(%dma_wait3A_73 : memref<128x128xf32, #tpu.memory_space<vmem_shared>>)
      tpu.yield
    }) : () -> ()
    %mul3A_48 = arith.constant 640 : i32
    %mul3A_49 = arith.muli %arg1, %mul3A_48 : i32
    %add3A_50 = arith.constant 512 : i32
    %add3A_51 = arith.addi %mul3A_49, %add3A_50 : i32
    "tpu.region"() ({
      %run_scoped3A = tpu.sem_alloc : memref<!tpu.dma_semaphore, #tpu.memory_space<semaphore_mem>>
      %dma_start3A = arith.constant 0 : i32
      %dma_start3A_68 = tpu.memref_slice %arg8[%add3A_51, %dma_start3A] : memref<10240x128xf32, #tpu.memory_space<vmem_shared>> -> memref<128x128xf32, #tpu.memory_space<vmem_shared>>
      %dma_start3A_69 = arith.constant 0 : i32
      %dma_start3A_70 = tpu.memref_slice %arg8[%add3A_51, %dma_start3A_69] : memref<10240x128xf32, #tpu.memory_space<vmem_shared>> -> memref<128x128xf32, #tpu.memory_space<vmem_shared>>
      tpu.enqueue_dma source(%arg6 : memref<128x128xf32, #tpu.memory_space<vmem>>) target(%dma_start3A_70 : memref<128x128xf32, #tpu.memory_space<vmem_shared>>) target_semaphore(%run_scoped3A : memref<!tpu.dma_semaphore, #tpu.memory_space<semaphore_mem>>)
      %dma_wait3A = arith.constant 0 : i32
      %dma_wait3A_71 = tpu.memref_slice %arg8[%add3A_51, %dma_wait3A] : memref<10240x128xf32, #tpu.memory_space<vmem_shared>> -> memref<128x128xf32, #tpu.memory_space<vmem_shared>>
      %dma_wait3A_72 = arith.constant 0 : i32
      %dma_wait3A_73 = tpu.memref_slice %arg8[%add3A_51, %dma_wait3A_72] : memref<10240x128xf32, #tpu.memory_space<vmem_shared>> -> memref<128x128xf32, #tpu.memory_space<vmem_shared>>
      tpu.wait_dma2 semaphore(%run_scoped3A : memref<!tpu.dma_semaphore, #tpu.memory_space<semaphore_mem>>) src(%arg6 : memref<128x128xf32, #tpu.memory_space<vmem>>) dst(%dma_wait3A_73 : memref<128x128xf32, #tpu.memory_space<vmem_shared>>)
      tpu.yield
    }) : () -> ()
    %barrier3A = arith.constant 0 : index
    tpu.barrier barrier_id(%barrier3A)
    %gt3A = arith.constant 0 : i32
    %gt3A_52 = arith.cmpi sgt, %select_n3A_8, %gt3A : i32
    %convert_element_type3A = arith.extui %gt3A_52 : i1 to i32
    %cond3A = arith.constant 0 : i32
    %cond3A_53 = arith.cmpi ne, %convert_element_type3A, %cond3A : i32
    scf.if %cond3A_53 {
      "tpu.region"() ({
        %run_scoped3A = tpu.sem_alloc : memref<!tpu.dma_semaphore, #tpu.memory_space<semaphore_mem>>
        %dma_start3A_127 = arith.constant 0 : i32
        %dma_start3A_128 = arith.constant 0 : i32
        %dma_start3A_129 = arith.constant 0 : i32
        %dma_start3A_130 = tpu.memref_slice %arg5[%dma_start3A_127, %dma_start3A_128, %dma_start3A_129] : memref<4x2x128xi32, #tpu.memory_space<vmem>> -> memref<2x2x128xi32, #tpu.memory_space<vmem>>
        %dma_start3A_131 = arith.constant 0 : i32
        %dma_start3A_132 = arith.constant 0 : i32
        %dma_start3A_133 = tpu.memref_slice %arg3[%select_n3A, %dma_start3A_131, %dma_start3A_132] : memref<2560x2x128xi32, #tpu.memory_space<hbm>> -> memref<2x2x128xi32, #tpu.memory_space<hbm>>
        %dma_start3A_134 = arith.constant 0 : i32
        %dma_start3A_135 = arith.constant 0 : i32
        %dma_start3A_136 = arith.constant 0 : i32
        %dma_start3A_137 = tpu.memref_slice %arg5[%dma_start3A_134, %dma_start3A_135, %dma_start3A_136] : memref<4x2x128xi32, #tpu.memory_space<vmem>> -> memref<2x2x128xi32, #tpu.memory_space<vmem>>
        %dma_start3A_138 = arith.constant 0 : i32
        %dma_start3A_139 = arith.constant 0 : i32
        %dma_start3A_140 = tpu.memref_slice %arg3[%select_n3A, %dma_start3A_138, %dma_start3A_139] : memref<2560x2x128xi32, #tpu.memory_space<hbm>> -> memref<2x2x128xi32, #tpu.memory_space<hbm>>
        tpu.enqueue_dma source(%dma_start3A_140 : memref<2x2x128xi32, #tpu.memory_space<hbm>>) target(%dma_start3A_137 : memref<2x2x128xi32, #tpu.memory_space<vmem>>) target_semaphore(%run_scoped3A : memref<!tpu.dma_semaphore, #tpu.memory_space<semaphore_mem>>)
        %dma_wait3A = arith.constant 0 : i32
        %dma_wait3A_141 = arith.constant 0 : i32
        %dma_wait3A_142 = arith.constant 0 : i32
        %dma_wait3A_143 = tpu.memref_slice %arg5[%dma_wait3A, %dma_wait3A_141, %dma_wait3A_142] : memref<4x2x128xi32, #tpu.memory_space<vmem>> -> memref<2x2x128xi32, #tpu.memory_space<vmem>>
        %dma_wait3A_144 = arith.constant 0 : i32
        %dma_wait3A_145 = arith.constant 0 : i32
        %dma_wait3A_146 = tpu.memref_slice %arg3[%select_n3A, %dma_wait3A_144, %dma_wait3A_145] : memref<2560x2x128xi32, #tpu.memory_space<hbm>> -> memref<2x2x128xi32, #tpu.memory_space<hbm>>
        %dma_wait3A_147 = arith.constant 0 : i32
        %dma_wait3A_148 = arith.constant 0 : i32
        %dma_wait3A_149 = arith.constant 0 : i32
        %dma_wait3A_150 = tpu.memref_slice %arg5[%dma_wait3A_147, %dma_wait3A_148, %dma_wait3A_149] : memref<4x2x128xi32, #tpu.memory_space<vmem>> -> memref<2x2x128xi32, #tpu.memory_space<vmem>>
        %dma_wait3A_151 = arith.constant 0 : i32
        %dma_wait3A_152 = arith.constant 0 : i32
        %dma_wait3A_153 = tpu.memref_slice %arg3[%select_n3A, %dma_wait3A_151, %dma_wait3A_152] : memref<2560x2x128xi32, #tpu.memory_space<hbm>> -> memref<2x2x128xi32, #tpu.memory_space<hbm>>
        tpu.wait_dma2 semaphore(%run_scoped3A : memref<!tpu.dma_semaphore, #tpu.memory_space<semaphore_mem>>) src(%dma_wait3A_153 : memref<2x2x128xi32, #tpu.memory_space<hbm>>) dst(%dma_wait3A_150 : memref<2x2x128xi32, #tpu.memory_space<vmem>>)
        tpu.yield
      }) : () -> ()
      %dma_start3A = arith.constant 0 : i32
      %dma_start3A_68 = arith.constant 0 : i32
      %dma_start3A_69 = arith.constant 0 : i32
      %dma_start3A_70 = arith.constant 0 : i32
      %dma_start3A_71 = tpu.memref_slice %arg6[%dma_start3A_69, %dma_start3A_70] : memref<128x128xf32, #tpu.memory_space<vmem>> -> memref<64x128xf32, #tpu.memory_space<vmem>>
      %dma_start3A_72 = arith.constant 0 : i32
      %dma_start3A_73 = tpu.memref_slice %arg5[%dma_start3A, %dma_start3A_68, %dma_start3A_72] : memref<4x2x128xi32, #tpu.memory_space<vmem>> -> memref<1x1x64xi32, #tpu.memory_space<vmem>>
      %dma_start3A_74 = tpu.memref_squeeze %dma_start3A_73 : memref<1x1x64xi32, #tpu.memory_space<vmem>> -> memref<64xi32, #tpu.memory_space<vmem>>
      %dma_start3A_75 = arith.constant 0 : i32
      %dma_start3A_76 = arith.constant 0 : i32
      %dma_start3A_77 = tpu.memref_slice %arg2[%dma_start3A_75, %dma_start3A_76] : memref<10240x128xf32, #tpu.memory_space<hbm>> -> memref<10240x128xf32, #tpu.memory_space<hbm>>
      tpu.enqueue_indirect_dma source(%dma_start3A_77 : memref<10240x128xf32, #tpu.memory_space<hbm>>) target(%dma_start3A_71 : memref<64x128xf32, #tpu.memory_space<vmem>>) offsets(%dma_start3A_74 : memref<64xi32, #tpu.memory_space<vmem>>) semaphore(%arg9 : memref<!tpu.dma_semaphore, #tpu.memory_space<semaphore_mem>>)
      %dma_start3A_78 = arith.constant 0 : i32
      %dma_start3A_79 = arith.constant 0 : i32
      %dma_start3A_80 = arith.constant 64 : i32
      %dma_start3A_81 = arith.constant 0 : i32
      %dma_start3A_82 = tpu.memref_slice %arg6[%dma_start3A_80, %dma_start3A_81] : memref<128x128xf32, #tpu.memory_space<vmem>> -> memref<64x128xf32, #tpu.memory_space<vmem>>
      %dma_start3A_83 = arith.constant 64 : i32
      %dma_start3A_84 = tpu.memref_slice %arg5[%dma_start3A_78, %dma_start3A_79, %dma_start3A_83] : memref<4x2x128xi32, #tpu.memory_space<vmem>> -> memref<1x1x64xi32, #tpu.memory_space<vmem>>
      %dma_start3A_85 = tpu.memref_squeeze %dma_start3A_84 : memref<1x1x64xi32, #tpu.memory_space<vmem>> -> memref<64xi32, #tpu.memory_space<vmem>>
      %dma_start3A_86 = arith.constant 0 : i32
      %dma_start3A_87 = arith.constant 0 : i32
      %dma_start3A_88 = tpu.memref_slice %arg2[%dma_start3A_86, %dma_start3A_87] : memref<10240x128xf32, #tpu.memory_space<hbm>> -> memref<10240x128xf32, #tpu.memory_space<hbm>>
      tpu.enqueue_indirect_dma source(%dma_start3A_88 : memref<10240x128xf32, #tpu.memory_space<hbm>>) target(%dma_start3A_82 : memref<64x128xf32, #tpu.memory_space<vmem>>) offsets(%dma_start3A_85 : memref<64xi32, #tpu.memory_space<vmem>>) semaphore(%arg9 : memref<!tpu.dma_semaphore, #tpu.memory_space<semaphore_mem>>)
      %dma_start3A_89 = arith.constant 1 : i32
      %dma_start3A_90 = arith.constant 0 : i32
      %dma_start3A_91 = arith.constant 0 : i32
      %dma_start3A_92 = arith.constant 0 : i32
      %dma_start3A_93 = tpu.memref_slice %arg7[%dma_start3A_91, %dma_start3A_92] : memref<128x128xf32, #tpu.memory_space<vmem>> -> memref<64x128xf32, #tpu.memory_space<vmem>>
      %dma_start3A_94 = arith.constant 0 : i32
      %dma_start3A_95 = tpu.memref_slice %arg5[%dma_start3A_89, %dma_start3A_90, %dma_start3A_94] : memref<4x2x128xi32, #tpu.memory_space<vmem>> -> memref<1x1x64xi32, #tpu.memory_space<vmem>>
      %dma_start3A_96 = tpu.memref_squeeze %dma_start3A_95 : memref<1x1x64xi32, #tpu.memory_space<vmem>> -> memref<64xi32, #tpu.memory_space<vmem>>
      %dma_start3A_97 = arith.constant 0 : i32
      %dma_start3A_98 = arith.constant 0 : i32
      %dma_start3A_99 = tpu.memref_slice %arg2[%dma_start3A_97, %dma_start3A_98] : memref<10240x128xf32, #tpu.memory_space<hbm>> -> memref<10240x128xf32, #tpu.memory_space<hbm>>
      tpu.enqueue_indirect_dma source(%dma_start3A_99 : memref<10240x128xf32, #tpu.memory_space<hbm>>) target(%dma_start3A_93 : memref<64x128xf32, #tpu.memory_space<vmem>>) offsets(%dma_start3A_96 : memref<64xi32, #tpu.memory_space<vmem>>) semaphore(%arg10 : memref<!tpu.dma_semaphore, #tpu.memory_space<semaphore_mem>>)
      %dma_start3A_100 = arith.constant 1 : i32
      %dma_start3A_101 = arith.constant 0 : i32
      %dma_start3A_102 = arith.constant 64 : i32
      %dma_start3A_103 = arith.constant 0 : i32
      %dma_start3A_104 = tpu.memref_slice %arg7[%dma_start3A_102, %dma_start3A_103] : memref<128x128xf32, #tpu.memory_space<vmem>> -> memref<64x128xf32, #tpu.memory_space<vmem>>
      %dma_start3A_105 = arith.constant 64 : i32
      %dma_start3A_106 = tpu.memref_slice %arg5[%dma_start3A_100, %dma_start3A_101, %dma_start3A_105] : memref<4x2x128xi32, #tpu.memory_space<vmem>> -> memref<1x1x64xi32, #tpu.memory_space<vmem>>
      %dma_start3A_107 = tpu.memref_squeeze %dma_start3A_106 : memref<1x1x64xi32, #tpu.memory_space<vmem>> -> memref<64xi32, #tpu.memory_space<vmem>>
      %dma_start3A_108 = arith.constant 0 : i32
      %dma_start3A_109 = arith.constant 0 : i32
      %dma_start3A_110 = tpu.memref_slice %arg2[%dma_start3A_108, %dma_start3A_109] : memref<10240x128xf32, #tpu.memory_space<hbm>> -> memref<10240x128xf32, #tpu.memory_space<hbm>>
      tpu.enqueue_indirect_dma source(%dma_start3A_110 : memref<10240x128xf32, #tpu.memory_space<hbm>>) target(%dma_start3A_104 : memref<64x128xf32, #tpu.memory_space<vmem>>) offsets(%dma_start3A_107 : memref<64xi32, #tpu.memory_space<vmem>>) semaphore(%arg10 : memref<!tpu.dma_semaphore, #tpu.memory_space<semaphore_mem>>)
      %add3A_111 = arith.constant 2 : i32
      %add3A_112 = arith.addi %select_n3A, %add3A_111 : i32
      %dma_start3A_113 = arith.constant 2 : i32
      %dma_start3A_114 = arith.constant 0 : i32
      %dma_start3A_115 = arith.constant 0 : i32
      %dma_start3A_116 = tpu.memref_slice %arg5[%dma_start3A_113, %dma_start3A_114, %dma_start3A_115] : memref<4x2x128xi32, #tpu.memory_space<vmem>> -> memref<2x2x128xi32, #tpu.memory_space<vmem>>
      %dma_start3A_117 = arith.constant 0 : i32
      %dma_start3A_118 = arith.constant 0 : i32
      %dma_start3A_119 = tpu.memref_slice %arg3[%add3A_112, %dma_start3A_117, %dma_start3A_118] : memref<2560x2x128xi32, #tpu.memory_space<hbm>> -> memref<2x2x128xi32, #tpu.memory_space<hbm>>
      %dma_start3A_120 = arith.constant 2 : i32
      %dma_start3A_121 = arith.constant 0 : i32
      %dma_start3A_122 = arith.constant 0 : i32
      %dma_start3A_123 = tpu.memref_slice %arg5[%dma_start3A_120, %dma_start3A_121, %dma_start3A_122] : memref<4x2x128xi32, #tpu.memory_space<vmem>> -> memref<2x2x128xi32, #tpu.memory_space<vmem>>
      %dma_start3A_124 = arith.constant 0 : i32
      %dma_start3A_125 = arith.constant 0 : i32
      %dma_start3A_126 = tpu.memref_slice %arg3[%add3A_112, %dma_start3A_124, %dma_start3A_125] : memref<2560x2x128xi32, #tpu.memory_space<hbm>> -> memref<2x2x128xi32, #tpu.memory_space<hbm>>
      tpu.enqueue_dma source(%dma_start3A_126 : memref<2x2x128xi32, #tpu.memory_space<hbm>>) target(%dma_start3A_123 : memref<2x2x128xi32, #tpu.memory_space<vmem>>) target_semaphore(%arg11 : memref<!tpu.dma_semaphore, #tpu.memory_space<semaphore_mem>>)
    } else {
    }
    %while3A = arith.constant 0 : i32
    %while3A_54 = arith.constant 0 : i32
    %while3A_55 = arith.subi %select_n3A_26, %while3A_54 : i32
    %while3A_56 = arith.addi %while3A_54, %while3A_55 : i32
    %while3A_57 = arith.constant 1 : i32
    %while3A_58 = arith.divsi %while3A_55, %while3A_57 : i32
    %while3A_59 = arith.muli %while3A_58, %while3A_57 : i32
    %while3A_60 = arith.addi %while3A_54, %while3A_59 : i32
    %while3A_61 = arith.constant 1 : i32
    scf.for %while3A_68 = %while3A_54 to %while3A_60 step %while3A_61  : i32 {
      %mul3A_69 = arith.constant 2 : i32
      %mul3A_70 = arith.muli %mul3A_69, %while3A_68 : i32
      %add3A_71 = arith.addi %select_n3A, %mul3A_70 : i32
      %jit3A_72 = arith.constant 2 : i32
      %eq3A_73 = arith.constant 0 : i32
      %eq3A_74 = arith.cmpi eq, %jit3A_72, %eq3A_73 : i32
      %jit3A_75 = arith.constant 1 : i32
      %select_n3A_76 = arith.select %eq3A_74, %jit3A_75, %jit3A_72 : i32
      %rem3A_77 = arith.remsi %while3A_68, %select_n3A_76 : i32
      %ne3A_78 = arith.constant 0 : i32
      %ne3A_79 = arith.cmpi ne, %rem3A_77, %ne3A_78 : i32
      %lt3A = arith.constant 0 : i32
      %lt3A_80 = arith.cmpi slt, %rem3A_77, %lt3A : i32
      %lt3A_81 = arith.constant 0 : i32
      %lt3A_82 = arith.cmpi slt, %select_n3A_76, %lt3A_81 : i32
      %ne3A_83 = arith.xori %lt3A_80, %lt3A_82 : i1
      %and3A_84 = arith.andi %ne3A_83, %ne3A_79 : i1
      %add3A_85 = arith.addi %rem3A_77, %select_n3A_76 : i32
      %select_n3A_86 = arith.select %and3A_84, %add3A_85, %rem3A_77 : i32
      %mul3A_87 = arith.constant 2 : i32
      %mul3A_88 = arith.muli %select_n3A_86, %mul3A_87 : i32
      %add3A_89 = arith.constant 1 : i32
      %add3A_90 = arith.addi %while3A_68, %add3A_89 : i32
      %jit3A_91 = arith.constant 2 : i32
      %eq3A_92 = arith.constant 0 : i32
      %eq3A_93 = arith.cmpi eq, %jit3A_91, %eq3A_92 : i32
      %jit3A_94 = arith.constant 1 : i32
      %select_n3A_95 = arith.select %eq3A_93, %jit3A_94, %jit3A_91 : i32
      %rem3A_96 = arith.remsi %add3A_90, %select_n3A_95 : i32
      %ne3A_97 = arith.constant 0 : i32
      %ne3A_98 = arith.cmpi ne, %rem3A_96, %ne3A_97 : i32
      %lt3A_99 = arith.constant 0 : i32
      %lt3A_100 = arith.cmpi slt, %rem3A_96, %lt3A_99 : i32
      %lt3A_101 = arith.constant 0 : i32
      %lt3A_102 = arith.cmpi slt, %select_n3A_95, %lt3A_101 : i32
      %ne3A_103 = arith.xori %lt3A_100, %lt3A_102 : i1
      %and3A_104 = arith.andi %ne3A_103, %ne3A_98 : i1
      %add3A_105 = arith.addi %rem3A_96, %select_n3A_95 : i32
      %select_n3A_106 = arith.select %and3A_104, %add3A_105, %rem3A_96 : i32
      %mul3A_107 = arith.constant 2 : i32
      %mul3A_108 = arith.muli %select_n3A_106, %mul3A_107 : i32
      %dma_wait3A = arith.constant 0 : i32
      %dma_wait3A_109 = arith.constant 0 : i32
      %dma_wait3A_110 = arith.constant 0 : i32
      %dma_wait3A_111 = tpu.memref_slice %arg5[%dma_wait3A, %dma_wait3A_109, %dma_wait3A_110] : memref<4x2x128xi32, #tpu.memory_space<vmem>> -> memref<2x2x128xi32, #tpu.memory_space<vmem>>
      %dma_wait3A_112 = arith.constant 0 : i32
      %dma_wait3A_113 = arith.constant 0 : i32
      %dma_wait3A_114 = tpu.memref_slice %arg3[%select_n3A, %dma_wait3A_112, %dma_wait3A_113] : memref<2560x2x128xi32, #tpu.memory_space<hbm>> -> memref<2x2x128xi32, #tpu.memory_space<hbm>>
      %dma_wait3A_115 = arith.constant 0 : i32
      %dma_wait3A_116 = arith.constant 0 : i32
      %dma_wait3A_117 = arith.constant 0 : i32
      %dma_wait3A_118 = tpu.memref_slice %arg5[%dma_wait3A_115, %dma_wait3A_116, %dma_wait3A_117] : memref<4x2x128xi32, #tpu.memory_space<vmem>> -> memref<2x2x128xi32, #tpu.memory_space<vmem>>
      %dma_wait3A_119 = arith.constant 0 : i32
      %dma_wait3A_120 = arith.constant 0 : i32
      %dma_wait3A_121 = tpu.memref_slice %arg3[%select_n3A, %dma_wait3A_119, %dma_wait3A_120] : memref<2560x2x128xi32, #tpu.memory_space<hbm>> -> memref<2x2x128xi32, #tpu.memory_space<hbm>>
      tpu.wait_dma2 semaphore(%arg11 : memref<!tpu.dma_semaphore, #tpu.memory_space<semaphore_mem>>) src(%dma_wait3A_121 : memref<2x2x128xi32, #tpu.memory_space<hbm>>) dst(%dma_wait3A_118 : memref<2x2x128xi32, #tpu.memory_space<vmem>>)
      %dma_wait3A_122 = arith.constant 0 : i32
      %dma_wait3A_123 = arith.constant 0 : i32
      %dma_wait3A_124 = arith.constant 0 : i32
      %dma_wait3A_125 = tpu.memref_slice %arg6[%dma_wait3A_123, %dma_wait3A_124] : memref<128x128xf32, #tpu.memory_space<vmem>> -> memref<64x128xf32, #tpu.memory_space<vmem>>
      %dma_wait3A_126 = arith.constant 0 : i32
      %dma_wait3A_127 = tpu.memref_slice %arg5[%mul3A_88, %dma_wait3A_122, %dma_wait3A_126] : memref<4x2x128xi32, #tpu.memory_space<vmem>> -> memref<1x1x64xi32, #tpu.memory_space<vmem>>
      %dma_wait3A_128 = tpu.memref_squeeze %dma_wait3A_127 : memref<1x1x64xi32, #tpu.memory_space<vmem>> -> memref<64xi32, #tpu.memory_space<vmem>>
      %dma_wait3A_129 = arith.constant 0 : i32
      %dma_wait3A_130 = arith.constant 0 : i32
      %dma_wait3A_131 = tpu.memref_slice %arg2[%dma_wait3A_129, %dma_wait3A_130] : memref<10240x128xf32, #tpu.memory_space<hbm>> -> memref<10240x128xf32, #tpu.memory_space<hbm>>
      tpu.wait_indirect_dma semaphore(%arg9 : memref<!tpu.dma_semaphore, #tpu.memory_space<semaphore_mem>>) src(%dma_wait3A_131 : memref<10240x128xf32, #tpu.memory_space<hbm>>) dst(%dma_wait3A_125 : memref<64x128xf32, #tpu.memory_space<vmem>>)
      %dma_wait3A_132 = arith.constant 0 : i32
      %dma_wait3A_133 = arith.constant 64 : i32
      %dma_wait3A_134 = arith.constant 0 : i32
      %dma_wait3A_135 = tpu.memref_slice %arg6[%dma_wait3A_133, %dma_wait3A_134] : memref<128x128xf32, #tpu.memory_space<vmem>> -> memref<64x128xf32, #tpu.memory_space<vmem>>
      %dma_wait3A_136 = arith.constant 64 : i32
      %dma_wait3A_137 = tpu.memref_slice %arg5[%mul3A_88, %dma_wait3A_132, %dma_wait3A_136] : memref<4x2x128xi32, #tpu.memory_space<vmem>> -> memref<1x1x64xi32, #tpu.memory_space<vmem>>
      %dma_wait3A_138 = tpu.memref_squeeze %dma_wait3A_137 : memref<1x1x64xi32, #tpu.memory_space<vmem>> -> memref<64xi32, #tpu.memory_space<vmem>>
      %dma_wait3A_139 = arith.constant 0 : i32
      %dma_wait3A_140 = arith.constant 0 : i32
      %dma_wait3A_141 = tpu.memref_slice %arg2[%dma_wait3A_139, %dma_wait3A_140] : memref<10240x128xf32, #tpu.memory_space<hbm>> -> memref<10240x128xf32, #tpu.memory_space<hbm>>
      tpu.wait_indirect_dma semaphore(%arg9 : memref<!tpu.dma_semaphore, #tpu.memory_space<semaphore_mem>>) src(%dma_wait3A_141 : memref<10240x128xf32, #tpu.memory_space<hbm>>) dst(%dma_wait3A_135 : memref<64x128xf32, #tpu.memory_space<vmem>>)
      %run_scoped3A = arith.constant 1 : i32
      "tpu.region"() ({
        %run_scoped3A_189 = tpu.sem_alloc : memref<!tpu.dma_semaphore, #tpu.memory_space<semaphore_mem>>
        %dma_start3A = arith.constant 0 : i32
        %dma_start3A_190 = tpu.memref_slice %arg5[%mul3A_88, %run_scoped3A, %dma_start3A] : memref<4x2x128xi32, #tpu.memory_space<vmem>> -> memref<1x1x128xi32, #tpu.memory_space<vmem>>
        %dma_start3A_191 = tpu.memref_squeeze %dma_start3A_190 : memref<1x1x128xi32, #tpu.memory_space<vmem>> -> memref<128xi32, #tpu.memory_space<vmem>>
        %dma_start3A_192 = arith.constant 0 : i32
        %dma_start3A_193 = arith.constant 0 : i32
        %dma_start3A_194 = tpu.memref_slice %arg8[%dma_start3A_192, %dma_start3A_193] : memref<10240x128xf32, #tpu.memory_space<vmem_shared>> -> memref<10240x128xf32, #tpu.memory_space<vmem_shared>>
        tpu.enqueue_indirect_dma source(%arg6 : memref<128x128xf32, #tpu.memory_space<vmem>>) target(%dma_start3A_194 : memref<10240x128xf32, #tpu.memory_space<vmem_shared>>) offsets(%dma_start3A_191 : memref<128xi32, #tpu.memory_space<vmem>>) semaphore(%run_scoped3A_189 : memref<!tpu.dma_semaphore, #tpu.memory_space<semaphore_mem>>) {add = true}
        %dma_wait3A_195 = arith.constant 0 : i32
        %dma_wait3A_196 = tpu.memref_slice %arg5[%mul3A_88, %run_scoped3A, %dma_wait3A_195] : memref<4x2x128xi32, #tpu.memory_space<vmem>> -> memref<1x1x128xi32, #tpu.memory_space<vmem>>
        %dma_wait3A_197 = tpu.memref_squeeze %dma_wait3A_196 : memref<1x1x128xi32, #tpu.memory_space<vmem>> -> memref<128xi32, #tpu.memory_space<vmem>>
        %dma_wait3A_198 = arith.constant 0 : i32
        %dma_wait3A_199 = arith.constant 0 : i32
        %dma_wait3A_200 = tpu.memref_slice %arg8[%dma_wait3A_198, %dma_wait3A_199] : memref<10240x128xf32, #tpu.memory_space<vmem_shared>> -> memref<10240x128xf32, #tpu.memory_space<vmem_shared>>
        tpu.wait_indirect_dma semaphore(%run_scoped3A_189 : memref<!tpu.dma_semaphore, #tpu.memory_space<semaphore_mem>>) src(%arg6 : memref<128x128xf32, #tpu.memory_space<vmem>>) dst(%dma_wait3A_200 : memref<10240x128xf32, #tpu.memory_space<vmem_shared>>)
        tpu.yield
      }) : () -> ()
      %mul3A_142 = arith.constant 2 : i32
      %mul3A_143 = arith.muli %mul3A_142, %while3A_68 : i32
      %add3A_144 = arith.constant 2 : i32
      %add3A_145 = arith.addi %mul3A_143, %add3A_144 : i32
      %lt3A_146 = arith.cmpi slt, %add3A_145, %select_n3A_8 : i32
      %convert_element_type3A_147 = arith.extui %lt3A_146 : i1 to i32
      %cond3A_148 = arith.constant 0 : i32
      %cond3A_149 = arith.cmpi ne, %convert_element_type3A_147, %cond3A_148 : i32
      scf.if %cond3A_149 {
        %dma_start3A = arith.constant 0 : i32
        %dma_start3A_189 = arith.constant 0 : i32
        %dma_start3A_190 = arith.constant 0 : i32
        %dma_start3A_191 = tpu.memref_slice %arg6[%dma_start3A_189, %dma_start3A_190] : memref<128x128xf32, #tpu.memory_space<vmem>> -> memref<64x128xf32, #tpu.memory_space<vmem>>
        %dma_start3A_192 = arith.constant 0 : i32
        %dma_start3A_193 = tpu.memref_slice %arg5[%mul3A_108, %dma_start3A, %dma_start3A_192] : memref<4x2x128xi32, #tpu.memory_space<vmem>> -> memref<1x1x64xi32, #tpu.memory_space<vmem>>
        %dma_start3A_194 = tpu.memref_squeeze %dma_start3A_193 : memref<1x1x64xi32, #tpu.memory_space<vmem>> -> memref<64xi32, #tpu.memory_space<vmem>>
        %dma_start3A_195 = arith.constant 0 : i32
        %dma_start3A_196 = arith.constant 0 : i32
        %dma_start3A_197 = tpu.memref_slice %arg2[%dma_start3A_195, %dma_start3A_196] : memref<10240x128xf32, #tpu.memory_space<hbm>> -> memref<10240x128xf32, #tpu.memory_space<hbm>>
        tpu.enqueue_indirect_dma source(%dma_start3A_197 : memref<10240x128xf32, #tpu.memory_space<hbm>>) target(%dma_start3A_191 : memref<64x128xf32, #tpu.memory_space<vmem>>) offsets(%dma_start3A_194 : memref<64xi32, #tpu.memory_space<vmem>>) semaphore(%arg9 : memref<!tpu.dma_semaphore, #tpu.memory_space<semaphore_mem>>)
        %dma_start3A_198 = arith.constant 0 : i32
        %dma_start3A_199 = arith.constant 64 : i32
        %dma_start3A_200 = arith.constant 0 : i32
        %dma_start3A_201 = tpu.memref_slice %arg6[%dma_start3A_199, %dma_start3A_200] : memref<128x128xf32, #tpu.memory_space<vmem>> -> memref<64x128xf32, #tpu.memory_space<vmem>>
        %dma_start3A_202 = arith.constant 64 : i32
        %dma_start3A_203 = tpu.memref_slice %arg5[%mul3A_108, %dma_start3A_198, %dma_start3A_202] : memref<4x2x128xi32, #tpu.memory_space<vmem>> -> memref<1x1x64xi32, #tpu.memory_space<vmem>>
        %dma_start3A_204 = tpu.memref_squeeze %dma_start3A_203 : memref<1x1x64xi32, #tpu.memory_space<vmem>> -> memref<64xi32, #tpu.memory_space<vmem>>
        %dma_start3A_205 = arith.constant 0 : i32
        %dma_start3A_206 = arith.constant 0 : i32
        %dma_start3A_207 = tpu.memref_slice %arg2[%dma_start3A_205, %dma_start3A_206] : memref<10240x128xf32, #tpu.memory_space<hbm>> -> memref<10240x128xf32, #tpu.memory_space<hbm>>
        tpu.enqueue_indirect_dma source(%dma_start3A_207 : memref<10240x128xf32, #tpu.memory_space<hbm>>) target(%dma_start3A_201 : memref<64x128xf32, #tpu.memory_space<vmem>>) offsets(%dma_start3A_204 : memref<64xi32, #tpu.memory_space<vmem>>) semaphore(%arg9 : memref<!tpu.dma_semaphore, #tpu.memory_space<semaphore_mem>>)
      } else {
      }
      %add3A_150 = arith.constant 1 : i32
      %add3A_151 = arith.addi %mul3A_88, %add3A_150 : i32
      %dma_wait3A_152 = arith.constant 0 : i32
      %dma_wait3A_153 = arith.constant 0 : i32
      %dma_wait3A_154 = arith.constant 0 : i32
      %dma_wait3A_155 = tpu.memref_slice %arg7[%dma_wait3A_153, %dma_wait3A_154] : memref<128x128xf32, #tpu.memory_space<vmem>> -> memref<64x128xf32, #tpu.memory_space<vmem>>
      %dma_wait3A_156 = arith.constant 0 : i32
      %dma_wait3A_157 = tpu.memref_slice %arg5[%add3A_151, %dma_wait3A_152, %dma_wait3A_156] : memref<4x2x128xi32, #tpu.memory_space<vmem>> -> memref<1x1x64xi32, #tpu.memory_space<vmem>>
      %dma_wait3A_158 = tpu.memref_squeeze %dma_wait3A_157 : memref<1x1x64xi32, #tpu.memory_space<vmem>> -> memref<64xi32, #tpu.memory_space<vmem>>
      %dma_wait3A_159 = arith.constant 0 : i32
      %dma_wait3A_160 = arith.constant 0 : i32
      %dma_wait3A_161 = tpu.memref_slice %arg2[%dma_wait3A_159, %dma_wait3A_160] : memref<10240x128xf32, #tpu.memory_space<hbm>> -> memref<10240x128xf32, #tpu.memory_space<hbm>>
      tpu.wait_indirect_dma semaphore(%arg10 : memref<!tpu.dma_semaphore, #tpu.memory_space<semaphore_mem>>) src(%dma_wait3A_161 : memref<10240x128xf32, #tpu.memory_space<hbm>>) dst(%dma_wait3A_155 : memref<64x128xf32, #tpu.memory_space<vmem>>)
      %dma_wait3A_162 = arith.constant 0 : i32
      %dma_wait3A_163 = arith.constant 64 : i32
      %dma_wait3A_164 = arith.constant 0 : i32
      %dma_wait3A_165 = tpu.memref_slice %arg7[%dma_wait3A_163, %dma_wait3A_164] : memref<128x128xf32, #tpu.memory_space<vmem>> -> memref<64x128xf32, #tpu.memory_space<vmem>>
      %dma_wait3A_166 = arith.constant 64 : i32
      %dma_wait3A_167 = tpu.memref_slice %arg5[%add3A_151, %dma_wait3A_162, %dma_wait3A_166] : memref<4x2x128xi32, #tpu.memory_space<vmem>> -> memref<1x1x64xi32, #tpu.memory_space<vmem>>
      %dma_wait3A_168 = tpu.memref_squeeze %dma_wait3A_167 : memref<1x1x64xi32, #tpu.memory_space<vmem>> -> memref<64xi32, #tpu.memory_space<vmem>>
      %dma_wait3A_169 = arith.constant 0 : i32
      %dma_wait3A_170 = arith.constant 0 : i32
      %dma_wait3A_171 = tpu.memref_slice %arg2[%dma_wait3A_169, %dma_wait3A_170] : memref<10240x128xf32, #tpu.memory_space<hbm>> -> memref<10240x128xf32, #tpu.memory_space<hbm>>
      tpu.wait_indirect_dma semaphore(%arg10 : memref<!tpu.dma_semaphore, #tpu.memory_space<semaphore_mem>>) src(%dma_wait3A_171 : memref<10240x128xf32, #tpu.memory_space<hbm>>) dst(%dma_wait3A_165 : memref<64x128xf32, #tpu.memory_space<vmem>>)
      %add3A_172 = arith.constant 1 : i32
      %add3A_173 = arith.addi %mul3A_88, %add3A_172 : i32
      %run_scoped3A_174 = arith.constant 1 : i32
      "tpu.region"() ({
        %run_scoped3A_189 = tpu.sem_alloc : memref<!tpu.dma_semaphore, #tpu.memory_space<semaphore_mem>>
        %dma_start3A = arith.constant 0 : i32
        %dma_start3A_190 = tpu.memref_slice %arg5[%add3A_173, %run_scoped3A_174, %dma_start3A] : memref<4x2x128xi32, #tpu.memory_space<vmem>> -> memref<1x1x128xi32, #tpu.memory_space<vmem>>
        %dma_start3A_191 = tpu.memref_squeeze %dma_start3A_190 : memref<1x1x128xi32, #tpu.memory_space<vmem>> -> memref<128xi32, #tpu.memory_space<vmem>>
        %dma_start3A_192 = arith.constant 0 : i32
        %dma_start3A_193 = arith.constant 0 : i32
        %dma_start3A_194 = tpu.memref_slice %arg8[%dma_start3A_192, %dma_start3A_193] : memref<10240x128xf32, #tpu.memory_space<vmem_shared>> -> memref<10240x128xf32, #tpu.memory_space<vmem_shared>>
        tpu.enqueue_indirect_dma source(%arg7 : memref<128x128xf32, #tpu.memory_space<vmem>>) target(%dma_start3A_194 : memref<10240x128xf32, #tpu.memory_space<vmem_shared>>) offsets(%dma_start3A_191 : memref<128xi32, #tpu.memory_space<vmem>>) semaphore(%run_scoped3A_189 : memref<!tpu.dma_semaphore, #tpu.memory_space<semaphore_mem>>) {add = true}
        %dma_wait3A_195 = arith.constant 0 : i32
        %dma_wait3A_196 = tpu.memref_slice %arg5[%add3A_173, %run_scoped3A_174, %dma_wait3A_195] : memref<4x2x128xi32, #tpu.memory_space<vmem>> -> memref<1x1x128xi32, #tpu.memory_space<vmem>>
        %dma_wait3A_197 = tpu.memref_squeeze %dma_wait3A_196 : memref<1x1x128xi32, #tpu.memory_space<vmem>> -> memref<128xi32, #tpu.memory_space<vmem>>
        %dma_wait3A_198 = arith.constant 0 : i32
        %dma_wait3A_199 = arith.constant 0 : i32
        %dma_wait3A_200 = tpu.memref_slice %arg8[%dma_wait3A_198, %dma_wait3A_199] : memref<10240x128xf32, #tpu.memory_space<vmem_shared>> -> memref<10240x128xf32, #tpu.memory_space<vmem_shared>>
        tpu.wait_indirect_dma semaphore(%run_scoped3A_189 : memref<!tpu.dma_semaphore, #tpu.memory_space<semaphore_mem>>) src(%arg7 : memref<128x128xf32, #tpu.memory_space<vmem>>) dst(%dma_wait3A_200 : memref<10240x128xf32, #tpu.memory_space<vmem_shared>>)
        tpu.yield
      }) : () -> ()
      %mul3A_175 = arith.constant 2 : i32
      %mul3A_176 = arith.muli %mul3A_175, %while3A_68 : i32
      %add3A_177 = arith.constant 3 : i32
      %add3A_178 = arith.addi %mul3A_176, %add3A_177 : i32
      %lt3A_179 = arith.cmpi slt, %add3A_178, %select_n3A_8 : i32
      %convert_element_type3A_180 = arith.extui %lt3A_179 : i1 to i32
      %cond3A_181 = arith.constant 0 : i32
      %cond3A_182 = arith.cmpi ne, %convert_element_type3A_180, %cond3A_181 : i32
      scf.if %cond3A_182 {
        %add3A_189 = arith.constant 1 : i32
        %add3A_190 = arith.addi %mul3A_108, %add3A_189 : i32
        %dma_start3A = arith.constant 0 : i32
        %dma_start3A_191 = arith.constant 0 : i32
        %dma_start3A_192 = arith.constant 0 : i32
        %dma_start3A_193 = tpu.memref_slice %arg7[%dma_start3A_191, %dma_start3A_192] : memref<128x128xf32, #tpu.memory_space<vmem>> -> memref<64x128xf32, #tpu.memory_space<vmem>>
        %dma_start3A_194 = arith.constant 0 : i32
        %dma_start3A_195 = tpu.memref_slice %arg5[%add3A_190, %dma_start3A, %dma_start3A_194] : memref<4x2x128xi32, #tpu.memory_space<vmem>> -> memref<1x1x64xi32, #tpu.memory_space<vmem>>
        %dma_start3A_196 = tpu.memref_squeeze %dma_start3A_195 : memref<1x1x64xi32, #tpu.memory_space<vmem>> -> memref<64xi32, #tpu.memory_space<vmem>>
        %dma_start3A_197 = arith.constant 0 : i32
        %dma_start3A_198 = arith.constant 0 : i32
        %dma_start3A_199 = tpu.memref_slice %arg2[%dma_start3A_197, %dma_start3A_198] : memref<10240x128xf32, #tpu.memory_space<hbm>> -> memref<10240x128xf32, #tpu.memory_space<hbm>>
        tpu.enqueue_indirect_dma source(%dma_start3A_199 : memref<10240x128xf32, #tpu.memory_space<hbm>>) target(%dma_start3A_193 : memref<64x128xf32, #tpu.memory_space<vmem>>) offsets(%dma_start3A_196 : memref<64xi32, #tpu.memory_space<vmem>>) semaphore(%arg10 : memref<!tpu.dma_semaphore, #tpu.memory_space<semaphore_mem>>)
        %dma_start3A_200 = arith.constant 0 : i32
        %dma_start3A_201 = arith.constant 64 : i32
        %dma_start3A_202 = arith.constant 0 : i32
        %dma_start3A_203 = tpu.memref_slice %arg7[%dma_start3A_201, %dma_start3A_202] : memref<128x128xf32, #tpu.memory_space<vmem>> -> memref<64x128xf32, #tpu.memory_space<vmem>>
        %dma_start3A_204 = arith.constant 64 : i32
        %dma_start3A_205 = tpu.memref_slice %arg5[%add3A_190, %dma_start3A_200, %dma_start3A_204] : memref<4x2x128xi32, #tpu.memory_space<vmem>> -> memref<1x1x64xi32, #tpu.memory_space<vmem>>
        %dma_start3A_206 = tpu.memref_squeeze %dma_start3A_205 : memref<1x1x64xi32, #tpu.memory_space<vmem>> -> memref<64xi32, #tpu.memory_space<vmem>>
        %dma_start3A_207 = arith.constant 0 : i32
        %dma_start3A_208 = arith.constant 0 : i32
        %dma_start3A_209 = tpu.memref_slice %arg2[%dma_start3A_207, %dma_start3A_208] : memref<10240x128xf32, #tpu.memory_space<hbm>> -> memref<10240x128xf32, #tpu.memory_space<hbm>>
        tpu.enqueue_indirect_dma source(%dma_start3A_209 : memref<10240x128xf32, #tpu.memory_space<hbm>>) target(%dma_start3A_203 : memref<64x128xf32, #tpu.memory_space<vmem>>) offsets(%dma_start3A_206 : memref<64xi32, #tpu.memory_space<vmem>>) semaphore(%arg10 : memref<!tpu.dma_semaphore, #tpu.memory_space<semaphore_mem>>)
      } else {
      }
      %add3A_183 = arith.constant 1 : i32
      %add3A_184 = arith.addi %while3A_68, %add3A_183 : i32
      %lt3A_185 = arith.cmpi slt, %add3A_184, %select_n3A_26 : i32
      %convert_element_type3A_186 = arith.extui %lt3A_185 : i1 to i32
      %cond3A_187 = arith.constant 0 : i32
      %cond3A_188 = arith.cmpi ne, %convert_element_type3A_186, %cond3A_187 : i32
      scf.if %cond3A_188 {
        %add3A_189 = arith.constant 4 : i32
        %add3A_190 = arith.addi %add3A_71, %add3A_189 : i32
        %min3A = arith.constant 2558 : i32
        %min3A_191 = arith.minsi %add3A_190, %min3A : i32
        %dma_start3A = arith.constant 0 : i32
        %dma_start3A_192 = arith.constant 0 : i32
        %dma_start3A_193 = tpu.memref_slice %arg5[%mul3A_88, %dma_start3A, %dma_start3A_192] : memref<4x2x128xi32, #tpu.memory_space<vmem>> -> memref<2x2x128xi32, #tpu.memory_space<vmem>>
        %dma_start3A_194 = arith.constant 0 : i32
        %dma_start3A_195 = arith.constant 0 : i32
        %dma_start3A_196 = tpu.memref_slice %arg3[%min3A_191, %dma_start3A_194, %dma_start3A_195] : memref<2560x2x128xi32, #tpu.memory_space<hbm>> -> memref<2x2x128xi32, #tpu.memory_space<hbm>>
        %dma_start3A_197 = arith.constant 0 : i32
        %dma_start3A_198 = arith.constant 0 : i32
        %dma_start3A_199 = tpu.memref_slice %arg5[%mul3A_88, %dma_start3A_197, %dma_start3A_198] : memref<4x2x128xi32, #tpu.memory_space<vmem>> -> memref<2x2x128xi32, #tpu.memory_space<vmem>>
        %dma_start3A_200 = arith.constant 0 : i32
        %dma_start3A_201 = arith.constant 0 : i32
        %dma_start3A_202 = tpu.memref_slice %arg3[%min3A_191, %dma_start3A_200, %dma_start3A_201] : memref<2560x2x128xi32, #tpu.memory_space<hbm>> -> memref<2x2x128xi32, #tpu.memory_space<hbm>>
        tpu.enqueue_dma source(%dma_start3A_202 : memref<2x2x128xi32, #tpu.memory_space<hbm>>) target(%dma_start3A_199 : memref<2x2x128xi32, #tpu.memory_space<vmem>>) target_semaphore(%arg11 : memref<!tpu.dma_semaphore, #tpu.memory_space<semaphore_mem>>)
      } else {
      }
    }
    %while3A_62 = arith.constant 1 : i32
    scf.for %while3A_68 = %while3A_60 to %while3A_56 step %while3A_62  : i32 {
      %mul3A_69 = arith.constant 2 : i32
      %mul3A_70 = arith.muli %mul3A_69, %while3A_68 : i32
      %add3A_71 = arith.addi %select_n3A, %mul3A_70 : i32
      %jit3A_72 = arith.constant 2 : i32
      %eq3A_73 = arith.constant 0 : i32
      %eq3A_74 = arith.cmpi eq, %jit3A_72, %eq3A_73 : i32
      %jit3A_75 = arith.constant 1 : i32
      %select_n3A_76 = arith.select %eq3A_74, %jit3A_75, %jit3A_72 : i32
      %rem3A_77 = arith.remsi %while3A_68, %select_n3A_76 : i32
      %ne3A_78 = arith.constant 0 : i32
      %ne3A_79 = arith.cmpi ne, %rem3A_77, %ne3A_78 : i32
      %lt3A = arith.constant 0 : i32
      %lt3A_80 = arith.cmpi slt, %rem3A_77, %lt3A : i32
      %lt3A_81 = arith.constant 0 : i32
      %lt3A_82 = arith.cmpi slt, %select_n3A_76, %lt3A_81 : i32
      %ne3A_83 = arith.xori %lt3A_80, %lt3A_82 : i1
      %and3A_84 = arith.andi %ne3A_83, %ne3A_79 : i1
      %add3A_85 = arith.addi %rem3A_77, %select_n3A_76 : i32
      %select_n3A_86 = arith.select %and3A_84, %add3A_85, %rem3A_77 : i32
      %mul3A_87 = arith.constant 2 : i32
      %mul3A_88 = arith.muli %select_n3A_86, %mul3A_87 : i32
      %add3A_89 = arith.constant 1 : i32
      %add3A_90 = arith.addi %while3A_68, %add3A_89 : i32
      %jit3A_91 = arith.constant 2 : i32
      %eq3A_92 = arith.constant 0 : i32
      %eq3A_93 = arith.cmpi eq, %jit3A_91, %eq3A_92 : i32
      %jit3A_94 = arith.constant 1 : i32
      %select_n3A_95 = arith.select %eq3A_93, %jit3A_94, %jit3A_91 : i32
      %rem3A_96 = arith.remsi %add3A_90, %select_n3A_95 : i32
      %ne3A_97 = arith.constant 0 : i32
      %ne3A_98 = arith.cmpi ne, %rem3A_96, %ne3A_97 : i32
      %lt3A_99 = arith.constant 0 : i32
      %lt3A_100 = arith.cmpi slt, %rem3A_96, %lt3A_99 : i32
      %lt3A_101 = arith.constant 0 : i32
      %lt3A_102 = arith.cmpi slt, %select_n3A_95, %lt3A_101 : i32
      %ne3A_103 = arith.xori %lt3A_100, %lt3A_102 : i1
      %and3A_104 = arith.andi %ne3A_103, %ne3A_98 : i1
      %add3A_105 = arith.addi %rem3A_96, %select_n3A_95 : i32
      %select_n3A_106 = arith.select %and3A_104, %add3A_105, %rem3A_96 : i32
      %mul3A_107 = arith.constant 2 : i32
      %mul3A_108 = arith.muli %select_n3A_106, %mul3A_107 : i32
      %dma_wait3A = arith.constant 0 : i32
      %dma_wait3A_109 = arith.constant 0 : i32
      %dma_wait3A_110 = arith.constant 0 : i32
      %dma_wait3A_111 = tpu.memref_slice %arg5[%dma_wait3A, %dma_wait3A_109, %dma_wait3A_110] : memref<4x2x128xi32, #tpu.memory_space<vmem>> -> memref<2x2x128xi32, #tpu.memory_space<vmem>>
      %dma_wait3A_112 = arith.constant 0 : i32
      %dma_wait3A_113 = arith.constant 0 : i32
      %dma_wait3A_114 = tpu.memref_slice %arg3[%select_n3A, %dma_wait3A_112, %dma_wait3A_113] : memref<2560x2x128xi32, #tpu.memory_space<hbm>> -> memref<2x2x128xi32, #tpu.memory_space<hbm>>
      %dma_wait3A_115 = arith.constant 0 : i32
      %dma_wait3A_116 = arith.constant 0 : i32
      %dma_wait3A_117 = arith.constant 0 : i32
      %dma_wait3A_118 = tpu.memref_slice %arg5[%dma_wait3A_115, %dma_wait3A_116, %dma_wait3A_117] : memref<4x2x128xi32, #tpu.memory_space<vmem>> -> memref<2x2x128xi32, #tpu.memory_space<vmem>>
      %dma_wait3A_119 = arith.constant 0 : i32
      %dma_wait3A_120 = arith.constant 0 : i32
      %dma_wait3A_121 = tpu.memref_slice %arg3[%select_n3A, %dma_wait3A_119, %dma_wait3A_120] : memref<2560x2x128xi32, #tpu.memory_space<hbm>> -> memref<2x2x128xi32, #tpu.memory_space<hbm>>
      tpu.wait_dma2 semaphore(%arg11 : memref<!tpu.dma_semaphore, #tpu.memory_space<semaphore_mem>>) src(%dma_wait3A_121 : memref<2x2x128xi32, #tpu.memory_space<hbm>>) dst(%dma_wait3A_118 : memref<2x2x128xi32, #tpu.memory_space<vmem>>)
      %dma_wait3A_122 = arith.constant 0 : i32
      %dma_wait3A_123 = arith.constant 0 : i32
      %dma_wait3A_124 = arith.constant 0 : i32
      %dma_wait3A_125 = tpu.memref_slice %arg6[%dma_wait3A_123, %dma_wait3A_124] : memref<128x128xf32, #tpu.memory_space<vmem>> -> memref<64x128xf32, #tpu.memory_space<vmem>>
      %dma_wait3A_126 = arith.constant 0 : i32
      %dma_wait3A_127 = tpu.memref_slice %arg5[%mul3A_88, %dma_wait3A_122, %dma_wait3A_126] : memref<4x2x128xi32, #tpu.memory_space<vmem>> -> memref<1x1x64xi32, #tpu.memory_space<vmem>>
      %dma_wait3A_128 = tpu.memref_squeeze %dma_wait3A_127 : memref<1x1x64xi32, #tpu.memory_space<vmem>> -> memref<64xi32, #tpu.memory_space<vmem>>
      %dma_wait3A_129 = arith.constant 0 : i32
      %dma_wait3A_130 = arith.constant 0 : i32
      %dma_wait3A_131 = tpu.memref_slice %arg2[%dma_wait3A_129, %dma_wait3A_130] : memref<10240x128xf32, #tpu.memory_space<hbm>> -> memref<10240x128xf32, #tpu.memory_space<hbm>>
      tpu.wait_indirect_dma semaphore(%arg9 : memref<!tpu.dma_semaphore, #tpu.memory_space<semaphore_mem>>) src(%dma_wait3A_131 : memref<10240x128xf32, #tpu.memory_space<hbm>>) dst(%dma_wait3A_125 : memref<64x128xf32, #tpu.memory_space<vmem>>)
      %dma_wait3A_132 = arith.constant 0 : i32
      %dma_wait3A_133 = arith.constant 64 : i32
      %dma_wait3A_134 = arith.constant 0 : i32
      %dma_wait3A_135 = tpu.memref_slice %arg6[%dma_wait3A_133, %dma_wait3A_134] : memref<128x128xf32, #tpu.memory_space<vmem>> -> memref<64x128xf32, #tpu.memory_space<vmem>>
      %dma_wait3A_136 = arith.constant 64 : i32
      %dma_wait3A_137 = tpu.memref_slice %arg5[%mul3A_88, %dma_wait3A_132, %dma_wait3A_136] : memref<4x2x128xi32, #tpu.memory_space<vmem>> -> memref<1x1x64xi32, #tpu.memory_space<vmem>>
      %dma_wait3A_138 = tpu.memref_squeeze %dma_wait3A_137 : memref<1x1x64xi32, #tpu.memory_space<vmem>> -> memref<64xi32, #tpu.memory_space<vmem>>
      %dma_wait3A_139 = arith.constant 0 : i32
      %dma_wait3A_140 = arith.constant 0 : i32
      %dma_wait3A_141 = tpu.memref_slice %arg2[%dma_wait3A_139, %dma_wait3A_140] : memref<10240x128xf32, #tpu.memory_space<hbm>> -> memref<10240x128xf32, #tpu.memory_space<hbm>>
      tpu.wait_indirect_dma semaphore(%arg9 : memref<!tpu.dma_semaphore, #tpu.memory_space<semaphore_mem>>) src(%dma_wait3A_141 : memref<10240x128xf32, #tpu.memory_space<hbm>>) dst(%dma_wait3A_135 : memref<64x128xf32, #tpu.memory_space<vmem>>)
      %run_scoped3A = arith.constant 1 : i32
      "tpu.region"() ({
        %run_scoped3A_189 = tpu.sem_alloc : memref<!tpu.dma_semaphore, #tpu.memory_space<semaphore_mem>>
        %dma_start3A = arith.constant 0 : i32
        %dma_start3A_190 = tpu.memref_slice %arg5[%mul3A_88, %run_scoped3A, %dma_start3A] : memref<4x2x128xi32, #tpu.memory_space<vmem>> -> memref<1x1x128xi32, #tpu.memory_space<vmem>>
        %dma_start3A_191 = tpu.memref_squeeze %dma_start3A_190 : memref<1x1x128xi32, #tpu.memory_space<vmem>> -> memref<128xi32, #tpu.memory_space<vmem>>
        %dma_start3A_192 = arith.constant 0 : i32
        %dma_start3A_193 = arith.constant 0 : i32
        %dma_start3A_194 = tpu.memref_slice %arg8[%dma_start3A_192, %dma_start3A_193] : memref<10240x128xf32, #tpu.memory_space<vmem_shared>> -> memref<10240x128xf32, #tpu.memory_space<vmem_shared>>
        tpu.enqueue_indirect_dma source(%arg6 : memref<128x128xf32, #tpu.memory_space<vmem>>) target(%dma_start3A_194 : memref<10240x128xf32, #tpu.memory_space<vmem_shared>>) offsets(%dma_start3A_191 : memref<128xi32, #tpu.memory_space<vmem>>) semaphore(%run_scoped3A_189 : memref<!tpu.dma_semaphore, #tpu.memory_space<semaphore_mem>>) {add = true}
        %dma_wait3A_195 = arith.constant 0 : i32
        %dma_wait3A_196 = tpu.memref_slice %arg5[%mul3A_88, %run_scoped3A, %dma_wait3A_195] : memref<4x2x128xi32, #tpu.memory_space<vmem>> -> memref<1x1x128xi32, #tpu.memory_space<vmem>>
        %dma_wait3A_197 = tpu.memref_squeeze %dma_wait3A_196 : memref<1x1x128xi32, #tpu.memory_space<vmem>> -> memref<128xi32, #tpu.memory_space<vmem>>
        %dma_wait3A_198 = arith.constant 0 : i32
        %dma_wait3A_199 = arith.constant 0 : i32
        %dma_wait3A_200 = tpu.memref_slice %arg8[%dma_wait3A_198, %dma_wait3A_199] : memref<10240x128xf32, #tpu.memory_space<vmem_shared>> -> memref<10240x128xf32, #tpu.memory_space<vmem_shared>>
        tpu.wait_indirect_dma semaphore(%run_scoped3A_189 : memref<!tpu.dma_semaphore, #tpu.memory_space<semaphore_mem>>) src(%arg6 : memref<128x128xf32, #tpu.memory_space<vmem>>) dst(%dma_wait3A_200 : memref<10240x128xf32, #tpu.memory_space<vmem_shared>>)
        tpu.yield
      }) : () -> ()
      %mul3A_142 = arith.constant 2 : i32
      %mul3A_143 = arith.muli %mul3A_142, %while3A_68 : i32
      %add3A_144 = arith.constant 2 : i32
      %add3A_145 = arith.addi %mul3A_143, %add3A_144 : i32
      %lt3A_146 = arith.cmpi slt, %add3A_145, %select_n3A_8 : i32
      %convert_element_type3A_147 = arith.extui %lt3A_146 : i1 to i32
      %cond3A_148 = arith.constant 0 : i32
      %cond3A_149 = arith.cmpi ne, %convert_element_type3A_147, %cond3A_148 : i32
      scf.if %cond3A_149 {
        %dma_start3A = arith.constant 0 : i32
        %dma_start3A_189 = arith.constant 0 : i32
        %dma_start3A_190 = arith.constant 0 : i32
        %dma_start3A_191 = tpu.memref_slice %arg6[%dma_start3A_189, %dma_start3A_190] : memref<128x128xf32, #tpu.memory_space<vmem>> -> memref<64x128xf32, #tpu.memory_space<vmem>>
        %dma_start3A_192 = arith.constant 0 : i32
        %dma_start3A_193 = tpu.memref_slice %arg5[%mul3A_108, %dma_start3A, %dma_start3A_192] : memref<4x2x128xi32, #tpu.memory_space<vmem>> -> memref<1x1x64xi32, #tpu.memory_space<vmem>>
        %dma_start3A_194 = tpu.memref_squeeze %dma_start3A_193 : memref<1x1x64xi32, #tpu.memory_space<vmem>> -> memref<64xi32, #tpu.memory_space<vmem>>
        %dma_start3A_195 = arith.constant 0 : i32
        %dma_start3A_196 = arith.constant 0 : i32
        %dma_start3A_197 = tpu.memref_slice %arg2[%dma_start3A_195, %dma_start3A_196] : memref<10240x128xf32, #tpu.memory_space<hbm>> -> memref<10240x128xf32, #tpu.memory_space<hbm>>
        tpu.enqueue_indirect_dma source(%dma_start3A_197 : memref<10240x128xf32, #tpu.memory_space<hbm>>) target(%dma_start3A_191 : memref<64x128xf32, #tpu.memory_space<vmem>>) offsets(%dma_start3A_194 : memref<64xi32, #tpu.memory_space<vmem>>) semaphore(%arg9 : memref<!tpu.dma_semaphore, #tpu.memory_space<semaphore_mem>>)
        %dma_start3A_198 = arith.constant 0 : i32
        %dma_start3A_199 = arith.constant 64 : i32
        %dma_start3A_200 = arith.constant 0 : i32
        %dma_start3A_201 = tpu.memref_slice %arg6[%dma_start3A_199, %dma_start3A_200] : memref<128x128xf32, #tpu.memory_space<vmem>> -> memref<64x128xf32, #tpu.memory_space<vmem>>
        %dma_start3A_202 = arith.constant 64 : i32
        %dma_start3A_203 = tpu.memref_slice %arg5[%mul3A_108, %dma_start3A_198, %dma_start3A_202] : memref<4x2x128xi32, #tpu.memory_space<vmem>> -> memref<1x1x64xi32, #tpu.memory_space<vmem>>
        %dma_start3A_204 = tpu.memref_squeeze %dma_start3A_203 : memref<1x1x64xi32, #tpu.memory_space<vmem>> -> memref<64xi32, #tpu.memory_space<vmem>>
        %dma_start3A_205 = arith.constant 0 : i32
        %dma_start3A_206 = arith.constant 0 : i32
        %dma_start3A_207 = tpu.memref_slice %arg2[%dma_start3A_205, %dma_start3A_206] : memref<10240x128xf32, #tpu.memory_space<hbm>> -> memref<10240x128xf32, #tpu.memory_space<hbm>>
        tpu.enqueue_indirect_dma source(%dma_start3A_207 : memref<10240x128xf32, #tpu.memory_space<hbm>>) target(%dma_start3A_201 : memref<64x128xf32, #tpu.memory_space<vmem>>) offsets(%dma_start3A_204 : memref<64xi32, #tpu.memory_space<vmem>>) semaphore(%arg9 : memref<!tpu.dma_semaphore, #tpu.memory_space<semaphore_mem>>)
      } else {
      }
      %add3A_150 = arith.constant 1 : i32
      %add3A_151 = arith.addi %mul3A_88, %add3A_150 : i32
      %dma_wait3A_152 = arith.constant 0 : i32
      %dma_wait3A_153 = arith.constant 0 : i32
      %dma_wait3A_154 = arith.constant 0 : i32
      %dma_wait3A_155 = tpu.memref_slice %arg7[%dma_wait3A_153, %dma_wait3A_154] : memref<128x128xf32, #tpu.memory_space<vmem>> -> memref<64x128xf32, #tpu.memory_space<vmem>>
      %dma_wait3A_156 = arith.constant 0 : i32
      %dma_wait3A_157 = tpu.memref_slice %arg5[%add3A_151, %dma_wait3A_152, %dma_wait3A_156] : memref<4x2x128xi32, #tpu.memory_space<vmem>> -> memref<1x1x64xi32, #tpu.memory_space<vmem>>
      %dma_wait3A_158 = tpu.memref_squeeze %dma_wait3A_157 : memref<1x1x64xi32, #tpu.memory_space<vmem>> -> memref<64xi32, #tpu.memory_space<vmem>>
      %dma_wait3A_159 = arith.constant 0 : i32
      %dma_wait3A_160 = arith.constant 0 : i32
      %dma_wait3A_161 = tpu.memref_slice %arg2[%dma_wait3A_159, %dma_wait3A_160] : memref<10240x128xf32, #tpu.memory_space<hbm>> -> memref<10240x128xf32, #tpu.memory_space<hbm>>
      tpu.wait_indirect_dma semaphore(%arg10 : memref<!tpu.dma_semaphore, #tpu.memory_space<semaphore_mem>>) src(%dma_wait3A_161 : memref<10240x128xf32, #tpu.memory_space<hbm>>) dst(%dma_wait3A_155 : memref<64x128xf32, #tpu.memory_space<vmem>>)
      %dma_wait3A_162 = arith.constant 0 : i32
      %dma_wait3A_163 = arith.constant 64 : i32
      %dma_wait3A_164 = arith.constant 0 : i32
      %dma_wait3A_165 = tpu.memref_slice %arg7[%dma_wait3A_163, %dma_wait3A_164] : memref<128x128xf32, #tpu.memory_space<vmem>> -> memref<64x128xf32, #tpu.memory_space<vmem>>
      %dma_wait3A_166 = arith.constant 64 : i32
      %dma_wait3A_167 = tpu.memref_slice %arg5[%add3A_151, %dma_wait3A_162, %dma_wait3A_166] : memref<4x2x128xi32, #tpu.memory_space<vmem>> -> memref<1x1x64xi32, #tpu.memory_space<vmem>>
      %dma_wait3A_168 = tpu.memref_squeeze %dma_wait3A_167 : memref<1x1x64xi32, #tpu.memory_space<vmem>> -> memref<64xi32, #tpu.memory_space<vmem>>
      %dma_wait3A_169 = arith.constant 0 : i32
      %dma_wait3A_170 = arith.constant 0 : i32
      %dma_wait3A_171 = tpu.memref_slice %arg2[%dma_wait3A_169, %dma_wait3A_170] : memref<10240x128xf32, #tpu.memory_space<hbm>> -> memref<10240x128xf32, #tpu.memory_space<hbm>>
      tpu.wait_indirect_dma semaphore(%arg10 : memref<!tpu.dma_semaphore, #tpu.memory_space<semaphore_mem>>) src(%dma_wait3A_171 : memref<10240x128xf32, #tpu.memory_space<hbm>>) dst(%dma_wait3A_165 : memref<64x128xf32, #tpu.memory_space<vmem>>)
      %add3A_172 = arith.constant 1 : i32
      %add3A_173 = arith.addi %mul3A_88, %add3A_172 : i32
      %run_scoped3A_174 = arith.constant 1 : i32
      "tpu.region"() ({
        %run_scoped3A_189 = tpu.sem_alloc : memref<!tpu.dma_semaphore, #tpu.memory_space<semaphore_mem>>
        %dma_start3A = arith.constant 0 : i32
        %dma_start3A_190 = tpu.memref_slice %arg5[%add3A_173, %run_scoped3A_174, %dma_start3A] : memref<4x2x128xi32, #tpu.memory_space<vmem>> -> memref<1x1x128xi32, #tpu.memory_space<vmem>>
        %dma_start3A_191 = tpu.memref_squeeze %dma_start3A_190 : memref<1x1x128xi32, #tpu.memory_space<vmem>> -> memref<128xi32, #tpu.memory_space<vmem>>
        %dma_start3A_192 = arith.constant 0 : i32
        %dma_start3A_193 = arith.constant 0 : i32
        %dma_start3A_194 = tpu.memref_slice %arg8[%dma_start3A_192, %dma_start3A_193] : memref<10240x128xf32, #tpu.memory_space<vmem_shared>> -> memref<10240x128xf32, #tpu.memory_space<vmem_shared>>
        tpu.enqueue_indirect_dma source(%arg7 : memref<128x128xf32, #tpu.memory_space<vmem>>) target(%dma_start3A_194 : memref<10240x128xf32, #tpu.memory_space<vmem_shared>>) offsets(%dma_start3A_191 : memref<128xi32, #tpu.memory_space<vmem>>) semaphore(%run_scoped3A_189 : memref<!tpu.dma_semaphore, #tpu.memory_space<semaphore_mem>>) {add = true}
        %dma_wait3A_195 = arith.constant 0 : i32
        %dma_wait3A_196 = tpu.memref_slice %arg5[%add3A_173, %run_scoped3A_174, %dma_wait3A_195] : memref<4x2x128xi32, #tpu.memory_space<vmem>> -> memref<1x1x128xi32, #tpu.memory_space<vmem>>
        %dma_wait3A_197 = tpu.memref_squeeze %dma_wait3A_196 : memref<1x1x128xi32, #tpu.memory_space<vmem>> -> memref<128xi32, #tpu.memory_space<vmem>>
        %dma_wait3A_198 = arith.constant 0 : i32
        %dma_wait3A_199 = arith.constant 0 : i32
        %dma_wait3A_200 = tpu.memref_slice %arg8[%dma_wait3A_198, %dma_wait3A_199] : memref<10240x128xf32, #tpu.memory_space<vmem_shared>> -> memref<10240x128xf32, #tpu.memory_space<vmem_shared>>
        tpu.wait_indirect_dma semaphore(%run_scoped3A_189 : memref<!tpu.dma_semaphore, #tpu.memory_space<semaphore_mem>>) src(%arg7 : memref<128x128xf32, #tpu.memory_space<vmem>>) dst(%dma_wait3A_200 : memref<10240x128xf32, #tpu.memory_space<vmem_shared>>)
        tpu.yield
      }) : () -> ()
      %mul3A_175 = arith.constant 2 : i32
      %mul3A_176 = arith.muli %mul3A_175, %while3A_68 : i32
      %add3A_177 = arith.constant 3 : i32
      %add3A_178 = arith.addi %mul3A_176, %add3A_177 : i32
      %lt3A_179 = arith.cmpi slt, %add3A_178, %select_n3A_8 : i32
      %convert_element_type3A_180 = arith.extui %lt3A_179 : i1 to i32
      %cond3A_181 = arith.constant 0 : i32
      %cond3A_182 = arith.cmpi ne, %convert_element_type3A_180, %cond3A_181 : i32
      scf.if %cond3A_182 {
        %add3A_189 = arith.constant 1 : i32
        %add3A_190 = arith.addi %mul3A_108, %add3A_189 : i32
        %dma_start3A = arith.constant 0 : i32
        %dma_start3A_191 = arith.constant 0 : i32
        %dma_start3A_192 = arith.constant 0 : i32
        %dma_start3A_193 = tpu.memref_slice %arg7[%dma_start3A_191, %dma_start3A_192] : memref<128x128xf32, #tpu.memory_space<vmem>> -> memref<64x128xf32, #tpu.memory_space<vmem>>
        %dma_start3A_194 = arith.constant 0 : i32
        %dma_start3A_195 = tpu.memref_slice %arg5[%add3A_190, %dma_start3A, %dma_start3A_194] : memref<4x2x128xi32, #tpu.memory_space<vmem>> -> memref<1x1x64xi32, #tpu.memory_space<vmem>>
        %dma_start3A_196 = tpu.memref_squeeze %dma_start3A_195 : memref<1x1x64xi32, #tpu.memory_space<vmem>> -> memref<64xi32, #tpu.memory_space<vmem>>
        %dma_start3A_197 = arith.constant 0 : i32
        %dma_start3A_198 = arith.constant 0 : i32
        %dma_start3A_199 = tpu.memref_slice %arg2[%dma_start3A_197, %dma_start3A_198] : memref<10240x128xf32, #tpu.memory_space<hbm>> -> memref<10240x128xf32, #tpu.memory_space<hbm>>
        tpu.enqueue_indirect_dma source(%dma_start3A_199 : memref<10240x128xf32, #tpu.memory_space<hbm>>) target(%dma_start3A_193 : memref<64x128xf32, #tpu.memory_space<vmem>>) offsets(%dma_start3A_196 : memref<64xi32, #tpu.memory_space<vmem>>) semaphore(%arg10 : memref<!tpu.dma_semaphore, #tpu.memory_space<semaphore_mem>>)
        %dma_start3A_200 = arith.constant 0 : i32
        %dma_start3A_201 = arith.constant 64 : i32
        %dma_start3A_202 = arith.constant 0 : i32
        %dma_start3A_203 = tpu.memref_slice %arg7[%dma_start3A_201, %dma_start3A_202] : memref<128x128xf32, #tpu.memory_space<vmem>> -> memref<64x128xf32, #tpu.memory_space<vmem>>
        %dma_start3A_204 = arith.constant 64 : i32
        %dma_start3A_205 = tpu.memref_slice %arg5[%add3A_190, %dma_start3A_200, %dma_start3A_204] : memref<4x2x128xi32, #tpu.memory_space<vmem>> -> memref<1x1x64xi32, #tpu.memory_space<vmem>>
        %dma_start3A_206 = tpu.memref_squeeze %dma_start3A_205 : memref<1x1x64xi32, #tpu.memory_space<vmem>> -> memref<64xi32, #tpu.memory_space<vmem>>
        %dma_start3A_207 = arith.constant 0 : i32
        %dma_start3A_208 = arith.constant 0 : i32
        %dma_start3A_209 = tpu.memref_slice %arg2[%dma_start3A_207, %dma_start3A_208] : memref<10240x128xf32, #tpu.memory_space<hbm>> -> memref<10240x128xf32, #tpu.memory_space<hbm>>
        tpu.enqueue_indirect_dma source(%dma_start3A_209 : memref<10240x128xf32, #tpu.memory_space<hbm>>) target(%dma_start3A_203 : memref<64x128xf32, #tpu.memory_space<vmem>>) offsets(%dma_start3A_206 : memref<64xi32, #tpu.memory_space<vmem>>) semaphore(%arg10 : memref<!tpu.dma_semaphore, #tpu.memory_space<semaphore_mem>>)
      } else {
      }
      %add3A_183 = arith.constant 1 : i32
      %add3A_184 = arith.addi %while3A_68, %add3A_183 : i32
      %lt3A_185 = arith.cmpi slt, %add3A_184, %select_n3A_26 : i32
      %convert_element_type3A_186 = arith.extui %lt3A_185 : i1 to i32
      %cond3A_187 = arith.constant 0 : i32
      %cond3A_188 = arith.cmpi ne, %convert_element_type3A_186, %cond3A_187 : i32
      scf.if %cond3A_188 {
        %add3A_189 = arith.constant 4 : i32
        %add3A_190 = arith.addi %add3A_71, %add3A_189 : i32
        %min3A = arith.constant 2558 : i32
        %min3A_191 = arith.minsi %add3A_190, %min3A : i32
        %dma_start3A = arith.constant 0 : i32
        %dma_start3A_192 = arith.constant 0 : i32
        %dma_start3A_193 = tpu.memref_slice %arg5[%mul3A_88, %dma_start3A, %dma_start3A_192] : memref<4x2x128xi32, #tpu.memory_space<vmem>> -> memref<2x2x128xi32, #tpu.memory_space<vmem>>
        %dma_start3A_194 = arith.constant 0 : i32
        %dma_start3A_195 = arith.constant 0 : i32
        %dma_start3A_196 = tpu.memref_slice %arg3[%min3A_191, %dma_start3A_194, %dma_start3A_195] : memref<2560x2x128xi32, #tpu.memory_space<hbm>> -> memref<2x2x128xi32, #tpu.memory_space<hbm>>
        %dma_start3A_197 = arith.constant 0 : i32
        %dma_start3A_198 = arith.constant 0 : i32
        %dma_start3A_199 = tpu.memref_slice %arg5[%mul3A_88, %dma_start3A_197, %dma_start3A_198] : memref<4x2x128xi32, #tpu.memory_space<vmem>> -> memref<2x2x128xi32, #tpu.memory_space<vmem>>
        %dma_start3A_200 = arith.constant 0 : i32
        %dma_start3A_201 = arith.constant 0 : i32
        %dma_start3A_202 = tpu.memref_slice %arg3[%min3A_191, %dma_start3A_200, %dma_start3A_201] : memref<2560x2x128xi32, #tpu.memory_space<hbm>> -> memref<2x2x128xi32, #tpu.memory_space<hbm>>
        tpu.enqueue_dma source(%dma_start3A_202 : memref<2x2x128xi32, #tpu.memory_space<hbm>>) target(%dma_start3A_199 : memref<2x2x128xi32, #tpu.memory_space<vmem>>) target_semaphore(%arg11 : memref<!tpu.dma_semaphore, #tpu.memory_space<semaphore_mem>>)
      } else {
      }
    }
    %barrier3A_63 = arith.constant 0 : index
    tpu.barrier barrier_id(%barrier3A_63)
    %mul3A_64 = arith.constant 640 : i32
    %mul3A_65 = arith.muli %arg1, %mul3A_64 : i32
    %mul3A_66 = arith.constant 640 : i32
    %mul3A_67 = arith.muli %arg1, %mul3A_66 : i32
    "tpu.region"() ({
      %run_scoped3A = tpu.sem_alloc : memref<!tpu.dma_semaphore, #tpu.memory_space<semaphore_mem>>
      %dma_start3A = arith.constant 0 : i32
      %dma_start3A_68 = tpu.memref_slice %arg4[%arg0, %mul3A_67, %dma_start3A] : memref<2x10240x128xf32, #tpu.memory_space<hbm>> -> memref<1x640x128xf32, #tpu.memory_space<hbm>>
      %dma_start3A_69 = tpu.memref_squeeze %dma_start3A_68 : memref<1x640x128xf32, #tpu.memory_space<hbm>> -> memref<640x128xf32, #tpu.memory_space<hbm>>
      %dma_start3A_70 = arith.constant 0 : i32
      %dma_start3A_71 = tpu.memref_slice %arg8[%mul3A_65, %dma_start3A_70] : memref<10240x128xf32, #tpu.memory_space<vmem_shared>> -> memref<640x128xf32, #tpu.memory_space<vmem_shared>>
      tpu.enqueue_dma source(%dma_start3A_71 : memref<640x128xf32, #tpu.memory_space<vmem_shared>>) target(%dma_start3A_69 : memref<640x128xf32, #tpu.memory_space<hbm>>) target_semaphore(%run_scoped3A : memref<!tpu.dma_semaphore, #tpu.memory_space<semaphore_mem>>)
      %dma_wait3A = arith.constant 0 : i32
      %dma_wait3A_72 = tpu.memref_slice %arg4[%arg0, %mul3A_67, %dma_wait3A] : memref<2x10240x128xf32, #tpu.memory_space<hbm>> -> memref<1x640x128xf32, #tpu.memory_space<hbm>>
      %dma_wait3A_73 = tpu.memref_squeeze %dma_wait3A_72 : memref<1x640x128xf32, #tpu.memory_space<hbm>> -> memref<640x128xf32, #tpu.memory_space<hbm>>
      %dma_wait3A_74 = arith.constant 0 : i32
      %dma_wait3A_75 = tpu.memref_slice %arg8[%mul3A_65, %dma_wait3A_74] : memref<10240x128xf32, #tpu.memory_space<vmem_shared>> -> memref<640x128xf32, #tpu.memory_space<vmem_shared>>
      tpu.wait_dma2 semaphore(%run_scoped3A : memref<!tpu.dma_semaphore, #tpu.memory_space<semaphore_mem>>) src(%dma_wait3A_75 : memref<640x128xf32, #tpu.memory_space<vmem_shared>>) dst(%dma_wait3A_73 : memref<640x128xf32, #tpu.memory_space<hbm>>)
      tpu.yield
    }) : () -> ()
    return
  }
}

module attributes {stable_mosaic.version = 14 : i64} {
  func.func @_tca_body(%arg0: i32, %arg1: memref<1024x128xf32, #tpu.memory_space<vmem>>, %arg2: memref<2x1024x128xf32, #tpu.memory_space<vmem>>, %arg3: memref<128x128xf32, #tpu.memory_space<vmem>>, %arg4: memref<1024x128xf32, #tpu.memory_space<vmem>>, %arg5: memref<1024x1xf32, #tpu.memory_space<vmem>>) attributes {dimension_semantics = [#tpu.dimension_semantics<arbitrary>], iteration_bounds = array<i64: 10>, scalar_prefetch = 0 : i64, scratch_operands = 0 : i64, tpu.core_type = #tpu.core_type<tc>, window_params = [{transform_indices = @transform_0, window_bounds = array<i64: 1024, 128>}, {transform_indices = @transform_1, window_bounds = array<i64: 2, 1024, 128>}, {pipeline_mode = #tpu.pipeline_mode<synchronous>, transform_indices = @transform_2, window_bounds = array<i64: 128, 128>}, {transform_indices = @transform_3, window_bounds = array<i64: 1024, 128>}, {transform_indices = @transform_4, window_bounds = array<i64: 1024, 1>}]} {
    %get3A = arith.constant 0 : index
    %get3A_0 = arith.constant 0 : index
    %get3A_1 = arith.constant 0 : index
    %get3A_2 = vector.load %arg2[%get3A, %get3A_0, %get3A_1] : memref<2x1024x128xf32, #tpu.memory_space<vmem>>, vector<1x1024x1xf32>
    %get3A_3 = vector.shape_cast %get3A_2 : vector<1x1024x1xf32> to vector<1024x1xf32>
    %get3A_4 = arith.constant 1 : index
    %get3A_5 = arith.constant 0 : index
    %get3A_6 = arith.constant 0 : index
    %get3A_7 = vector.load %arg2[%get3A_4, %get3A_5, %get3A_6] : memref<2x1024x128xf32, #tpu.memory_space<vmem>>, vector<1x1024x1xf32>
    %get3A_8 = vector.shape_cast %get3A_7 : vector<1x1024x1xf32> to vector<1024x1xf32>
    %add3A = arith.addf %get3A_3, %get3A_8 : vector<1024x1xf32>
    %add3A_9 = arith.constant 1.000000e+00 : f32
    %add3A_10 = vector.broadcast %add3A_9 : f32 to vector<1024x1xf32>
    %add3A_11 = arith.addf %add3A, %add3A_10 : vector<1024x1xf32>
    %rsqrt3A = math.rsqrt %add3A_11 : vector<1024x1xf32>
    %get3A_12 = arith.constant 0 : index
    %get3A_13 = arith.constant 0 : index
    %get3A_14 = vector.load %arg1[%get3A_12, %get3A_13] : memref<1024x128xf32, #tpu.memory_space<vmem>>, vector<1024x128xf32>
    %get3A_15 = arith.constant 0 : index
    %get3A_16 = arith.constant 0 : index
    %get3A_17 = vector.load %arg3[%get3A_15, %get3A_16] : memref<128x128xf32, #tpu.memory_space<vmem>>, vector<128x128xf32>
    %dot_general3A = arith.constant dense<0.000000e+00> : vector<1024x128xf32>
    %dot_general3A_18 = tpu.matmul %get3A_14, %get3A_17, %dot_general3A {dimension_numbers = #tpu.dot_dimension_numbers<[1], [0], [0], [1], [0, 0, 1, 1], [], []>, transpose_lhs_hint = false} : vector<1024x128xf32>, vector<128x128xf32>, vector<1024x128xf32> -> vector<1024x128xf32>
    %mul3A = vector.broadcast %rsqrt3A : vector<1024x1xf32> to vector<1024x128xf32>
    %mul3A_19 = arith.mulf %dot_general3A_18, %mul3A : vector<1024x128xf32>
    %swap3A = arith.constant 0 : index
    %swap3A_20 = arith.constant 0 : index
    %swap3A_21 = vector.load %arg4[%swap3A, %swap3A_20] : memref<1024x128xf32, #tpu.memory_space<vmem>>, vector<1024x128xf32>
    tpu.vector_store %arg4[%swap3A, %swap3A_20], %mul3A_19 {strides = array<i32>} : memref<1024x128xf32, #tpu.memory_space<vmem>>, vector<1024x128xf32>,
    %swap3A_22 = arith.constant 0 : index
    %swap3A_23 = arith.constant 0 : index
    %swap3A_24 = vector.load %arg5[%swap3A_22, %swap3A_23] : memref<1024x1xf32, #tpu.memory_space<vmem>>, vector<1024x1xf32>
    tpu.vector_store %arg5[%swap3A_22, %swap3A_23], %rsqrt3A {strides = array<i32>} : memref<1024x1xf32, #tpu.memory_space<vmem>>, vector<1024x1xf32>,
    return
  }
  func.func @transform_0(%arg0: i32) -> (i32, i32) {
    %c0_i32 = arith.constant 0 : i32
    %c0_i32_0 = arith.constant 0 : i32
    return %arg0, %c0_i32 : i32, i32
  }
  func.func @transform_1(%arg0: i32) -> (i32, i32, i32) {
    %c0_i32 = arith.constant 0 : i32
    %c0_i32_0 = arith.constant 0 : i32
    %c0_i32_1 = arith.constant 0 : i32
    return %c0_i32, %arg0, %c0_i32_0 : i32, i32, i32
  }
  func.func @transform_2(%arg0: i32) -> (i32, i32) {
    %c0_i32 = arith.constant 0 : i32
    %c0_i32_0 = arith.constant 0 : i32
    %c0_i32_1 = arith.constant 0 : i32
    return %c0_i32, %c0_i32_0 : i32, i32
  }
  func.func @transform_3(%arg0: i32) -> (i32, i32) {
    %c0_i32 = arith.constant 0 : i32
    %c0_i32_0 = arith.constant 0 : i32
    return %arg0, %c0_i32 : i32, i32
  }
  func.func @transform_4(%arg0: i32) -> (i32, i32) {
    %c0_i32 = arith.constant 0 : i32
    %c0_i32_0 = arith.constant 0 : i32
    return %arg0, %c0_i32 : i32, i32
  }
}

module attributes {stable_mosaic.version = 14 : i64} {
  func.func @_tcb_body(%arg0: i32, %arg1: memref<2x1024x128xf32, #tpu.memory_space<vmem>>, %arg2: memref<1024x128xf32, #tpu.memory_space<vmem>>, %arg3: memref<1024x1xf32, #tpu.memory_space<vmem>>, %arg4: memref<1x128xf32, #tpu.memory_space<vmem>>, %arg5: memref<128x128xf32, #tpu.memory_space<vmem>>, %arg6: memref<1024x128xf32, #tpu.memory_space<vmem>>) attributes {dimension_semantics = [#tpu.dimension_semantics<arbitrary>], iteration_bounds = array<i64: 10>, scalar_prefetch = 0 : i64, scratch_operands = 0 : i64, tpu.core_type = #tpu.core_type<tc>, window_params = [{transform_indices = @transform_0, window_bounds = array<i64: 2, 1024, 128>}, {transform_indices = @transform_1, window_bounds = array<i64: 1024, 128>}, {transform_indices = @transform_2, window_bounds = array<i64: 1024, 1>}, {pipeline_mode = #tpu.pipeline_mode<synchronous>, transform_indices = @transform_3, window_bounds = array<i64: 1, 128>}, {pipeline_mode = #tpu.pipeline_mode<synchronous>, transform_indices = @transform_4, window_bounds = array<i64: 128, 128>}, {transform_indices = @transform_5, window_bounds = array<i64: 1024, 128>}]} {
    %get3A = arith.constant 0 : index
    %get3A_0 = arith.constant 0 : index
    %get3A_1 = vector.load %arg3[%get3A, %get3A_0] : memref<1024x1xf32, #tpu.memory_space<vmem>>, vector<1024x1xf32>
    %get3A_2 = arith.constant 0 : index
    %get3A_3 = arith.constant 0 : index
    %get3A_4 = arith.constant 0 : index
    %get3A_5 = vector.load %arg1[%get3A_2, %get3A_3, %get3A_4] : memref<2x1024x128xf32, #tpu.memory_space<vmem>>, vector<1x1024x128xf32>
    %get3A_6 = vector.shape_cast %get3A_5 : vector<1x1024x128xf32> to vector<1024x128xf32>
    %get3A_7 = arith.constant 1 : index
    %get3A_8 = arith.constant 0 : index
    %get3A_9 = arith.constant 0 : index
    %get3A_10 = vector.load %arg1[%get3A_7, %get3A_8, %get3A_9] : memref<2x1024x128xf32, #tpu.memory_space<vmem>>, vector<1x1024x128xf32>
    %get3A_11 = vector.shape_cast %get3A_10 : vector<1x1024x128xf32> to vector<1024x128xf32>
    %add3A = arith.addf %get3A_6, %get3A_11 : vector<1024x128xf32>
    %get3A_12 = arith.constant 0 : index
    %get3A_13 = arith.constant 0 : index
    %get3A_14 = vector.load %arg2[%get3A_12, %get3A_13] : memref<1024x128xf32, #tpu.memory_space<vmem>>, vector<1024x128xf32>
    %add3A_15 = arith.addf %add3A, %get3A_14 : vector<1024x128xf32>
    %mul3A = vector.broadcast %get3A_1 : vector<1024x1xf32> to vector<1024x128xf32>
    %mul3A_16 = arith.mulf %mul3A, %add3A_15 : vector<1024x128xf32>
    %get3A_17 = arith.constant 0 : index
    %get3A_18 = arith.constant 0 : index
    %get3A_19 = vector.load %arg4[%get3A_17, %get3A_18] : memref<1x128xf32, #tpu.memory_space<vmem>>, vector<1x128xf32>
    %add3A_20 = vector.broadcast %get3A_19 : vector<1x128xf32> to vector<1024x128xf32>
    %add3A_21 = arith.addf %mul3A_16, %add3A_20 : vector<1024x128xf32>
    %max3A = arith.constant 0.000000e+00 : f32
    %max3A_22 = vector.broadcast %max3A : f32 to vector<1024x128xf32>
    %max3A_23 = arith.maximumf %add3A_21, %max3A_22 : vector<1024x128xf32>
    %get3A_24 = arith.constant 0 : index
    %get3A_25 = arith.constant 0 : index
    %get3A_26 = vector.load %arg5[%get3A_24, %get3A_25] : memref<128x128xf32, #tpu.memory_space<vmem>>, vector<128x128xf32>
    %dot_general3A = arith.constant dense<0.000000e+00> : vector<1024x128xf32>
    %dot_general3A_27 = tpu.matmul %max3A_23, %get3A_26, %dot_general3A {dimension_numbers = #tpu.dot_dimension_numbers<[1], [0], [0], [1], [0, 0, 1, 1], [], []>, transpose_lhs_hint = false} : vector<1024x128xf32>, vector<128x128xf32>, vector<1024x128xf32> -> vector<1024x128xf32>
    %mul3A_28 = vector.broadcast %get3A_1 : vector<1024x1xf32> to vector<1024x128xf32>
    %mul3A_29 = arith.mulf %mul3A_28, %dot_general3A_27 : vector<1024x128xf32>
    %swap3A = arith.constant 0 : index
    %swap3A_30 = arith.constant 0 : index
    %swap3A_31 = vector.load %arg6[%swap3A, %swap3A_30] : memref<1024x128xf32, #tpu.memory_space<vmem>>, vector<1024x128xf32>
    tpu.vector_store %arg6[%swap3A, %swap3A_30], %mul3A_29 {strides = array<i32>} : memref<1024x128xf32, #tpu.memory_space<vmem>>, vector<1024x128xf32>,
    return
  }
  func.func @transform_0(%arg0: i32) -> (i32, i32, i32) {
    %c0_i32 = arith.constant 0 : i32
    %c0_i32_0 = arith.constant 0 : i32
    %c0_i32_1 = arith.constant 0 : i32
    return %c0_i32, %arg0, %c0_i32_0 : i32, i32, i32
  }
  func.func @transform_1(%arg0: i32) -> (i32, i32) {
    %c0_i32 = arith.constant 0 : i32
    %c0_i32_0 = arith.constant 0 : i32
    return %arg0, %c0_i32 : i32, i32
  }
  func.func @transform_2(%arg0: i32) -> (i32, i32) {
    %c0_i32 = arith.constant 0 : i32
    %c0_i32_0 = arith.constant 0 : i32
    return %arg0, %c0_i32 : i32, i32
  }
  func.func @transform_3(%arg0: i32) -> (i32, i32) {
    %c0_i32 = arith.constant 0 : i32
    %c0_i32_0 = arith.constant 0 : i32
    %c0_i32_1 = arith.constant 0 : i32
    return %c0_i32, %c0_i32_0 : i32, i32
  }
  func.func @transform_4(%arg0: i32) -> (i32, i32) {
    %c0_i32 = arith.constant 0 : i32
    %c0_i32_0 = arith.constant 0 : i32
    %c0_i32_1 = arith.constant 0 : i32
    return %c0_i32, %c0_i32_0 : i32, i32
  }
  func.func @transform_5(%arg0: i32) -> (i32, i32) {
    %c0_i32 = arith.constant 0 : i32
    %c0_i32_0 = arith.constant 0 : i32
    return %arg0, %c0_i32 : i32, i32
  }
}

module attributes {stable_mosaic.version = 14 : i64} {
  func.func @_tcc_body(%arg0: i32, %arg1: memref<2x1024x128xf32, #tpu.memory_space<vmem>>, %arg2: memref<1024x128xf32, #tpu.memory_space<vmem>>, %arg3: memref<1024x1xf32, #tpu.memory_space<vmem>>, %arg4: memref<1x128xf32, #tpu.memory_space<vmem>>, %arg5: memref<1x1x1024xi32, #tpu.memory_space<vmem>>, %arg6: memref<128x128xf32, #tpu.memory_space<vmem>>, %arg7: memref<1x128xf32, #tpu.memory_space<vmem>>, %arg8: memref<128x128xf32, #tpu.memory_space<vmem>>, %arg9: memref<1x128xf32, #tpu.memory_space<vmem>>, %arg10: memref<128x128xf32, #tpu.memory_space<vmem>>, %arg11: memref<128x128xf32, #tpu.memory_space<vmem>>, %arg12: memref<128x128xf32, #tpu.memory_space<vmem>>) attributes {dimension_semantics = [#tpu.dimension_semantics<arbitrary>], iteration_bounds = array<i64: 10>, scalar_prefetch = 0 : i64, scratch_operands = 2 : i64, tpu.core_type = #tpu.core_type<tc>, window_params = [{transform_indices = @transform_0, window_bounds = array<i64: 2, 1024, 128>}, {transform_indices = @transform_1, window_bounds = array<i64: 1024, 128>}, {transform_indices = @transform_2, window_bounds = array<i64: 1024, 1>}, {pipeline_mode = #tpu.pipeline_mode<synchronous>, transform_indices = @transform_3, window_bounds = array<i64: 1, 128>}, {transform_indices = @transform_4, window_bounds = array<i64: 1, 1, 1024>}, {pipeline_mode = #tpu.pipeline_mode<synchronous>, transform_indices = @transform_5, window_bounds = array<i64: 128, 128>}, {pipeline_mode = #tpu.pipeline_mode<synchronous>, transform_indices = @transform_6, window_bounds = array<i64: 1, 128>}, {pipeline_mode = #tpu.pipeline_mode<synchronous>, transform_indices = @transform_7, window_bounds = array<i64: 128, 128>}, {pipeline_mode = #tpu.pipeline_mode<synchronous>, transform_indices = @transform_8, window_bounds = array<i64: 1, 128>}, {pipeline_mode = #tpu.pipeline_mode<synchronous>, transform_indices = @transform_9, window_bounds = array<i64: 128, 128>}]} {
    %get3A = arith.constant 0 : index
    %get3A_0 = arith.constant 0 : index
    %get3A_1 = vector.load %arg3[%get3A, %get3A_0] : memref<1024x1xf32, #tpu.memory_space<vmem>>, vector<1024x1xf32>
    %get3A_2 = arith.constant 0 : index
    %get3A_3 = arith.constant 0 : index
    %get3A_4 = arith.constant 0 : index
    %get3A_5 = vector.load %arg1[%get3A_2, %get3A_3, %get3A_4] : memref<2x1024x128xf32, #tpu.memory_space<vmem>>, vector<1x1024x128xf32>
    %get3A_6 = vector.shape_cast %get3A_5 : vector<1x1024x128xf32> to vector<1024x128xf32>
    %get3A_7 = arith.constant 1 : index
    %get3A_8 = arith.constant 0 : index
    %get3A_9 = arith.constant 0 : index
    %get3A_10 = vector.load %arg1[%get3A_7, %get3A_8, %get3A_9] : memref<2x1024x128xf32, #tpu.memory_space<vmem>>, vector<1x1024x128xf32>
    %get3A_11 = vector.shape_cast %get3A_10 : vector<1x1024x128xf32> to vector<1024x128xf32>
    %add3A = arith.addf %get3A_6, %get3A_11 : vector<1024x128xf32>
    %get3A_12 = arith.constant 0 : index
    %get3A_13 = arith.constant 0 : index
    %get3A_14 = vector.load %arg2[%get3A_12, %get3A_13] : memref<1024x128xf32, #tpu.memory_space<vmem>>, vector<1024x128xf32>
    %add3A_15 = arith.addf %add3A, %get3A_14 : vector<1024x128xf32>
    %mul3A = vector.broadcast %get3A_1 : vector<1024x1xf32> to vector<1024x128xf32>
    %mul3A_16 = arith.mulf %mul3A, %add3A_15 : vector<1024x128xf32>
    %get3A_17 = arith.constant 0 : index
    %get3A_18 = arith.constant 0 : index
    %get3A_19 = vector.load %arg4[%get3A_17, %get3A_18] : memref<1x128xf32, #tpu.memory_space<vmem>>, vector<1x128xf32>
    %add3A_20 = vector.broadcast %get3A_19 : vector<1x128xf32> to vector<1024x128xf32>
    %add3A_21 = arith.addf %mul3A_16, %add3A_20 : vector<1024x128xf32>
    %get3A_22 = arith.constant 0 : index
    %get3A_23 = arith.constant 0 : index
    %get3A_24 = arith.constant 0 : index
    %get3A_25 = vector.load %arg5[%get3A_22, %get3A_23, %get3A_24] : memref<1x1x1024xi32, #tpu.memory_space<vmem>>, vector<1x1x1024xi32>
    %get3A_26 = vector.shape_cast %get3A_25 : vector<1x1x1024xi32> to vector<1x1024xi32>
    %iota3A = tpu.iota {dimensions = array<i32: 0>} : vector<128x1024xi32>
    %eq3A = vector.broadcast %get3A_26 : vector<1x1024xi32> to vector<128x1024xi32>
    %eq3A_27 = arith.cmpi eq, %iota3A, %eq3A : vector<128x1024xi32>
    %convert_element_type3A = arith.extui %eq3A_27 : vector<128x1024xi1> to vector<128x1024xi32>
    %convert_element_type3A_28 = arith.sitofp %convert_element_type3A : vector<128x1024xi32> to vector<128x1024xf32>
    %dot_general3A = arith.constant dense<0.000000e+00> : vector<128x128xf32>
    %dot_general3A_29 = tpu.matmul %convert_element_type3A_28, %add3A_21, %dot_general3A {dimension_numbers = #tpu.dot_dimension_numbers<[1], [0], [0], [1], [0, 0, 1, 1], [], []>, transpose_lhs_hint = false} : vector<128x1024xf32>, vector<1024x128xf32>, vector<128x128xf32> -> vector<128x128xf32>
    %reduce_sum3A = arith.constant dense<0.000000e+00> : vector<128xf32>
    %reduce_sum3A_30 = vector.multi_reduction <add>, %convert_element_type3A_28, %reduce_sum3A [1] : vector<128x1024xf32> to vector<128xf32>
    %broadcast_in_dim3A = vector.shape_cast %reduce_sum3A_30 : vector<128xf32> to vector<128x1xf32>
    %eq3A_31 = arith.constant 0 : i32
    %eq3A_32 = arith.cmpi eq, %arg0, %eq3A_31 : i32
    %convert_element_type3A_33 = arith.extui %eq3A_32 : i1 to i32
    %cond3A = arith.constant 0 : i32
    %cond3A_34 = arith.cmpi ne, %convert_element_type3A_33, %cond3A : i32
    scf.if %cond3A_34 {
      %swap3A = arith.constant 0 : index
      %swap3A_44 = arith.constant 0 : index
      %swap3A_45 = vector.load %arg11[%swap3A, %swap3A_44] : memref<128x128xf32, #tpu.memory_space<vmem>>, vector<128x128xf32>
      tpu.vector_store %arg11[%swap3A, %swap3A_44], %dot_general3A_29 {strides = array<i32>} : memref<128x128xf32, #tpu.memory_space<vmem>>, vector<128x128xf32>,
      %broadcast_in_dim3A_46 = vector.shape_cast %broadcast_in_dim3A : vector<128x1xf32> to vector<128x1xf32>
      %broadcast_in_dim3A_47 = vector.broadcast %broadcast_in_dim3A_46 : vector<128x1xf32> to vector<128x128xf32>
      %swap3A_48 = arith.constant 0 : index
      %swap3A_49 = arith.constant 0 : index
      %swap3A_50 = vector.load %arg12[%swap3A_48, %swap3A_49] : memref<128x128xf32, #tpu.memory_space<vmem>>, vector<128x128xf32>
      tpu.vector_store %arg12[%swap3A_48, %swap3A_49], %broadcast_in_dim3A_47 {strides = array<i32>} : memref<128x128xf32, #tpu.memory_space<vmem>>, vector<128x128xf32>,
    } else {
    }
    %gt3A = arith.constant 0 : i32
    %gt3A_35 = arith.cmpi sgt, %arg0, %gt3A : i32
    %convert_element_type3A_36 = arith.extui %gt3A_35 : i1 to i32
    %cond3A_37 = arith.constant 0 : i32
    %cond3A_38 = arith.cmpi ne, %convert_element_type3A_36, %cond3A_37 : i32
    scf.if %cond3A_38 {
      %get3A_44 = arith.constant 0 : index
      %get3A_45 = arith.constant 0 : index
      %get3A_46 = vector.load %arg11[%get3A_44, %get3A_45] : memref<128x128xf32, #tpu.memory_space<vmem>>, vector<128x128xf32>
      %add3A_47 = arith.addf %get3A_46, %dot_general3A_29 : vector<128x128xf32>
      %swap3A = arith.constant 0 : index
      %swap3A_48 = arith.constant 0 : index
      %swap3A_49 = vector.load %arg11[%swap3A, %swap3A_48] : memref<128x128xf32, #tpu.memory_space<vmem>>, vector<128x128xf32>
      tpu.vector_store %arg11[%swap3A, %swap3A_48], %add3A_47 {strides = array<i32>} : memref<128x128xf32, #tpu.memory_space<vmem>>, vector<128x128xf32>,
      %get3A_50 = arith.constant 0 : index
      %get3A_51 = arith.constant 0 : index
      %get3A_52 = vector.load %arg12[%get3A_50, %get3A_51] : memref<128x128xf32, #tpu.memory_space<vmem>>, vector<128x128xf32>
      %broadcast_in_dim3A_53 = vector.shape_cast %broadcast_in_dim3A : vector<128x1xf32> to vector<128x1xf32>
      %broadcast_in_dim3A_54 = vector.broadcast %broadcast_in_dim3A_53 : vector<128x1xf32> to vector<128x128xf32>
      %add3A_55 = arith.addf %get3A_52, %broadcast_in_dim3A_54 : vector<128x128xf32>
      %swap3A_56 = arith.constant 0 : index
      %swap3A_57 = arith.constant 0 : index
      %swap3A_58 = vector.load %arg12[%swap3A_56, %swap3A_57] : memref<128x128xf32, #tpu.memory_space<vmem>>, vector<128x128xf32>
      tpu.vector_store %arg12[%swap3A_56, %swap3A_57], %add3A_55 {strides = array<i32>} : memref<128x128xf32, #tpu.memory_space<vmem>>, vector<128x128xf32>,
    } else {
    }
    %eq3A_39 = arith.constant 9 : i32
    %eq3A_40 = arith.cmpi eq, %arg0, %eq3A_39 : i32
    %convert_element_type3A_41 = arith.extui %eq3A_40 : i1 to i32
    %cond3A_42 = arith.constant 0 : i32
    %cond3A_43 = arith.cmpi ne, %convert_element_type3A_41, %cond3A_42 : i32
    scf.if %cond3A_43 {
      %get3A_44 = arith.constant 0 : index
      %get3A_45 = arith.constant 0 : index
      %get3A_46 = vector.load %arg11[%get3A_44, %get3A_45] : memref<128x128xf32, #tpu.memory_space<vmem>>, vector<128x128xf32>
      %get3A_47 = arith.constant 0 : index
      %get3A_48 = arith.constant 0 : index
      %get3A_49 = vector.load %arg12[%get3A_47, %get3A_48] : memref<128x128xf32, #tpu.memory_space<vmem>>, vector<128x128xf32>
      %max3A = arith.constant 1.000000e+00 : f32
      %max3A_50 = vector.broadcast %max3A : f32 to vector<128x128xf32>
      %max3A_51 = arith.maximumf %get3A_49, %max3A_50 : vector<128x128xf32>
      %div3A = arith.divf %get3A_46, %max3A_51 : vector<128x128xf32>
      %get3A_52 = arith.constant 0 : index
      %get3A_53 = arith.constant 0 : index
      %get3A_54 = vector.load %arg6[%get3A_52, %get3A_53] : memref<128x128xf32, #tpu.memory_space<vmem>>, vector<128x128xf32>
      %dot_general3A_55 = arith.constant dense<0.000000e+00> : vector<128x128xf32>
      %dot_general3A_56 = tpu.matmul %div3A, %get3A_54, %dot_general3A_55 {dimension_numbers = #tpu.dot_dimension_numbers<[1], [0], [0], [1], [0, 0, 1, 1], [], []>, transpose_lhs_hint = false} : vector<128x128xf32>, vector<128x128xf32>, vector<128x128xf32> -> vector<128x128xf32>
      %get3A_57 = arith.constant 0 : index
      %get3A_58 = arith.constant 0 : index
      %get3A_59 = vector.load %arg7[%get3A_57, %get3A_58] : memref<1x128xf32, #tpu.memory_space<vmem>>, vector<1x128xf32>
      %add3A_60 = vector.broadcast %get3A_59 : vector<1x128xf32> to vector<128x128xf32>
      %add3A_61 = arith.addf %dot_general3A_56, %add3A_60 : vector<128x128xf32>
      %max3A_62 = arith.constant 0.000000e+00 : f32
      %max3A_63 = vector.broadcast %max3A_62 : f32 to vector<128x128xf32>
      %max3A_64 = arith.maximumf %add3A_61, %max3A_63 : vector<128x128xf32>
      %get3A_65 = arith.constant 0 : index
      %get3A_66 = arith.constant 0 : index
      %get3A_67 = vector.load %arg8[%get3A_65, %get3A_66] : memref<128x128xf32, #tpu.memory_space<vmem>>, vector<128x128xf32>
      %dot_general3A_68 = arith.constant dense<0.000000e+00> : vector<128x128xf32>
      %dot_general3A_69 = tpu.matmul %max3A_64, %get3A_67, %dot_general3A_68 {dimension_numbers = #tpu.dot_dimension_numbers<[1], [0], [0], [1], [0, 0, 1, 1], [], []>, transpose_lhs_hint = false} : vector<128x128xf32>, vector<128x128xf32>, vector<128x128xf32> -> vector<128x128xf32>
      %get3A_70 = arith.constant 0 : index
      %get3A_71 = arith.constant 0 : index
      %get3A_72 = vector.load %arg9[%get3A_70, %get3A_71] : memref<1x128xf32, #tpu.memory_space<vmem>>, vector<1x128xf32>
      %add3A_73 = vector.broadcast %get3A_72 : vector<1x128xf32> to vector<128x128xf32>
      %add3A_74 = arith.addf %dot_general3A_69, %add3A_73 : vector<128x128xf32>
      %swap3A = arith.constant 0 : index
      %swap3A_75 = arith.constant 0 : index
      %swap3A_76 = vector.load %arg10[%swap3A, %swap3A_75] : memref<128x128xf32, #tpu.memory_space<vmem>>, vector<128x128xf32>
      tpu.vector_store %arg10[%swap3A, %swap3A_75], %add3A_74 {strides = array<i32>} : memref<128x128xf32, #tpu.memory_space<vmem>>, vector<128x128xf32>,
    } else {
    }
    return
  }
  func.func @transform_0(%arg0: i32) -> (i32, i32, i32) {
    %c0_i32 = arith.constant 0 : i32
    %c0_i32_0 = arith.constant 0 : i32
    %c0_i32_1 = arith.constant 0 : i32
    return %c0_i32, %arg0, %c0_i32_0 : i32, i32, i32
  }
  func.func @transform_1(%arg0: i32) -> (i32, i32) {
    %c0_i32 = arith.constant 0 : i32
    %c0_i32_0 = arith.constant 0 : i32
    return %arg0, %c0_i32 : i32, i32
  }
  func.func @transform_2(%arg0: i32) -> (i32, i32) {
    %c0_i32 = arith.constant 0 : i32
    %c0_i32_0 = arith.constant 0 : i32
    return %arg0, %c0_i32 : i32, i32
  }
  func.func @transform_3(%arg0: i32) -> (i32, i32) {
    %c0_i32 = arith.constant 0 : i32
    %c0_i32_0 = arith.constant 0 : i32
    %c0_i32_1 = arith.constant 0 : i32
    return %c0_i32, %c0_i32_0 : i32, i32
  }
  func.func @transform_4(%arg0: i32) -> (i32, i32, i32) {
    %c0_i32 = arith.constant 0 : i32
    %c0_i32_0 = arith.constant 0 : i32
    %c0_i32_1 = arith.constant 0 : i32
    return %arg0, %c0_i32, %c0_i32_0 : i32, i32, i32
  }
  func.func @transform_5(%arg0: i32) -> (i32, i32) {
    %c0_i32 = arith.constant 0 : i32
    %c0_i32_0 = arith.constant 0 : i32
    %c0_i32_1 = arith.constant 0 : i32
    return %c0_i32, %c0_i32_0 : i32, i32
  }
  func.func @transform_6(%arg0: i32) -> (i32, i32) {
    %c0_i32 = arith.constant 0 : i32
    %c0_i32_0 = arith.constant 0 : i32
    %c0_i32_1 = arith.constant 0 : i32
    return %c0_i32, %c0_i32_0 : i32, i32
  }
  func.func @transform_7(%arg0: i32) -> (i32, i32) {
    %c0_i32 = arith.constant 0 : i32
    %c0_i32_0 = arith.constant 0 : i32
    %c0_i32_1 = arith.constant 0 : i32
    return %c0_i32, %c0_i32_0 : i32, i32
  }
  func.func @transform_8(%arg0: i32) -> (i32, i32) {
    %c0_i32 = arith.constant 0 : i32
    %c0_i32_0 = arith.constant 0 : i32
    %c0_i32_1 = arith.constant 0 : i32
    return %c0_i32, %c0_i32_0 : i32, i32
  }
  func.func @transform_9(%arg0: i32) -> (i32, i32) {
    %c0_i32 = arith.constant 0 : i32
    %c0_i32_0 = arith.constant 0 : i32
    %c0_i32_1 = arith.constant 0 : i32
    return %c0_i32, %c0_i32_0 : i32, i32
  }
}

</mosaic_0001>

<sc_bundles>
// kernel: kernel.11.cloned.1.call-start
scs
__scs_entry_jumppad:
0x0: {  	(pc) =	sbr.rel $0x88, $3  }
0x1: {  	(tag) =	ssettag $0x0;
	lr =	simm.s32 $0x1  }
0x2: {  	[smem:$0x3F96] =	sst lr;
	_ =	strace $0xD0000000  }
0x3: {  	_ = 	snop  }
0x4: {  	_ = 	snop  }
0x5: {  	_ = 	snop  }
0x6: {  	_ = 	snop  }
0x7: {  	_ = 	snop  }
__scs_overlays_trampoline_lowered:
0x8: {  	[smem:$0x3FA5] =	sst s0  }
0x9: {  	[smem:$0x3FA6] =	sst s1  }
0xa: {  	[smem:$0x3FA7] =	sst s2  }
0xb: {  	[smem:$0x3FA8] =	sst s3  }
0xc: {  	[smem:$0x3FA9] =	sst s4  }
0xd: {  	[smem:$0x3FAA] =	sst s5  }
0xe: {  	[smem:$0x3FAB] =	sst s6  }
0xf: {  	[smem:$0x3FAC] =	sst s7  }
0x10: {  	[smem:$0x3FAD] =	sst s8  }
0x11: {  	[smem:$0x3FAE] =	sst s9;
	s0 =	simm.s32 @!p0 $0x0  }
0x12: {  	s1 =	sld [smem:$0x3F94];
	s0 =	simm.s32 @p0 $0x1  }
0x13: {  	[smem:$0x3FAF] =	sst s0;
	s0 =	simm.s32 @!p1 $0x0  }
0x14: {  	s2 =	sld [smem:$0x3F93];
	s0 =	simm.s32 @p1 $0x1  }
0x15: {  	[smem:$0x3FB0] =	sst s0;
	s0 =	simm.s32 @!p2 $0x0  }
0x16: {  	s3 =	sld [smem:$0x3FDB];
	s0 =	simm.s32 @p2 $0x1  }
0x17: {  	s4 =	simm.s32 $0x1BF5;
	[smem:$0x3FB2] =	sst s0  }
0x18: {  	s0 =	sld [smem:$0x3F95];
	_ =	swait.ge [sflag:s4], $0x0  }
0x19: {  	s7 =	sld [smem:$0x3F96]  }
0x1a: {  	s8 =	sadd.s32 $0xFFFFE003, lr  }
0x1b: {  	s9 =	sadd.s32 $0xFFFFFEF7, lr;
	s5 =	simm.s32 $0xFFFFFFFF;
	p2 =	slt.u32 s8, $0xFFFFF086  }
0x1c: {  	p1 =	slt.u32 s9, $0xF7A;
	s5 =	simm.s32 @!p2 $0x0  }
0x1d: {  	s5 =	simm.s32 @p1 $0x1;
	p0 =	seq.s32 s7, s2  }
0x1e: {  	s7 =	smul.u32 @!p0 $0xF7A, s2;
	p2 =	seq.s32 @!p0 s5, $0x0  }
0x1f: {  	s9 =	smul.u32 $0xF7A, s1;
	s8 =	simm.s32 @!p0 $0x1BF5;
	p2 =	por !p2, p0  }
0x20: {  	[sflag:s8] =	ssyncset.s32 @!p0 $0xFFFFF086;
	s6 =	sadd.s32 @!p0 s3, s7;
	s7 =	simm.s32 @!p0 $0x108  }
0x21: {  	s3 =	sadd.s32 s3, s9;
	s6 =	sadd.s32 @!p0 $0x88, s6;
	s7 =	simm.s32 @p2 $0x1082  }
0x22: {  	[simem:s7], [sflag:s8] =	dma.local @!p0 [hbm:s6], $0xF7A  }
0x23: {  	s9 =	sor.u32 $0xD0000000, s2;
	s6 =	simm.s32 $0x108;
	_ =	swait.ge @!p0 [sflag:s8], $0x0  }
0x24: {  	s3 =	sadd.s32 $0x88, s3;
	s6 =	simm.s32 @!p1 $0x1082;
	[sflag:s4] =	ssyncset.s32 $0xFFFFF086  }
0x25: {  	[simem:s6], [sflag:s4] =	dma.local [hbm:s3], $0xF7A  }
0x26: {  	[smem:$0x3F96] =	sst s1;
	(tag) =	ssettag s2;
	_ =	strace s9  }
0x27: {  	s1 =	sld [smem:$0x3FA6]  }
0x28: {  	s2 =	sld [smem:$0x3FA7]  }
0x29: {  	s4 =	sld [smem:$0x3FA9]  }
0x2a: {  	p0 =	seq.s32 s5, $0x0;
	s5 =	sld [smem:$0x3FAA]  }
0x2b: {  	s6 =	sld [smem:$0x3FAB]  }
0x2c: {  	s7 =	sld [smem:$0x3FAC]  }
0x2d: {  	s3 =	simm.s32 $0x108;
	s8 =	sld [smem:$0x3FAD]  }
0x2e: {  	s3 =	simm.s32 @!p0 $0x1082;
	s9 =	sld [smem:$0x3FAE]  }
0x2f: {  	lr =	sadd.s32 s0, s3;
	s0 =	sld [smem:$0x3FA5]  }
0x30: {  	s3 =	sld [smem:$0x3FA8]  }
0x31: {  	[smem:$0x3FB1] =	sst s10  }
0x32: {  	s10 =	sld [smem:$0x3FAF];
	_ =	sdelay $0x3  }
0x33: {  	p0 =	seq.s32 s10, $0x1;
	s10 =	sld [smem:$0x3FB1];
	_ =	sdelay $0x3  }
0x34: {  	[smem:$0x3FB1] =	sst s10  }
0x35: {  	s10 =	sld [smem:$0x3FB0];
	_ =	sdelay $0x3  }
0x36: {  	p1 =	seq.s32 s10, $0x1;
	s10 =	sld [smem:$0x3FB1];
	_ =	sdelay $0x3  }
0x37: {  	[smem:$0x3FB1] =	sst s10  }
0x38: {  	s10 =	sld [smem:$0x3FB2]  }
0x39: {  	_ = 	snop;
	(pc) =	sbr.ind lr, $3  }
0x3a: {  	_ = 	snop  }
0x3b: {  	_ = 	snop  }
0x3c: {  	p2 =	seq.s32 s10, $0x1;
	s10 =	sld [smem:$0x3FB1]  }
0x3d: {  	_ =	shalt  }
0x3e: {  	_ =	shalt  }
0x3f: {  	_ =	shalt  }
0x40: {  	_ =	shalt  }
0x41: {  	_ =	shalt  }
0x42: {  	_ =	shalt  }
0x43: {  	_ =	shalt  }
0x44: {  	_ =	shalt  }
0x45: {  	_ =	shalt  }
0x46: {  	_ =	shalt  }
0x47: {  	_ =	shalt  }
0x48: {  	_ =	shalt  }
0x49: {  	_ =	shalt  }
0x4a: {  	_ =	shalt  }
0x4b: {  	_ =	shalt  }
0x4c: {  	_ =	shalt  }
0x4d: {  	_ =	shalt  }
0x4e: {  	_ =	shalt  }
0x4f: {  	_ =	shalt  }
0x50: {  	_ =	shalt  }
0x51: {  	_ =	shalt  }
0x52: {  	_ =	shalt  }
0x53: {  	_ =	shalt  }
0x54: {  	_ =	shalt  }
0x55: {  	_ =	shalt  }
0x56: {  	_ =	shalt  }
0x57: {  	_ =	shalt  }
0x58: {  	_ =	shalt  }
0x59: {  	_ =	shalt  }
0x5a: {  	_ =	shalt  }
0x5b: {  	_ =	shalt  }
0x5c: {  	_ =	shalt  }
0x5d: {  	_ =	shalt  }
0x5e: {  	_ =	shalt  }
0x5f: {  	_ =	shalt  }
0x60: {  	_ =	shalt  }
0x61: {  	_ =	shalt  }
0x62: {  	_ =	shalt  }
0x63: {  	_ =	shalt  }
0x64: {  	_ =	shalt  }
0x65: {  	_ =	shalt  }
0x66: {  	_ =	shalt  }
0x67: {  	_ =	shalt  }
0x68: {  	_ =	shalt  }
0x69: {  	_ =	shalt  }
0x6a: {  	_ =	shalt  }
0x6b: {  	_ =	shalt  }
0x6c: {  	_ =	shalt  }
0x6d: {  	_ =	shalt  }
0x6e: {  	_ =	shalt  }
0x6f: {  	_ =	shalt  }
0x70: {  	_ =	shalt  }
0x71: {  	_ =	shalt  }
0x72: {  	_ =	shalt  }
0x73: {  	_ =	shalt  }
0x74: {  	_ =	shalt  }
0x75: {  	_ =	shalt  }
0x76: {  	_ =	shalt  }
0x77: {  	_ =	shalt  }
0x78: {  	_ =	shalt  }
0x79: {  	_ =	shalt  }
0x7a: {  	_ =	shalt  }
0x7b: {  	_ =	shalt  }
0x7c: {  	_ =	shalt  }
0x7d: {  	_ =	shalt  }
0x7e: {  	_ =	shalt  }
0x7f: {  	_ =	shalt  }
0x80: {  	_ =	shalt  }
0x81: {  	_ =	shalt  }
0x82: {  	_ =	shalt  }
0x83: {  	_ =	shalt  }
0x84: {  	_ =	shalt  }
0x85: {  	_ =	shalt  }
0x86: {  	_ =	shalt  }
0x87: {  	_ =	shalt  }
.Lfunc_end0:
.L_simem_size_0:
called_computation.1_lowered:
.L_overlay_start_0:
0x88: {  	s2 =	sld [smem:$0x3FD9]  }
0x89: {  	s3 =	sld [smem:$0x3FFE];
	_ =	sdelay $0x1  }
0x8a: {  	s1 =	srdreg.scid  }
0x8b: {  	s0 =	sand.u32 $0x1, s1  }
0x8c: {  	s16 =	sshll.u32 s0, $0xA;
	s2 =	sadd.s32 s3, s2  }
0x8d: {  	s2 =	sadd.s32 s2, s16  }
0x8e: {  	[smem:$0x3FBD] =	sst s2  }
0x8f: {  	_ = 	snop  }
0x90: {  	(tm) =	ssettm $0x1  }
0x91: {  	s17 =	sld [smem:$0x3FFB];
	_ =	sdelay $0x3  }
0x92: {  	_ =	strace s17  }
0x93: {  	s2 =	sld [smem:$0x3FFC];
	_ =	sdelay $0x3  }
0x94: {  	_ =	strace s2  }
0x95: {  	s2 =	sld [smem:$0x3FFD];
	_ =	sdelay $0x3  }
0x96: {  	_ =	strace s2  }
0x97: {  	_ =	strace $0x8FFFFFFF  }
0x98: {  	s18 =	sld [smem:$0x3FDB];
	_ =	sdelay $0x1  }
0x99: {  	s19 =	simm.s32 $_scs_section_size  }
0x9a: {  	s4 =	simm.s32 $_size__tile_overlayer_lowered;
	s5 =	simm.s32 $_tile_overlayer_lowered  }
0x9b: {  	s22 =	simm.s32 $0x1BFF;
	s21 =	sshll.u32 s5, $0x1;
	s2 =	sadd.s32 s19, s18  }
0x9c: {  	s6 =	simm.s32 $0x0;
	s20 =	sshll.u32 s4, $0x1;
	s4 =	sadd.s32 s21, s2  }
0x9d: {  	[timem:s6], [sflag:s22] =	dma.local [hbm:s4], s20  }
0x9e: {  	_ =	swait.ge [sflag:s22], s20  }
0x9f: {  	s3 =	ssub.s32 $0x0, s20;
	[sflag:s22] =	ssyncset.done $0x0  }
0xa0: {  	[sflag:s22] =	ssyncadd.s32 s3;
	_ =	sdelay $0x1  }
0xa1: {  	s23 =	simm.s32 $0x1B8B  }
0xa2: {  	_ =	swait.ge [sflag:s23], $0x1  }
0xa3: {  	[sflag:s23] =	ssyncset.done $0x0  }
0xa4: {  	s25 =	simm.s32 $0x1B8E;
	s24 =	sld [smem:$0x3FFE];
	[sflag:s23] =	ssyncadd.s32 $0xFFFFFFFF  }
0xa5: {  	s26 =	simm.s32 $execute0_lowered;
	[smem:$0x3FD2] =	sst s25  }
0xa6: {  	s4 =	sshll.u32 s26, $0x1;
	_ =	strace $0x80000049;
	[dreg:$0x1] =	wrdreg $0xFFFFFFFF  }
0xa7: {  	s28 =	simm.s32 $_size_execute0_lowered;
	s2 =	sadd.s32 s2, s4;
	[dreg:$0x0] =	wrdreg $0x0  }
0xa8: {  	s4 =	sshll.u32 s28, $0x1;
	[dreg:$0x2] =	wrdreg s2  }
0xa9: {  	[dreg:$0x3] =	wrdreg s4  }
0xaa: {  	[dreg:$0x4] =	wrdreg $0xC0  }
0xab: {  	_ =	task [dreg:s6], $0x5FFFF  }
0xac: {  	[dreg:$0x1] =	wrdreg $0xFFFFFFFF  }
0xad: {  	[dreg:$0x0] =	wrdreg $0x60  }
0xae: {  	[dreg:$0x2] =	wrdreg s24  }
0xaf: {  	[dreg:$0x3] =	wrdreg $0x84000  }
0xb0: {  	[dreg:$0x4] =	wrdreg $0x9  }
0xb1: {  	_ =	task.clear_ibuf [dreg:s6], $0x5FFFF;
	_ =	strace $0x90000049  }
0xb2: {  	s29 =	simm.s32 $0x9;
	_ =	strace $0x8000004B  }
0xb3: {  	_ =	swait.ge [sflag:s29], $0x1  }
0xb4: {  	[sflag:s29] =	ssyncadd.s32 $0xFFFFFFFF  }
0xb5: {  	_ =	strace $0x9000004B  }
0xb6: {  	_ =	sfence  }
0xb7: {  	s30 =	sld [smem:$0x0];
	_ =	sdelay $0x2  }
0xb8: {  	s31 =	sshll.u32 s1, $0xD;
	s1 =	sshrl.u32 s1, $0x2  }
0xb9: {  	s3 =	sand.u32 $0x4000, s31;
	s1 =	sadd.s32 s1, s30  }
0xba: {  	s0 =	sor.u32 s3, s0;
	s1 =	sshll.u32 s1, $0x11  }
0xbb: {  	s0 =	sor.u32 s1, s0  }
0xbc: {  	s0 =	sadd.s32 $0x8F2B, s0  }
0xbd: {  	[sflag:s0] =	ssyncadd.remote.s32 $0x1  }
0xbe: {  	_ =	sfence.sel $0xFFFF  }
0xbf: {  	[dreg:$0x0] =	wrdreg $0xFFFFFFFF;
	(pc) =	sbr.abs _section_cstart, $3  }
0xc0: {  	[dreg:$0x1] =	wrdreg $0xFFFFFFFF  }
0xc1: {  	_ =	task.clear_ibuf [dreg:s6], $0x2FFFF;
	_ =	strace $0x9FFFFFFF  }
0xc2: {  	(tm) =	ssettm $0x7FFFFFFF  }
0xc3: {  	_ =	shalt  }
tec
execute0_lowered:
.L_overlay_start_1:
0x0: {  	(tag) =	ssettag $0x1  }
0x1: {  	s0 =	rddreg [dreg:$0x0]  }
0x2: {  	s1 =	rddreg [dreg:$0x1];
	s11 =	stileid.u32  }
0x3: {  	s2 =	srdreg.scid;
	s3 =	simm.s32 $0x0;
	s7 =	smul.u32 $0x14000, s11  }
0x4: {  	s29 =	simm.s32 $0x3;
	s30 =	simm.s32 $0x1;
	s8 =	smul.u32 $0x8C, s11  }
0x5: {  	s31 =	simm.s32 $0x80;
	s2 =	sand.u32 $0x1, s2;
	s10 =	smul.u32 $0x14, s11  }
0x6: {  	[smem:$0x7FF] =	sst s3;
	s4 =	sadd.s32 $0x2C00, s0;
	s18 =	smul.u32 $0x50000, s11  }
0x7: {  	s5 =	sadd.s32 $0x85400, s0;
	s11 =	simm.s32 $0x8C;
	s6 =	smul.u32 $0x140000, s2  }
0x8: {  	_ =	strace $0x8000004A;
	s17 =	ssub.s32 $0x2, s2;
	p0 =	seq.s32 s2, $0x0  }
0x9: {  	s9 =	sshrl.u32 s17, $0x1;
	s2 =	sadd.s32 $0x8C0, s10;
	s11 =	simm.s32 @!p0 $0x14  }
0xa: {  	s19 =	sshrl.u32 s18, $0x2;
	s6 =	sadd.s32 s7, s6;
	s9 =	ssub.s32 s17, s9  }
0xb: {  	s2 =	smov.u32 @p0 s8;
	s20 =	sshrl.u32 s11, $0x1;
	s7 =	sadd.s32 s19, s1  }
0xc: {  	s17 =	sadd.s32 $0xFFFFFFFE, s11;
	s18 =	sadd.s32 $0xFFFFFFFD, s11;
	s19 =	simm.s32 $0x400  }
0xd: {  	s6 =	sshrl.u32 s6, $0x3;
	s8 =	sshll.u32 s2, $0x5;
	s21 =	sadd.s32 $0x4000, s7  }
0xe: {  	s22 =	sadd.s32 $0x8000, s7;
	s23 =	sadd.s32 $0xC000, s7;
	[dreg:$0x4] =	wrdreg s21  }
0xf: {  	s24 =	sadd.s32 $0x10000, s7;
	s14 =	sadd.s32 $0x4, s2;
	[dreg:$0x5] =	wrdreg s22  }
0x10: {  	s26 =	smax.u32 s9, $0x1;
	s16 =	smov.u32 s20;
	[dreg:$0x6] =	wrdreg s23  }
0x11: {  	s28 =	sadd.s32 $0xFFFFFFFE, s20;
	s20 =	simm.s32 $0x4;
	[dreg:$0x7] =	wrdreg s24  }
0x12: {  	s0 =	sadd.s32 s6, s0;
	s10 =	sadd.s32 s5, s8;
	[dreg:$0xa] =	wrdreg s26  }
0x13: {  	[dreg:$0x3] =	wrdreg s28;
	s21 =	simm.s32 $0x40;
	s25 =	sadd.s32 $0x40, s10  }
0x14: {  	s24 =	simm.s32 $0x4400;
	s0 =	sadd.s32 $0x2AC00, s0;
	[dreg:$0x8] =	wrdreg s25  }
0x15: {  	v0 =	vimm.f32 $0.0e+00;
	s22 =	simm.s32 $0x0;
	[dreg:$0x9] =	wrdreg s0;
	s0 =	simm.s32 $0x2  }
.LBB2_1:
0x16: {  	s2 =	simm.s32 $0x0;
	s8 =	simm.s32 $0x200  }
.LBB2_2:
0x17: {  	p0 =	sne.s32 s8, $0xFE00;
	[tilespmem:s2+$0x470] =	vst v0  }
0x18: {  	[tilespmem:s2+$0x400] =	vst v0  }
0x19: {  	[tilespmem:s2+$0x410] =	vst v0  }
.Ltmp0:
0x1a: {  	[tilespmem:s2+$0x420] =	vst v0;
	(pc) =	sbr.rel @p0 .LBB2_2-.Ltmp0, $4  }
0x1b: {  	[tilespmem:s2+$0x430] =	vst v0  }
0x1c: {  	[tilespmem:s2+$0x440] =	vst v0  }
0x1d: {  	[tilespmem:s2+$0x450] =	vst v0  }
0x1e: {  	[tilespmem:s2+$0x460] =	vst v0;
	s2 =	sshra.s32 s8, $0x2;
	s8 =	sadd.s32 $0x200, s8  }
0x1f: {  	[tilespmem:s2+$0x470] =	vst v0  }
0x20: {  	[tilespmem:s2+$0x400] =	vst v0  }
0x21: {  	[tilespmem:s2+$0x410] =	vst v0  }
0x22: {  	[tilespmem:s2+$0x420] =	vst v0  }
0x23: {  	[tilespmem:s2+$0x430] =	vst v0  }
0x24: {  	[tilespmem:s2+$0x440] =	vst v0  }
0x25: {  	[tilespmem:s2+$0x450] =	vst v0  }
0x26: {  	[tilespmem:s2+$0x460] =	vst v0  }
0x27: {  	[spmem:s7] =	stream.linear.scatter [tilespmem:s19], [sflag:$0x4], $0x4000, $0x38;
	[tilespmem:$0x1C400] =	vst v63  }
0x28: {  	_ =	swait.ge [sflag:s20], $0x4000  }
0x29: {  	[sflag:s20] =	ssyncset.done $0x0  }
0x2a: {  	s23 =	rddreg [dreg:$0x4];
	[sflag:s20] =	ssyncadd.s32 $0xFFFFC000  }
0x2b: {  	[spmem:s23] =	stream.linear.scatter [tilespmem:s19], [sflag:$0x4], $0x4000, $0x38;
	[tilespmem:$0x1C400] =	vst v63  }
0x2c: {  	_ =	swait.ge [sflag:s20], $0x4000  }
0x2d: {  	[sflag:s20] =	ssyncset.done $0x0  }
0x2e: {  	s25 =	rddreg [dreg:$0x5];
	[sflag:s20] =	ssyncadd.s32 $0xFFFFC000  }
0x2f: {  	[spmem:s25] =	stream.linear.scatter [tilespmem:s19], [sflag:$0x4], $0x4000, $0x38;
	[tilespmem:$0x1C400] =	vst v63  }
0x30: {  	_ =	swait.ge [sflag:s20], $0x4000  }
0x31: {  	[sflag:s20] =	ssyncset.done $0x0  }
0x32: {  	s26 =	rddreg [dreg:$0x6];
	[sflag:s20] =	ssyncadd.s32 $0xFFFFC000  }
0x33: {  	[spmem:s26] =	stream.linear.scatter [tilespmem:s19], [sflag:$0x4], $0x4000, $0x38;
	[tilespmem:$0x1C400] =	vst v63  }
0x34: {  	_ =	swait.ge [sflag:s20], $0x4000  }
0x35: {  	[sflag:s20] =	ssyncset.done $0x0  }
0x36: {  	s28 =	rddreg [dreg:$0x7];
	[sflag:s20] =	ssyncadd.s32 $0xFFFFC000  }
0x37: {  	[spmem:s28] =	stream.linear.scatter [tilespmem:s19], [sflag:$0x4], $0x4000, $0x38;
	[tilespmem:$0x1C400] =	vst v63  }
0x38: {  	_ =	swait.ge [sflag:s20], $0x4000  }
0x39: {  	[sflag:s20] =	ssyncset.done $0x0  }
0x3a: {  	[sflag:s20] =	ssyncadd.s32 $0xFFFFC000  }
0x3b: {  	s26 =	simm.s32 $0x0;
	[bflag:$0x0] =	sbarrier.arrive $0xFFFF  }
0x3c: {  	[tilespmem:s26], [sflag:$0x4] =	stream.linear.gather [hbm4b:s10+s26], $0x200, $0x38;
	[tilespmem:$0x1C400] =	vst v63  }
0x3d: {  	_ =	swait.ge [sflag:s20], $0x200  }
0x3e: {  	[sflag:s20] =	ssyncset.done $0x0  }
0x3f: {  	[sflag:s20] =	ssyncadd.s32 $0xFFFFFE00  }
0x40: {  	[tilespmem:s19], [sflag:$0x1] =	stream.indirect.gather [hbm4b:s4+s21], $0x80, s26, s21, $0xb8;
	[tilespmem:$0x1C400] =	vst v63  }
0x41: {  	s6 =	simm.s32 $0x2400  }
0x42: {  	[tilespmem:s6], [sflag:$0x1] =	stream.indirect.gather [hbm4b:s4+s21], $0x80, s21, s21, $0xb8;
	[tilespmem:$0x1C400] =	vst v63  }
0x43: {  	s8 =	simm.s32 $0x100  }
0x44: {  	[tilespmem:s24], [sflag:$0x2] =	stream.indirect.gather [hbm4b:s4+s21], $0x80, s8, s21, $0xb8;
	[tilespmem:$0x1C400] =	vst v63  }
0x45: {  	s9 =	simm.s32 $0x140;
	s6 =	simm.s32 $0x6400  }
0x46: {  	[tilespmem:s6], [sflag:$0x2] =	stream.indirect.gather [hbm4b:s4+s21], $0x80, s9, s21, $0xb8;
	[tilespmem:$0x1C400] =	vst v63  }
0x47: {  	s12 =	simm.s32 $0x200;
	s11 =	rddreg [dreg:$0x8]  }
0x48: {  	[tilespmem:s12], [sflag:$0x3] =	stream.linear.gather [hbm4b:s11+s26], $0x200, $0x38;
	[tilespmem:$0x1C400] =	vst v63  }
0x49: {  	_ =	swait.ge [sflag:s29], $0x200  }
0x4a: {  	[sflag:s29] =	ssyncset.done $0x0  }
0x4b: {  	[sflag:s29] =	ssyncadd.s32 $0xFFFFFE00  }
0x4c: {  	_ =	swait.ge [sflag:s30], $0x2000  }
0x4d: {  	[sflag:s30] =	ssyncset.done $0x0  }
0x4e: {  	[sflag:s30] =	ssyncadd.s32 $0xFFFFE000  }
0x4f: {  	s13 =	simm.s32 $0x0;
	_ =	swait.ge [sflag:s30], $0x2000  }
0x50: {  	s25 =	sand.u32 $0x200, s13;
	[sflag:s30] =	ssyncset.done $0x0  }
0x51: {  	s2 =	sor.u32 $0x80, s25;
	[sflag:s30] =	ssyncadd.s32 $0xFFFFE000  }
0x52: {  	[spmem:s1] =	stream.indirect.scatter.add.f32 [tilespmem:s19], [sflag:$0x4], $0x80, s2, s31, $0xb8;
	[tilespmem:$0x1C400] =	vst v63  }
0x53: {  	p0 =	sle.u32 s17, $0x0;
	_ =	swait.ge [sflag:s20], $0x4000  }
0x54: {  	s15 =	simm.s32 $0x200;
	s8 =	simm.s32 @!p0 $0x40;
	[sflag:s20] =	ssyncset.done $0x0  }
0x55: {  	s9 =	simm.s32 @!p0 $0x400;
	s2 =	sand.u32 $0x200, s15;
	[sflag:s20] =	ssyncadd.s32 $0xFFFFC000  }
0x56: {  	[tilespmem:s9], [sflag:$0x1] =	stream.indirect.gather @!p0 [hbm4b:s4+s8], $0x80, s2, s8, $0xb8;
	[tilespmem:$0x1C400] =	vst v63  }
0x57: {  	s11 =	sadd.s32 @!p0 $0x40, s2;
	s9 =	simm.s32 @!p0 $0x2400  }
0x58: {  	[tilespmem:s9], [sflag:$0x1] =	stream.indirect.gather @!p0 [hbm4b:s4+s8], $0x80, s11, s8, $0xb8;
	[tilespmem:$0x1C400] =	vst v63  }
0x59: {  	_ =	swait.ge [sflag:s0], $0x2000  }
0x5a: {  	[sflag:s0] =	ssyncset.done $0x0  }
0x5b: {  	[sflag:s0] =	ssyncadd.s32 $0xFFFFE000  }
0x5c: {  	_ =	swait.ge [sflag:s0], $0x2000  }
0x5d: {  	[sflag:s0] =	ssyncset.done $0x0  }
0x5e: {  	s23 =	sadd.s32 $0x180, s25;
	[sflag:s0] =	ssyncadd.s32 $0xFFFFE000  }
0x5f: {  	[spmem:s1] =	stream.indirect.scatter.add.f32 [tilespmem:s24], [sflag:$0x4], $0x80, s23, s31, $0xb8;
	[tilespmem:$0x1C400] =	vst v63  }
0x60: {  	s8 =	sadd.s32 $0x0, s14;
	_ =	swait.ge [sflag:s20], $0x4000  }
0x61: {  	p0 =	slt.s32 s8, $0x9FE;
	s28 =	rddreg [dreg:$0x3]  }
0x62: {  	s8 =	simm.s32 @!p0 $0x9FE;
	p0 =	sle.u32 s18, $0x0;
	p1 =	sne.s32 s28, $0x0  }
.Ltmp1:
0x63: {  	s8 =	sshll.u32 s8, $0x5;
	s12 =	sadd.s32 @!p0 $0x100, s2;
	(pc) =	sbr.rel @!p1 .LBB2_5-.Ltmp1, $4  }
0x64: {  	s9 =	simm.s32 @!p0 $0x40;
	s11 =	sadd.s32 @!p0 $0x140, s2;
	[sflag:s20] =	ssyncset.done $0x0  }
0x65: {  	s8 =	sand.u32 $0x1FFFFFE0, s8;
	s23 =	simm.s32 @!p0 $0x4400;
	[sflag:s20] =	ssyncadd.s32 $0xFFFFC000  }
0x66: {  	[tilespmem:s23], [sflag:$0x2] =	stream.indirect.gather @!p0 [hbm4b:s4+s9], $0x80, s12, s9, $0xb8;
	[tilespmem:$0x1C400] =	vst v63  }
0x67: {  	s8 =	sadd.s32 s5, s8;
	s23 =	simm.s32 $0x1;
	s12 =	simm.s32 @!p0 $0x6400  }
.LBB2_4:
0x68: {  	[tilespmem:s12], [sflag:$0x2] =	stream.indirect.gather @!p0 [hbm4b:s4+s9], $0x80, s11, s9, $0xb8;
	[tilespmem:$0x1C400] =	vst v63  }
0x69: {  	_ = 	snop  }
0x6a: {  	[tilespmem:s25], [sflag:$0x3] =	stream.linear.gather [hbm4b:s8+s3], $0x200, $0x38;
	[tilespmem:$0x1C400] =	vst v63  }
0x6b: {  	_ =	swait.ge [sflag:s29], $0x200  }
0x6c: {  	[sflag:s29] =	ssyncset.done $0x0  }
0x6d: {  	[sflag:s29] =	ssyncadd.s32 $0xFFFFFE00  }
0x6e: {  	_ =	swait.ge [sflag:s30], $0x2000  }
0x6f: {  	[sflag:s30] =	ssyncset.done $0x0  }
0x70: {  	s2 =	smov.u32 s23;
	[sflag:s30] =	ssyncadd.s32 $0xFFFFE000  }
0x71: {  	s28 =	smov.u32 s23;
	s25 =	sshll.u32 s2, $0x9;
	_ =	swait.ge [sflag:s30], $0x2000  }
0x72: {  	s26 =	smov.u32 s23;
	s25 =	sand.u32 $0x200, s25;
	[sflag:s30] =	ssyncset.done $0x0  }
0x73: {  	s23 =	sadd.s32 $0x1, s23;
	s8 =	sor.u32 $0x80, s25;
	[sflag:s30] =	ssyncadd.s32 $0xFFFFE000  }
0x74: {  	[spmem:s1] =	stream.indirect.scatter.add.f32 [tilespmem:s19], [sflag:$0x4], $0x80, s8, s31, $0xb8;
	[tilespmem:$0x1C400] =	vst v63  }
0x75: {  	s6 =	sshll.u32 s2, $0x1;
	s12 =	sshll.u32 s23, $0x9;
	_ =	swait.ge [sflag:s20], $0x4000  }
0x76: {  	p0 =	sge.u32 s6, s17;
	s2 =	sand.u32 $0x200, s12;
	[sflag:s20] =	ssyncset.done $0x0  }
0x77: {  	s11 =	simm.s32 @!p0 $0x400;
	s8 =	simm.s32 @!p0 $0x40;
	[sflag:s20] =	ssyncadd.s32 $0xFFFFC000  }
0x78: {  	[tilespmem:s11], [sflag:$0x1] =	stream.indirect.gather @!p0 [hbm4b:s4+s8], $0x80, s2, s8, $0xb8;
	[tilespmem:$0x1C400] =	vst v63  }
0x79: {  	s12 =	simm.s32 @!p0 $0x2400;
	s11 =	sadd.s32 @!p0 $0x40, s2  }
0x7a: {  	[tilespmem:s12], [sflag:$0x1] =	stream.indirect.gather @!p0 [hbm4b:s4+s8], $0x80, s11, s8, $0xb8;
	[tilespmem:$0x1C400] =	vst v63  }
0x7b: {  	_ =	swait.ge [sflag:s0], $0x2000  }
0x7c: {  	[sflag:s0] =	ssyncset.done $0x0  }
0x7d: {  	[sflag:s0] =	ssyncadd.s32 $0xFFFFE000  }
0x7e: {  	s13 =	sadd.s32 s6, s14;
	_ =	swait.ge [sflag:s0], $0x2000  }
0x7f: {  	p0 =	slt.s32 s13, $0x9FE;
	[sflag:s0] =	ssyncset.done $0x0  }
0x80: {  	s15 =	sadd.s32 $0x180, s25;
	s13 =	simm.s32 @!p0 $0x9FE;
	[sflag:s0] =	ssyncadd.s32 $0xFFFFE000  }
0x81: {  	[spmem:s1] =	stream.indirect.scatter.add.f32 [tilespmem:s24], [sflag:$0x4], $0x80, s15, s31, $0xb8;
	[tilespmem:$0x1C400] =	vst v63  }
0x82: {  	s13 =	sshll.u32 s13, $0x5;
	_ =	swait.ge [sflag:s20], $0x4000  }
0x83: {  	s8 =	sand.u32 $0x1FFFFFE0, s13;
	s13 =	rddreg [dreg:$0x3]  }
0x84: {  	p1 =	sne.s32 s28, s13  }
.Ltmp2:
0x85: {  	p0 =	sge.u32 s6, s18;
	(pc) =	sbr.rel @p1 .LBB2_4-.Ltmp2, $4  }
0x86: {  	s11 =	sadd.s32 @!p0 $0x140, s2;
	s6 =	sadd.s32 @!p0 $0x100, s2  }
0x87: {  	s9 =	simm.s32 @!p0 $0x40;
	s12 =	simm.s32 @!p0 $0x6400;
	[sflag:s20] =	ssyncset.done $0x0  }
0x88: {  	s8 =	sadd.s32 s5, s8;
	s15 =	simm.s32 @!p0 $0x4400;
	[sflag:s20] =	ssyncadd.s32 $0xFFFFC000  }
0x89: {  	[tilespmem:s15], [sflag:$0x2] =	stream.indirect.gather @!p0 [hbm4b:s4+s9], $0x80, s6, s9, $0xb8;
	[tilespmem:$0x1C400] =	vst v63  }
.LBB2_5:
0x8a: {  	[tilespmem:s12], [sflag:$0x2] =	stream.indirect.gather @!p0 [hbm4b:s4+s9], $0x80, s11, s9, $0xb8;
	[tilespmem:$0x1C400] =	vst v63  }
0x8b: {  	_ = 	snop  }
0x8c: {  	[tilespmem:s25], [sflag:$0x3] =	stream.linear.gather [hbm4b:s8+s3], $0x200, $0x38;
	[tilespmem:$0x1C400] =	vst v63  }
0x8d: {  	_ =	swait.ge [sflag:s29], $0x200  }
0x8e: {  	[sflag:s29] =	ssyncset.done $0x0  }
0x8f: {  	[sflag:s29] =	ssyncadd.s32 $0xFFFFFE00  }
0x90: {  	_ =	swait.ge [sflag:s30], $0x2000  }
0x91: {  	[sflag:s30] =	ssyncset.done $0x0  }
0x92: {  	[sflag:s30] =	ssyncadd.s32 $0xFFFFE000  }
0x93: {  	_ =	swait.ge [sflag:s30], $0x2000  }
0x94: {  	[sflag:s30] =	ssyncset.done $0x0  }
0x95: {  	s6 =	sadd.s32 $0x2, s26;
	s12 =	sor.u32 $0x80, s2;
	[sflag:s30] =	ssyncadd.s32 $0xFFFFE000  }
0x96: {  	[spmem:s1] =	stream.indirect.scatter.add.f32 [tilespmem:s19], [sflag:$0x4], $0x80, s12, s31, $0xb8;
	[tilespmem:$0x1C400] =	vst v63  }
0x97: {  	s13 =	sshll.u32 s6, $0x9;
	s8 =	sshll.u32 s23, $0x1;
	_ =	swait.ge [sflag:s20], $0x4000  }
0x98: {  	s9 =	sand.u32 $0x200, s13;
	p0 =	sge.u32 s8, s17;
	[sflag:s20] =	ssyncset.done $0x0  }
0x99: {  	s11 =	simm.s32 @!p0 $0x40;
	s12 =	simm.s32 @!p0 $0x400;
	[sflag:s20] =	ssyncadd.s32 $0xFFFFC000  }
0x9a: {  	[tilespmem:s12], [sflag:$0x1] =	stream.indirect.gather @!p0 [hbm4b:s4+s11], $0x80, s9, s11, $0xb8;
	[tilespmem:$0x1C400] =	vst v63  }
0x9b: {  	s13 =	simm.s32 @!p0 $0x2400;
	s12 =	sadd.s32 @!p0 $0x40, s9  }
0x9c: {  	[tilespmem:s13], [sflag:$0x1] =	stream.indirect.gather @!p0 [hbm4b:s4+s11], $0x80, s12, s11, $0xb8;
	[tilespmem:$0x1C400] =	vst v63  }
0x9d: {  	_ =	swait.ge [sflag:s0], $0x2000  }
0x9e: {  	[sflag:s0] =	ssyncset.done $0x0  }
0x9f: {  	[sflag:s0] =	ssyncadd.s32 $0xFFFFE000  }
0xa0: {  	_ =	swait.ge [sflag:s0], $0x2000  }
0xa1: {  	[sflag:s0] =	ssyncset.done $0x0  }
0xa2: {  	s15 =	sadd.s32 $0x180, s2;
	[sflag:s0] =	ssyncadd.s32 $0xFFFFE000  }
0xa3: {  	[spmem:s1] =	stream.indirect.scatter.add.f32 [tilespmem:s24], [sflag:$0x4], $0x80, s15, s31, $0xb8;
	[tilespmem:$0x1C400] =	vst v63  }
0xa4: {  	p0 =	sge.u32 s8, s18;
	_ =	swait.ge [sflag:s20], $0x4000  }
0xa5: {  	s11 =	sadd.s32 @!p0 $0x100, s9;
	[sflag:s20] =	ssyncset.done $0x0  }
0xa6: {  	s12 =	simm.s32 @!p0 $0x40;
	s13 =	simm.s32 @!p0 $0x4400;
	[sflag:s20] =	ssyncadd.s32 $0xFFFFC000  }
0xa7: {  	[tilespmem:s13], [sflag:$0x2] =	stream.indirect.gather @!p0 [hbm4b:s4+s12], $0x80, s11, s12, $0xb8;
	[tilespmem:$0x1C400] =	vst v63  }
0xa8: {  	s9 =	sadd.s32 @!p0 $0x140, s9;
	s11 =	simm.s32 @!p0 $0x6400  }
0xa9: {  	[tilespmem:s11], [sflag:$0x2] =	stream.indirect.gather @!p0 [hbm4b:s4+s12], $0x80, s9, s12, $0xb8;
	[tilespmem:$0x1C400] =	vst v63  }
0xaa: {  	p0 =	sge.u32 s6, s16  }
0xab: {  	s6 =	sadd.s32 @!p0 s8, s14  }
0xac: {  	s6 =	smin.u32 @!p0 s6, $0x9FE  }
0xad: {  	s6 =	sshll.u32 @!p0 s6, $0x5  }
0xae: {  	s23 =	stileid.u32;
	s8 =	simm.s32 @!p0 $0x0;
	s6 =	sadd.s32 @!p0 s5, s6  }
0xaf: {  	[tilespmem:s2], [sflag:$0x3] =	stream.linear.gather @!p0 [hbm4b:s6+s8], $0x200, $0x38;
	[tilespmem:$0x1C400] =	vst v63  }
0xb0: {  	s2 =	sshll.u32 s23, $0x6;
	[bflag:$0x0] =	sbarrier.arrive $0xFFFF  }
0xb1: {  	s25 =	sshrl.u32 s7, $0x3;
	s2 =	sor.u32 $0x1C04, s2;
	s26 =	rddreg [dreg:$0x9]  }
0xb2: {  	[hbm:s26], [sflag:s2] =	dma.local [spmem:s25], $0x2800  }
0xb3: {  	_ =	swait.ge [sflag:s20], $0x2800  }
0xb4: {  	s22 =	sadd.s32 $0x1, s22;
	s28 =	rddreg [dreg:$0xa]  }
0xb5: {  	p0 =	sne.s32 s22, s28  }
.Ltmp3:
0xb6: {  	_ = 	snop;
	(pc) =	sbr.rel @p0 .LBB2_1-.Ltmp3, $3  }
0xb7: {  	_ =	sdelay $0x1  }
0xb8: {  	[sflag:s20] =	ssyncset.done $0x0  }
0xb9: {  	[sflag:s20] =	ssyncadd.s32 $0xFFFFD800  }
0xba: {  	_ =	sfence.sel $0x180000  }
0xbb: {  	[bflag:$0x0] =	sbarrier.arrive $0xFFFF  }
0xbc: {  	_ =	strace $0x9000004A  }
0xbd: {  	s0 =	stileid.u32;
	[bflag:$0x2] =	sbarrier.arrive $0xFFFF  }
0xbe: {  	p0 =	sne.s32 s0, $0x0;
	s0 =	rddreg [dreg:$0x2]  }
0xbf: {  	s0 =	sadd.s32 @!p0 $0x100000, s0  }
0xc0: {  	[sflag:s0] =	ssyncadd.tile.s32 @!p0 $0x1;
	_ =	shalt  }
.Lfunc_end2:
_tile_overlayer_lowered:
.L_overlay_start_2:
0xc1: {  	(tag) =	ssettag $0x2  }
0xc2: {  	s0 =	rddreg [dreg:$0x0];
	s2 =	stileid.u32  }
0xc3: {  	s1 =	rddreg [dreg:$0x1];
	p0 =	sne.s32 s2, $0x0  }
0xc4: {  	s3 =	rddreg [dreg:$0x2];
	[bflag:$0x3] =	sbarrier.arrive $0xFFFF;
	s2 =	simm.s32 @!p0 $0x1C04  }
0xc5: {  	[timem:s3], [sflag:s2] =	dma.local @!p0 [hbm:s0], s1  }
0xc6: {  	s0 =	simm.s32 @!p0 $0x4  }
0xc7: {  	_ =	swait.ge @!p0 [sflag:s0], s1  }
0xc8: {  	s1 =	ssub.s32 @!p0 $0x0, s1;
	[sflag:s0] =	ssyncset.done @!p0 $0x0  }
0xc9: {  	[sflag:s0] =	ssyncadd.s32 @!p0 s1  }
0xca: {  	[bflag:$0x3] =	sbarrier.arrive $0xFFFF  }
0xcb: {  	_ =	shalt  }

// kernel: kernel.14.cloned.1.call-start
scs
__scs_entry_jumppad:
0x0: {  	(pc) =	sbr.rel $0x88, $3  }
0x1: {  	(tag) =	ssettag $0x0;
	lr =	simm.s32 $0x1  }
0x2: {  	[smem:$0x3F96] =	sst lr;
	_ =	strace $0xD0000000  }
0x3: {  	_ = 	snop  }
0x4: {  	_ = 	snop  }
0x5: {  	_ = 	snop  }
0x6: {  	_ = 	snop  }
0x7: {  	_ = 	snop  }
__scs_overlays_trampoline_lowered:
0x8: {  	[smem:$0x3FA5] =	sst s0  }
0x9: {  	[smem:$0x3FA6] =	sst s1  }
0xa: {  	[smem:$0x3FA7] =	sst s2  }
0xb: {  	[smem:$0x3FA8] =	sst s3  }
0xc: {  	[smem:$0x3FA9] =	sst s4  }
0xd: {  	[smem:$0x3FAA] =	sst s5  }
0xe: {  	[smem:$0x3FAB] =	sst s6  }
0xf: {  	[smem:$0x3FAC] =	sst s7  }
0x10: {  	[smem:$0x3FAD] =	sst s8  }
0x11: {  	[smem:$0x3FAE] =	sst s9;
	s0 =	simm.s32 @!p0 $0x0  }
0x12: {  	s1 =	sld [smem:$0x3F94];
	s0 =	simm.s32 @p0 $0x1  }
0x13: {  	[smem:$0x3FAF] =	sst s0;
	s0 =	simm.s32 @!p1 $0x0  }
0x14: {  	s2 =	sld [smem:$0x3F93];
	s0 =	simm.s32 @p1 $0x1  }
0x15: {  	[smem:$0x3FB0] =	sst s0;
	s0 =	simm.s32 @!p2 $0x0  }
0x16: {  	s3 =	sld [smem:$0x3FDB];
	s0 =	simm.s32 @p2 $0x1  }
0x17: {  	s4 =	simm.s32 $0x1BF5;
	[smem:$0x3FB2] =	sst s0  }
0x18: {  	s0 =	sld [smem:$0x3F95];
	_ =	swait.ge [sflag:s4], $0x0  }
0x19: {  	s7 =	sld [smem:$0x3F96]  }
0x1a: {  	s8 =	sadd.s32 $0xFFFFE003, lr  }
0x1b: {  	s9 =	sadd.s32 $0xFFFFFEF7, lr;
	s5 =	simm.s32 $0xFFFFFFFF;
	p2 =	slt.u32 s8, $0xFFFFF086  }
0x1c: {  	p1 =	slt.u32 s9, $0xF7A;
	s5 =	simm.s32 @!p2 $0x0  }
0x1d: {  	s5 =	simm.s32 @p1 $0x1;
	p0 =	seq.s32 s7, s2  }
0x1e: {  	s7 =	smul.u32 @!p0 $0xF7A, s2;
	p2 =	seq.s32 @!p0 s5, $0x0  }
0x1f: {  	s9 =	smul.u32 $0xF7A, s1;
	s8 =	simm.s32 @!p0 $0x1BF5;
	p2 =	por !p2, p0  }
0x20: {  	[sflag:s8] =	ssyncset.s32 @!p0 $0xFFFFF086;
	s6 =	sadd.s32 @!p0 s3, s7;
	s7 =	simm.s32 @!p0 $0x108  }
0x21: {  	s3 =	sadd.s32 s3, s9;
	s6 =	sadd.s32 @!p0 $0x88, s6;
	s7 =	simm.s32 @p2 $0x1082  }
0x22: {  	[simem:s7], [sflag:s8] =	dma.local @!p0 [hbm:s6], $0xF7A  }
0x23: {  	s9 =	sor.u32 $0xD0000000, s2;
	s6 =	simm.s32 $0x108;
	_ =	swait.ge @!p0 [sflag:s8], $0x0  }
0x24: {  	s3 =	sadd.s32 $0x88, s3;
	s6 =	simm.s32 @!p1 $0x1082;
	[sflag:s4] =	ssyncset.s32 $0xFFFFF086  }
0x25: {  	[simem:s6], [sflag:s4] =	dma.local [hbm:s3], $0xF7A  }
0x26: {  	[smem:$0x3F96] =	sst s1;
	(tag) =	ssettag s2;
	_ =	strace s9  }
0x27: {  	s1 =	sld [smem:$0x3FA6]  }
0x28: {  	s2 =	sld [smem:$0x3FA7]  }
0x29: {  	s4 =	sld [smem:$0x3FA9]  }
0x2a: {  	p0 =	seq.s32 s5, $0x0;
	s5 =	sld [smem:$0x3FAA]  }
0x2b: {  	s6 =	sld [smem:$0x3FAB]  }
0x2c: {  	s7 =	sld [smem:$0x3FAC]  }
0x2d: {  	s3 =	simm.s32 $0x108;
	s8 =	sld [smem:$0x3FAD]  }
0x2e: {  	s3 =	simm.s32 @!p0 $0x1082;
	s9 =	sld [smem:$0x3FAE]  }
0x2f: {  	lr =	sadd.s32 s0, s3;
	s0 =	sld [smem:$0x3FA5]  }
0x30: {  	s3 =	sld [smem:$0x3FA8]  }
0x31: {  	[smem:$0x3FB1] =	sst s10  }
0x32: {  	s10 =	sld [smem:$0x3FAF];
	_ =	sdelay $0x3  }
0x33: {  	p0 =	seq.s32 s10, $0x1;
	s10 =	sld [smem:$0x3FB1];
	_ =	sdelay $0x3  }
0x34: {  	[smem:$0x3FB1] =	sst s10  }
0x35: {  	s10 =	sld [smem:$0x3FB0];
	_ =	sdelay $0x3  }
0x36: {  	p1 =	seq.s32 s10, $0x1;
	s10 =	sld [smem:$0x3FB1];
	_ =	sdelay $0x3  }
0x37: {  	[smem:$0x3FB1] =	sst s10  }
0x38: {  	s10 =	sld [smem:$0x3FB2]  }
0x39: {  	_ = 	snop;
	(pc) =	sbr.ind lr, $3  }
0x3a: {  	_ = 	snop  }
0x3b: {  	_ = 	snop  }
0x3c: {  	p2 =	seq.s32 s10, $0x1;
	s10 =	sld [smem:$0x3FB1]  }
0x3d: {  	_ =	shalt  }
0x3e: {  	_ =	shalt  }
0x3f: {  	_ =	shalt  }
0x40: {  	_ =	shalt  }
0x41: {  	_ =	shalt  }
0x42: {  	_ =	shalt  }
0x43: {  	_ =	shalt  }
0x44: {  	_ =	shalt  }
0x45: {  	_ =	shalt  }
0x46: {  	_ =	shalt  }
0x47: {  	_ =	shalt  }
0x48: {  	_ =	shalt  }
0x49: {  	_ =	shalt  }
0x4a: {  	_ =	shalt  }
0x4b: {  	_ =	shalt  }
0x4c: {  	_ =	shalt  }
0x4d: {  	_ =	shalt  }
0x4e: {  	_ =	shalt  }
0x4f: {  	_ =	shalt  }
0x50: {  	_ =	shalt  }
0x51: {  	_ =	shalt  }
0x52: {  	_ =	shalt  }
0x53: {  	_ =	shalt  }
0x54: {  	_ =	shalt  }
0x55: {  	_ =	shalt  }
0x56: {  	_ =	shalt  }
0x57: {  	_ =	shalt  }
0x58: {  	_ =	shalt  }
0x59: {  	_ =	shalt  }
0x5a: {  	_ =	shalt  }
0x5b: {  	_ =	shalt  }
0x5c: {  	_ =	shalt  }
0x5d: {  	_ =	shalt  }
0x5e: {  	_ =	shalt  }
0x5f: {  	_ =	shalt  }
0x60: {  	_ =	shalt  }
0x61: {  	_ =	shalt  }
0x62: {  	_ =	shalt  }
0x63: {  	_ =	shalt  }
0x64: {  	_ =	shalt  }
0x65: {  	_ =	shalt  }
0x66: {  	_ =	shalt  }
0x67: {  	_ =	shalt  }
0x68: {  	_ =	shalt  }
0x69: {  	_ =	shalt  }
0x6a: {  	_ =	shalt  }
0x6b: {  	_ =	shalt  }
0x6c: {  	_ =	shalt  }
0x6d: {  	_ =	shalt  }
0x6e: {  	_ =	shalt  }
0x6f: {  	_ =	shalt  }
0x70: {  	_ =	shalt  }
0x71: {  	_ =	shalt  }
0x72: {  	_ =	shalt  }
0x73: {  	_ =	shalt  }
0x74: {  	_ =	shalt  }
0x75: {  	_ =	shalt  }
0x76: {  	_ =	shalt  }
0x77: {  	_ =	shalt  }
0x78: {  	_ =	shalt  }
0x79: {  	_ =	shalt  }
0x7a: {  	_ =	shalt  }
0x7b: {  	_ =	shalt  }
0x7c: {  	_ =	shalt  }
0x7d: {  	_ =	shalt  }
0x7e: {  	_ =	shalt  }
0x7f: {  	_ =	shalt  }
0x80: {  	_ =	shalt  }
0x81: {  	_ =	shalt  }
0x82: {  	_ =	shalt  }
0x83: {  	_ =	shalt  }
0x84: {  	_ =	shalt  }
0x85: {  	_ =	shalt  }
0x86: {  	_ =	shalt  }
0x87: {  	_ =	shalt  }
.Lfunc_end0:
.L_simem_size_0:
called_computation.2_lowered:
.L_overlay_start_0:
0x88: {  	s2 =	sld [smem:$0x3FD9]  }
0x89: {  	s3 =	sld [smem:$0x3FFE];
	_ =	sdelay $0x1  }
0x8a: {  	s1 =	srdreg.scid  }
0x8b: {  	s0 =	sand.u32 $0x1, s1  }
0x8c: {  	s16 =	sshll.u32 s0, $0xA;
	s2 =	sadd.s32 s3, s2  }
0x8d: {  	s2 =	sadd.s32 s2, s16  }
0x8e: {  	[smem:$0x3FBD] =	sst s2  }
0x8f: {  	_ = 	snop  }
0x90: {  	(tm) =	ssettm $0x1  }
0x91: {  	s17 =	sld [smem:$0x3FFB];
	_ =	sdelay $0x3  }
0x92: {  	_ =	strace s17  }
0x93: {  	s2 =	sld [smem:$0x3FFC];
	_ =	sdelay $0x3  }
0x94: {  	_ =	strace s2  }
0x95: {  	s2 =	sld [smem:$0x3FFD];
	_ =	sdelay $0x3  }
0x96: {  	_ =	strace s2  }
0x97: {  	_ =	strace $0x8FFFFFFF  }
0x98: {  	s18 =	sld [smem:$0x3FDB];
	_ =	sdelay $0x1  }
0x99: {  	s19 =	simm.s32 $_scs_section_size  }
0x9a: {  	s4 =	simm.s32 $_size__tile_overlayer_lowered;
	s5 =	simm.s32 $_tile_overlayer_lowered  }
0x9b: {  	s22 =	simm.s32 $0x1BFF;
	s21 =	sshll.u32 s5, $0x1;
	s2 =	sadd.s32 s19, s18  }
0x9c: {  	s6 =	simm.s32 $0x0;
	s20 =	sshll.u32 s4, $0x1;
	s4 =	sadd.s32 s21, s2  }
0x9d: {  	[timem:s6], [sflag:s22] =	dma.local [hbm:s4], s20  }
0x9e: {  	_ =	swait.ge [sflag:s22], s20  }
0x9f: {  	s3 =	ssub.s32 $0x0, s20;
	[sflag:s22] =	ssyncset.done $0x0  }
0xa0: {  	[sflag:s22] =	ssyncadd.s32 s3;
	_ =	sdelay $0x1  }
0xa1: {  	s23 =	simm.s32 $0x1B8B  }
0xa2: {  	_ =	swait.ge [sflag:s23], $0x1  }
0xa3: {  	[sflag:s23] =	ssyncset.done $0x0  }
0xa4: {  	s25 =	simm.s32 $0x1B8E;
	s24 =	sld [smem:$0x3FFE];
	[sflag:s23] =	ssyncadd.s32 $0xFFFFFFFF  }
0xa5: {  	s26 =	simm.s32 $execute0_lowered;
	[smem:$0x3FD2] =	sst s25  }
0xa6: {  	s4 =	sshll.u32 s26, $0x1;
	_ =	strace $0x8000004C;
	[dreg:$0x1] =	wrdreg $0xFFFFFFFF  }
0xa7: {  	s28 =	simm.s32 $_size_execute0_lowered;
	s2 =	sadd.s32 s2, s4;
	[dreg:$0x0] =	wrdreg $0x0  }
0xa8: {  	s4 =	sshll.u32 s28, $0x1;
	[dreg:$0x2] =	wrdreg s2  }
0xa9: {  	[dreg:$0x3] =	wrdreg s4  }
0xaa: {  	[dreg:$0x4] =	wrdreg $0xC0  }
0xab: {  	_ =	task [dreg:s6], $0x5FFFF  }
0xac: {  	[dreg:$0x1] =	wrdreg $0xFFFFFFFF  }
0xad: {  	[dreg:$0x0] =	wrdreg $0x60  }
0xae: {  	[dreg:$0x2] =	wrdreg s24  }
0xaf: {  	[dreg:$0x3] =	wrdreg $0x84000  }
0xb0: {  	[dreg:$0x4] =	wrdreg $0x9  }
0xb1: {  	_ =	task.clear_ibuf [dreg:s6], $0x5FFFF;
	_ =	strace $0x9000004C  }
0xb2: {  	s29 =	simm.s32 $0x9;
	_ =	strace $0x8000004E  }
0xb3: {  	_ =	swait.ge [sflag:s29], $0x1  }
0xb4: {  	[sflag:s29] =	ssyncadd.s32 $0xFFFFFFFF  }
0xb5: {  	_ =	strace $0x9000004E  }
0xb6: {  	_ =	sfence  }
0xb7: {  	s30 =	sld [smem:$0x0];
	_ =	sdelay $0x2  }
0xb8: {  	s31 =	sshll.u32 s1, $0xD;
	s1 =	sshrl.u32 s1, $0x2  }
0xb9: {  	s3 =	sand.u32 $0x4000, s31;
	s1 =	sadd.s32 s1, s30  }
0xba: {  	s0 =	sor.u32 s3, s0;
	s1 =	sshll.u32 s1, $0x11  }
0xbb: {  	s0 =	sor.u32 s1, s0  }
0xbc: {  	s0 =	sadd.s32 $0x8F2B, s0  }
0xbd: {  	[sflag:s0] =	ssyncadd.remote.s32 $0x1  }
0xbe: {  	_ =	sfence.sel $0xFFFF  }
0xbf: {  	[dreg:$0x0] =	wrdreg $0xFFFFFFFF;
	(pc) =	sbr.abs _section_cstart, $3  }
0xc0: {  	[dreg:$0x1] =	wrdreg $0xFFFFFFFF  }
0xc1: {  	_ =	task.clear_ibuf [dreg:s6], $0x2FFFF;
	_ =	strace $0x9FFFFFFF  }
0xc2: {  	(tm) =	ssettm $0x7FFFFFFF  }
0xc3: {  	_ =	shalt  }
tec
execute0_lowered:
.L_overlay_start_1:
0x0: {  	(tag) =	ssettag $0x1  }
0x1: {  	s0 =	rddreg [dreg:$0x0]  }
0x2: {  	s1 =	rddreg [dreg:$0x1];
	s11 =	stileid.u32  }
0x3: {  	s2 =	srdreg.scid;
	s3 =	simm.s32 $0x0;
	s7 =	smul.u32 $0x14000, s11  }
0x4: {  	s29 =	simm.s32 $0x3;
	s30 =	simm.s32 $0x1;
	s8 =	smul.u32 $0x8C, s11  }
0x5: {  	s31 =	simm.s32 $0x80;
	s2 =	sand.u32 $0x1, s2;
	s10 =	smul.u32 $0x14, s11  }
0x6: {  	[smem:$0x7FF] =	sst s3;
	s4 =	sadd.s32 $0x2C00, s0;
	s18 =	smul.u32 $0x50000, s11  }
0x7: {  	s5 =	sadd.s32 $0x85400, s0;
	s11 =	simm.s32 $0x8C;
	s6 =	smul.u32 $0x140000, s2  }
0x8: {  	_ =	strace $0x8000004D;
	s17 =	ssub.s32 $0x2, s2;
	p0 =	seq.s32 s2, $0x0  }
0x9: {  	s9 =	sshrl.u32 s17, $0x1;
	s2 =	sadd.s32 $0x8C0, s10;
	s11 =	simm.s32 @!p0 $0x14  }
0xa: {  	s19 =	sshrl.u32 s18, $0x2;
	s6 =	sadd.s32 s7, s6;
	s9 =	ssub.s32 s17, s9  }
0xb: {  	s2 =	smov.u32 @p0 s8;
	s20 =	sshrl.u32 s11, $0x1;
	s7 =	sadd.s32 s19, s1  }
0xc: {  	s17 =	sadd.s32 $0xFFFFFFFE, s11;
	s18 =	sadd.s32 $0xFFFFFFFD, s11;
	s19 =	simm.s32 $0x400  }
0xd: {  	s6 =	sshrl.u32 s6, $0x3;
	s8 =	sshll.u32 s2, $0x5;
	s21 =	sadd.s32 $0x4000, s7  }
0xe: {  	s22 =	sadd.s32 $0x8000, s7;
	s23 =	sadd.s32 $0xC000, s7;
	[dreg:$0x4] =	wrdreg s21  }
0xf: {  	s24 =	sadd.s32 $0x10000, s7;
	s14 =	sadd.s32 $0x4, s2;
	[dreg:$0x5] =	wrdreg s22  }
0x10: {  	s26 =	smax.u32 s9, $0x1;
	s16 =	smov.u32 s20;
	[dreg:$0x6] =	wrdreg s23  }
0x11: {  	s28 =	sadd.s32 $0xFFFFFFFE, s20;
	s20 =	simm.s32 $0x4;
	[dreg:$0x7] =	wrdreg s24  }
0x12: {  	s0 =	sadd.s32 s6, s0;
	s10 =	sadd.s32 s5, s8;
	[dreg:$0xa] =	wrdreg s26  }
0x13: {  	[dreg:$0x3] =	wrdreg s28;
	s21 =	simm.s32 $0x40;
	s25 =	sadd.s32 $0x40, s10  }
0x14: {  	s24 =	simm.s32 $0x4400;
	s0 =	sadd.s32 $0x2AC00, s0;
	[dreg:$0x8] =	wrdreg s25  }
0x15: {  	v0 =	vimm.f32 $0.0e+00;
	s22 =	simm.s32 $0x0;
	[dreg:$0x9] =	wrdreg s0;
	s0 =	simm.s32 $0x2  }
.LBB2_1:
0x16: {  	s2 =	simm.s32 $0x0;
	s8 =	simm.s32 $0x200  }
.LBB2_2:
0x17: {  	p0 =	sne.s32 s8, $0xFE00;
	[tilespmem:s2+$0x470] =	vst v0  }
0x18: {  	[tilespmem:s2+$0x400] =	vst v0  }
0x19: {  	[tilespmem:s2+$0x410] =	vst v0  }
.Ltmp0:
0x1a: {  	[tilespmem:s2+$0x420] =	vst v0;
	(pc) =	sbr.rel @p0 .LBB2_2-.Ltmp0, $4  }
0x1b: {  	[tilespmem:s2+$0x430] =	vst v0  }
0x1c: {  	[tilespmem:s2+$0x440] =	vst v0  }
0x1d: {  	[tilespmem:s2+$0x450] =	vst v0  }
0x1e: {  	[tilespmem:s2+$0x460] =	vst v0;
	s2 =	sshra.s32 s8, $0x2;
	s8 =	sadd.s32 $0x200, s8  }
0x1f: {  	[tilespmem:s2+$0x470] =	vst v0  }
0x20: {  	[tilespmem:s2+$0x400] =	vst v0  }
0x21: {  	[tilespmem:s2+$0x410] =	vst v0  }
0x22: {  	[tilespmem:s2+$0x420] =	vst v0  }
0x23: {  	[tilespmem:s2+$0x430] =	vst v0  }
0x24: {  	[tilespmem:s2+$0x440] =	vst v0  }
0x25: {  	[tilespmem:s2+$0x450] =	vst v0  }
0x26: {  	[tilespmem:s2+$0x460] =	vst v0  }
0x27: {  	[spmem:s7] =	stream.linear.scatter [tilespmem:s19], [sflag:$0x4], $0x4000, $0x38;
	[tilespmem:$0x1C400] =	vst v63  }
0x28: {  	_ =	swait.ge [sflag:s20], $0x4000  }
0x29: {  	[sflag:s20] =	ssyncset.done $0x0  }
0x2a: {  	s23 =	rddreg [dreg:$0x4];
	[sflag:s20] =	ssyncadd.s32 $0xFFFFC000  }
0x2b: {  	[spmem:s23] =	stream.linear.scatter [tilespmem:s19], [sflag:$0x4], $0x4000, $0x38;
	[tilespmem:$0x1C400] =	vst v63  }
0x2c: {  	_ =	swait.ge [sflag:s20], $0x4000  }
0x2d: {  	[sflag:s20] =	ssyncset.done $0x0  }
0x2e: {  	s25 =	rddreg [dreg:$0x5];
	[sflag:s20] =	ssyncadd.s32 $0xFFFFC000  }
0x2f: {  	[spmem:s25] =	stream.linear.scatter [tilespmem:s19], [sflag:$0x4], $0x4000, $0x38;
	[tilespmem:$0x1C400] =	vst v63  }
0x30: {  	_ =	swait.ge [sflag:s20], $0x4000  }
0x31: {  	[sflag:s20] =	ssyncset.done $0x0  }
0x32: {  	s26 =	rddreg [dreg:$0x6];
	[sflag:s20] =	ssyncadd.s32 $0xFFFFC000  }
0x33: {  	[spmem:s26] =	stream.linear.scatter [tilespmem:s19], [sflag:$0x4], $0x4000, $0x38;
	[tilespmem:$0x1C400] =	vst v63  }
0x34: {  	_ =	swait.ge [sflag:s20], $0x4000  }
0x35: {  	[sflag:s20] =	ssyncset.done $0x0  }
0x36: {  	s28 =	rddreg [dreg:$0x7];
	[sflag:s20] =	ssyncadd.s32 $0xFFFFC000  }
0x37: {  	[spmem:s28] =	stream.linear.scatter [tilespmem:s19], [sflag:$0x4], $0x4000, $0x38;
	[tilespmem:$0x1C400] =	vst v63  }
0x38: {  	_ =	swait.ge [sflag:s20], $0x4000  }
0x39: {  	[sflag:s20] =	ssyncset.done $0x0  }
0x3a: {  	[sflag:s20] =	ssyncadd.s32 $0xFFFFC000  }
0x3b: {  	s26 =	simm.s32 $0x0;
	[bflag:$0x0] =	sbarrier.arrive $0xFFFF  }
0x3c: {  	[tilespmem:s26], [sflag:$0x4] =	stream.linear.gather [hbm4b:s10+s26], $0x200, $0x38;
	[tilespmem:$0x1C400] =	vst v63  }
0x3d: {  	_ =	swait.ge [sflag:s20], $0x200  }
0x3e: {  	[sflag:s20] =	ssyncset.done $0x0  }
0x3f: {  	[sflag:s20] =	ssyncadd.s32 $0xFFFFFE00  }
0x40: {  	[tilespmem:s19], [sflag:$0x1] =	stream.indirect.gather [hbm4b:s4+s21], $0x80, s26, s21, $0xb8;
	[tilespmem:$0x1C400] =	vst v63  }
0x41: {  	s6 =	simm.s32 $0x2400  }
0x42: {  	[tilespmem:s6], [sflag:$0x1] =	stream.indirect.gather [hbm4b:s4+s21], $0x80, s21, s21, $0xb8;
	[tilespmem:$0x1C400] =	vst v63  }
0x43: {  	s8 =	simm.s32 $0x100  }
0x44: {  	[tilespmem:s24], [sflag:$0x2] =	stream.indirect.gather [hbm4b:s4+s21], $0x80, s8, s21, $0xb8;
	[tilespmem:$0x1C400] =	vst v63  }
0x45: {  	s9 =	simm.s32 $0x140;
	s6 =	simm.s32 $0x6400  }
0x46: {  	[tilespmem:s6], [sflag:$0x2] =	stream.indirect.gather [hbm4b:s4+s21], $0x80, s9, s21, $0xb8;
	[tilespmem:$0x1C400] =	vst v63  }
0x47: {  	s12 =	simm.s32 $0x200;
	s11 =	rddreg [dreg:$0x8]  }
0x48: {  	[tilespmem:s12], [sflag:$0x3] =	stream.linear.gather [hbm4b:s11+s26], $0x200, $0x38;
	[tilespmem:$0x1C400] =	vst v63  }
0x49: {  	_ =	swait.ge [sflag:s29], $0x200  }
0x4a: {  	[sflag:s29] =	ssyncset.done $0x0  }
0x4b: {  	[sflag:s29] =	ssyncadd.s32 $0xFFFFFE00  }
0x4c: {  	_ =	swait.ge [sflag:s30], $0x2000  }
0x4d: {  	[sflag:s30] =	ssyncset.done $0x0  }
0x4e: {  	[sflag:s30] =	ssyncadd.s32 $0xFFFFE000  }
0x4f: {  	s13 =	simm.s32 $0x0;
	_ =	swait.ge [sflag:s30], $0x2000  }
0x50: {  	s25 =	sand.u32 $0x200, s13;
	[sflag:s30] =	ssyncset.done $0x0  }
0x51: {  	s2 =	sor.u32 $0x80, s25;
	[sflag:s30] =	ssyncadd.s32 $0xFFFFE000  }
0x52: {  	[spmem:s1] =	stream.indirect.scatter.add.f32 [tilespmem:s19], [sflag:$0x4], $0x80, s2, s31, $0xb8;
	[tilespmem:$0x1C400] =	vst v63  }
0x53: {  	p0 =	sle.u32 s17, $0x0;
	_ =	swait.ge [sflag:s20], $0x4000  }
0x54: {  	s15 =	simm.s32 $0x200;
	s8 =	simm.s32 @!p0 $0x40;
	[sflag:s20] =	ssyncset.done $0x0  }
0x55: {  	s9 =	simm.s32 @!p0 $0x400;
	s2 =	sand.u32 $0x200, s15;
	[sflag:s20] =	ssyncadd.s32 $0xFFFFC000  }
0x56: {  	[tilespmem:s9], [sflag:$0x1] =	stream.indirect.gather @!p0 [hbm4b:s4+s8], $0x80, s2, s8, $0xb8;
	[tilespmem:$0x1C400] =	vst v63  }
0x57: {  	s11 =	sadd.s32 @!p0 $0x40, s2;
	s9 =	simm.s32 @!p0 $0x2400  }
0x58: {  	[tilespmem:s9], [sflag:$0x1] =	stream.indirect.gather @!p0 [hbm4b:s4+s8], $0x80, s11, s8, $0xb8;
	[tilespmem:$0x1C400] =	vst v63  }
0x59: {  	_ =	swait.ge [sflag:s0], $0x2000  }
0x5a: {  	[sflag:s0] =	ssyncset.done $0x0  }
0x5b: {  	[sflag:s0] =	ssyncadd.s32 $0xFFFFE000  }
0x5c: {  	_ =	swait.ge [sflag:s0], $0x2000  }
0x5d: {  	[sflag:s0] =	ssyncset.done $0x0  }
0x5e: {  	s23 =	sadd.s32 $0x180, s25;
	[sflag:s0] =	ssyncadd.s32 $0xFFFFE000  }
0x5f: {  	[spmem:s1] =	stream.indirect.scatter.add.f32 [tilespmem:s24], [sflag:$0x4], $0x80, s23, s31, $0xb8;
	[tilespmem:$0x1C400] =	vst v63  }
0x60: {  	s8 =	sadd.s32 $0x0, s14;
	_ =	swait.ge [sflag:s20], $0x4000  }
0x61: {  	p0 =	slt.s32 s8, $0x9FE;
	s28 =	rddreg [dreg:$0x3]  }
0x62: {  	s8 =	simm.s32 @!p0 $0x9FE;
	p0 =	sle.u32 s18, $0x0;
	p1 =	sne.s32 s28, $0x0  }
.Ltmp1:
0x63: {  	s8 =	sshll.u32 s8, $0x5;
	s12 =	sadd.s32 @!p0 $0x100, s2;
	(pc) =	sbr.rel @!p1 .LBB2_5-.Ltmp1, $4  }
0x64: {  	s9 =	simm.s32 @!p0 $0x40;
	s11 =	sadd.s32 @!p0 $0x140, s2;
	[sflag:s20] =	ssyncset.done $0x0  }
0x65: {  	s8 =	sand.u32 $0x1FFFFFE0, s8;
	s23 =	simm.s32 @!p0 $0x4400;
	[sflag:s20] =	ssyncadd.s32 $0xFFFFC000  }
0x66: {  	[tilespmem:s23], [sflag:$0x2] =	stream.indirect.gather @!p0 [hbm4b:s4+s9], $0x80, s12, s9, $0xb8;
	[tilespmem:$0x1C400] =	vst v63  }
0x67: {  	s8 =	sadd.s32 s5, s8;
	s23 =	simm.s32 $0x1;
	s12 =	simm.s32 @!p0 $0x6400  }
.LBB2_4:
0x68: {  	[tilespmem:s12], [sflag:$0x2] =	stream.indirect.gather @!p0 [hbm4b:s4+s9], $0x80, s11, s9, $0xb8;
	[tilespmem:$0x1C400] =	vst v63  }
0x69: {  	_ = 	snop  }
0x6a: {  	[tilespmem:s25], [sflag:$0x3] =	stream.linear.gather [hbm4b:s8+s3], $0x200, $0x38;
	[tilespmem:$0x1C400] =	vst v63  }
0x6b: {  	_ =	swait.ge [sflag:s29], $0x200  }
0x6c: {  	[sflag:s29] =	ssyncset.done $0x0  }
0x6d: {  	[sflag:s29] =	ssyncadd.s32 $0xFFFFFE00  }
0x6e: {  	_ =	swait.ge [sflag:s30], $0x2000  }
0x6f: {  	[sflag:s30] =	ssyncset.done $0x0  }
0x70: {  	s2 =	smov.u32 s23;
	[sflag:s30] =	ssyncadd.s32 $0xFFFFE000  }
0x71: {  	s28 =	smov.u32 s23;
	s25 =	sshll.u32 s2, $0x9;
	_ =	swait.ge [sflag:s30], $0x2000  }
0x72: {  	s26 =	smov.u32 s23;
	s25 =	sand.u32 $0x200, s25;
	[sflag:s30] =	ssyncset.done $0x0  }
0x73: {  	s23 =	sadd.s32 $0x1, s23;
	s8 =	sor.u32 $0x80, s25;
	[sflag:s30] =	ssyncadd.s32 $0xFFFFE000  }
0x74: {  	[spmem:s1] =	stream.indirect.scatter.add.f32 [tilespmem:s19], [sflag:$0x4], $0x80, s8, s31, $0xb8;
	[tilespmem:$0x1C400] =	vst v63  }
0x75: {  	s6 =	sshll.u32 s2, $0x1;
	s12 =	sshll.u32 s23, $0x9;
	_ =	swait.ge [sflag:s20], $0x4000  }
0x76: {  	p0 =	sge.u32 s6, s17;
	s2 =	sand.u32 $0x200, s12;
	[sflag:s20] =	ssyncset.done $0x0  }
0x77: {  	s11 =	simm.s32 @!p0 $0x400;
	s8 =	simm.s32 @!p0 $0x40;
	[sflag:s20] =	ssyncadd.s32 $0xFFFFC000  }
0x78: {  	[tilespmem:s11], [sflag:$0x1] =	stream.indirect.gather @!p0 [hbm4b:s4+s8], $0x80, s2, s8, $0xb8;
	[tilespmem:$0x1C400] =	vst v63  }
0x79: {  	s12 =	simm.s32 @!p0 $0x2400;
	s11 =	sadd.s32 @!p0 $0x40, s2  }
0x7a: {  	[tilespmem:s12], [sflag:$0x1] =	stream.indirect.gather @!p0 [hbm4b:s4+s8], $0x80, s11, s8, $0xb8;
	[tilespmem:$0x1C400] =	vst v63  }
0x7b: {  	_ =	swait.ge [sflag:s0], $0x2000  }
0x7c: {  	[sflag:s0] =	ssyncset.done $0x0  }
0x7d: {  	[sflag:s0] =	ssyncadd.s32 $0xFFFFE000  }
0x7e: {  	s13 =	sadd.s32 s6, s14;
	_ =	swait.ge [sflag:s0], $0x2000  }
0x7f: {  	p0 =	slt.s32 s13, $0x9FE;
	[sflag:s0] =	ssyncset.done $0x0  }
0x80: {  	s15 =	sadd.s32 $0x180, s25;
	s13 =	simm.s32 @!p0 $0x9FE;
	[sflag:s0] =	ssyncadd.s32 $0xFFFFE000  }
0x81: {  	[spmem:s1] =	stream.indirect.scatter.add.f32 [tilespmem:s24], [sflag:$0x4], $0x80, s15, s31, $0xb8;
	[tilespmem:$0x1C400] =	vst v63  }
0x82: {  	s13 =	sshll.u32 s13, $0x5;
	_ =	swait.ge [sflag:s20], $0x4000  }
0x83: {  	s8 =	sand.u32 $0x1FFFFFE0, s13;
	s13 =	rddreg [dreg:$0x3]  }
0x84: {  	p1 =	sne.s32 s28, s13  }
.Ltmp2:
0x85: {  	p0 =	sge.u32 s6, s18;
	(pc) =	sbr.rel @p1 .LBB2_4-.Ltmp2, $4  }
0x86: {  	s11 =	sadd.s32 @!p0 $0x140, s2;
	s6 =	sadd.s32 @!p0 $0x100, s2  }
0x87: {  	s9 =	simm.s32 @!p0 $0x40;
	s12 =	simm.s32 @!p0 $0x6400;
	[sflag:s20] =	ssyncset.done $0x0  }
0x88: {  	s8 =	sadd.s32 s5, s8;
	s15 =	simm.s32 @!p0 $0x4400;
	[sflag:s20] =	ssyncadd.s32 $0xFFFFC000  }
0x89: {  	[tilespmem:s15], [sflag:$0x2] =	stream.indirect.gather @!p0 [hbm4b:s4+s9], $0x80, s6, s9, $0xb8;
	[tilespmem:$0x1C400] =	vst v63  }
.LBB2_5:
0x8a: {  	[tilespmem:s12], [sflag:$0x2] =	stream.indirect.gather @!p0 [hbm4b:s4+s9], $0x80, s11, s9, $0xb8;
	[tilespmem:$0x1C400] =	vst v63  }
0x8b: {  	_ = 	snop  }
0x8c: {  	[tilespmem:s25], [sflag:$0x3] =	stream.linear.gather [hbm4b:s8+s3], $0x200, $0x38;
	[tilespmem:$0x1C400] =	vst v63  }
0x8d: {  	_ =	swait.ge [sflag:s29], $0x200  }
0x8e: {  	[sflag:s29] =	ssyncset.done $0x0  }
0x8f: {  	[sflag:s29] =	ssyncadd.s32 $0xFFFFFE00  }
0x90: {  	_ =	swait.ge [sflag:s30], $0x2000  }
0x91: {  	[sflag:s30] =	ssyncset.done $0x0  }
0x92: {  	[sflag:s30] =	ssyncadd.s32 $0xFFFFE000  }
0x93: {  	_ =	swait.ge [sflag:s30], $0x2000  }
0x94: {  	[sflag:s30] =	ssyncset.done $0x0  }
0x95: {  	s6 =	sadd.s32 $0x2, s26;
	s12 =	sor.u32 $0x80, s2;
	[sflag:s30] =	ssyncadd.s32 $0xFFFFE000  }
0x96: {  	[spmem:s1] =	stream.indirect.scatter.add.f32 [tilespmem:s19], [sflag:$0x4], $0x80, s12, s31, $0xb8;
	[tilespmem:$0x1C400] =	vst v63  }
0x97: {  	s13 =	sshll.u32 s6, $0x9;
	s8 =	sshll.u32 s23, $0x1;
	_ =	swait.ge [sflag:s20], $0x4000  }
0x98: {  	s9 =	sand.u32 $0x200, s13;
	p0 =	sge.u32 s8, s17;
	[sflag:s20] =	ssyncset.done $0x0  }
0x99: {  	s11 =	simm.s32 @!p0 $0x40;
	s12 =	simm.s32 @!p0 $0x400;
	[sflag:s20] =	ssyncadd.s32 $0xFFFFC000  }
0x9a: {  	[tilespmem:s12], [sflag:$0x1] =	stream.indirect.gather @!p0 [hbm4b:s4+s11], $0x80, s9, s11, $0xb8;
	[tilespmem:$0x1C400] =	vst v63  }
0x9b: {  	s13 =	simm.s32 @!p0 $0x2400;
	s12 =	sadd.s32 @!p0 $0x40, s9  }
0x9c: {  	[tilespmem:s13], [sflag:$0x1] =	stream.indirect.gather @!p0 [hbm4b:s4+s11], $0x80, s12, s11, $0xb8;
	[tilespmem:$0x1C400] =	vst v63  }
0x9d: {  	_ =	swait.ge [sflag:s0], $0x2000  }
0x9e: {  	[sflag:s0] =	ssyncset.done $0x0  }
0x9f: {  	[sflag:s0] =	ssyncadd.s32 $0xFFFFE000  }
0xa0: {  	_ =	swait.ge [sflag:s0], $0x2000  }
0xa1: {  	[sflag:s0] =	ssyncset.done $0x0  }
0xa2: {  	s15 =	sadd.s32 $0x180, s2;
	[sflag:s0] =	ssyncadd.s32 $0xFFFFE000  }
0xa3: {  	[spmem:s1] =	stream.indirect.scatter.add.f32 [tilespmem:s24], [sflag:$0x4], $0x80, s15, s31, $0xb8;
	[tilespmem:$0x1C400] =	vst v63  }
0xa4: {  	p0 =	sge.u32 s8, s18;
	_ =	swait.ge [sflag:s20], $0x4000  }
0xa5: {  	s11 =	sadd.s32 @!p0 $0x100, s9;
	[sflag:s20] =	ssyncset.done $0x0  }
0xa6: {  	s12 =	simm.s32 @!p0 $0x40;
	s13 =	simm.s32 @!p0 $0x4400;
	[sflag:s20] =	ssyncadd.s32 $0xFFFFC000  }
0xa7: {  	[tilespmem:s13], [sflag:$0x2] =	stream.indirect.gather @!p0 [hbm4b:s4+s12], $0x80, s11, s12, $0xb8;
	[tilespmem:$0x1C400] =	vst v63  }
0xa8: {  	s9 =	sadd.s32 @!p0 $0x140, s9;
	s11 =	simm.s32 @!p0 $0x6400  }
0xa9: {  	[tilespmem:s11], [sflag:$0x2] =	stream.indirect.gather @!p0 [hbm4b:s4+s12], $0x80, s9, s12, $0xb8;
	[tilespmem:$0x1C400] =	vst v63  }
0xaa: {  	p0 =	sge.u32 s6, s16  }
0xab: {  	s6 =	sadd.s32 @!p0 s8, s14  }
0xac: {  	s6 =	smin.u32 @!p0 s6, $0x9FE  }
0xad: {  	s6 =	sshll.u32 @!p0 s6, $0x5  }
0xae: {  	s23 =	stileid.u32;
	s8 =	simm.s32 @!p0 $0x0;
	s6 =	sadd.s32 @!p0 s5, s6  }
0xaf: {  	[tilespmem:s2], [sflag:$0x3] =	stream.linear.gather @!p0 [hbm4b:s6+s8], $0x200, $0x38;
	[tilespmem:$0x1C400] =	vst v63  }
0xb0: {  	s2 =	sshll.u32 s23, $0x6;
	[bflag:$0x0] =	sbarrier.arrive $0xFFFF  }
0xb1: {  	s25 =	sshrl.u32 s7, $0x3;
	s2 =	sor.u32 $0x1C04, s2;
	s26 =	rddreg [dreg:$0x9]  }
0xb2: {  	[hbm:s26], [sflag:s2] =	dma.local [spmem:s25], $0x2800  }
0xb3: {  	_ =	swait.ge [sflag:s20], $0x2800  }
0xb4: {  	s22 =	sadd.s32 $0x1, s22;
	s28 =	rddreg [dreg:$0xa]  }
0xb5: {  	p0 =	sne.s32 s22, s28  }
.Ltmp3:
0xb6: {  	_ = 	snop;
	(pc) =	sbr.rel @p0 .LBB2_1-.Ltmp3, $3  }
0xb7: {  	_ =	sdelay $0x1  }
0xb8: {  	[sflag:s20] =	ssyncset.done $0x0  }
0xb9: {  	[sflag:s20] =	ssyncadd.s32 $0xFFFFD800  }
0xba: {  	_ =	sfence.sel $0x180000  }
0xbb: {  	[bflag:$0x0] =	sbarrier.arrive $0xFFFF  }
0xbc: {  	_ =	strace $0x9000004D  }
0xbd: {  	s0 =	stileid.u32;
	[bflag:$0x2] =	sbarrier.arrive $0xFFFF  }
0xbe: {  	p0 =	sne.s32 s0, $0x0;
	s0 =	rddreg [dreg:$0x2]  }
0xbf: {  	s0 =	sadd.s32 @!p0 $0x100000, s0  }
0xc0: {  	[sflag:s0] =	ssyncadd.tile.s32 @!p0 $0x1;
	_ =	shalt  }
.Lfunc_end2:
_tile_overlayer_lowered:
.L_overlay_start_2:
0xc1: {  	(tag) =	ssettag $0x2  }
0xc2: {  	s0 =	rddreg [dreg:$0x0];
	s2 =	stileid.u32  }
0xc3: {  	s1 =	rddreg [dreg:$0x1];
	p0 =	sne.s32 s2, $0x0  }
0xc4: {  	s3 =	rddreg [dreg:$0x2];
	[bflag:$0x3] =	sbarrier.arrive $0xFFFF;
	s2 =	simm.s32 @!p0 $0x1C04  }
0xc5: {  	[timem:s3], [sflag:s2] =	dma.local @!p0 [hbm:s0], s1  }
0xc6: {  	s0 =	simm.s32 @!p0 $0x4  }
0xc7: {  	_ =	swait.ge @!p0 [sflag:s0], s1  }
0xc8: {  	s1 =	ssub.s32 @!p0 $0x0, s1;
	[sflag:s0] =	ssyncset.done @!p0 $0x0  }
0xc9: {  	[sflag:s0] =	ssyncadd.s32 @!p0 s1  }
0xca: {  	[bflag:$0x3] =	sbarrier.arrive $0xFFFF  }
0xcb: {  	_ =	shalt  }

// kernel: kernel.8.cloned.1.call-start
scs
__scs_entry_jumppad:
0x0: {  	(pc) =	sbr.rel $0x88, $3  }
0x1: {  	(tag) =	ssettag $0x0;
	lr =	simm.s32 $0x1  }
0x2: {  	[smem:$0x3F96] =	sst lr;
	_ =	strace $0xD0000000  }
0x3: {  	_ = 	snop  }
0x4: {  	_ = 	snop  }
0x5: {  	_ = 	snop  }
0x6: {  	_ = 	snop  }
0x7: {  	_ = 	snop  }
__scs_overlays_trampoline_lowered:
0x8: {  	[smem:$0x3FA5] =	sst s0  }
0x9: {  	[smem:$0x3FA6] =	sst s1  }
0xa: {  	[smem:$0x3FA7] =	sst s2  }
0xb: {  	[smem:$0x3FA8] =	sst s3  }
0xc: {  	[smem:$0x3FA9] =	sst s4  }
0xd: {  	[smem:$0x3FAA] =	sst s5  }
0xe: {  	[smem:$0x3FAB] =	sst s6  }
0xf: {  	[smem:$0x3FAC] =	sst s7  }
0x10: {  	[smem:$0x3FAD] =	sst s8  }
0x11: {  	[smem:$0x3FAE] =	sst s9;
	s0 =	simm.s32 @!p0 $0x0  }
0x12: {  	s1 =	sld [smem:$0x3F94];
	s0 =	simm.s32 @p0 $0x1  }
0x13: {  	[smem:$0x3FAF] =	sst s0;
	s0 =	simm.s32 @!p1 $0x0  }
0x14: {  	s2 =	sld [smem:$0x3F93];
	s0 =	simm.s32 @p1 $0x1  }
0x15: {  	[smem:$0x3FB0] =	sst s0;
	s0 =	simm.s32 @!p2 $0x0  }
0x16: {  	s3 =	sld [smem:$0x3FDB];
	s0 =	simm.s32 @p2 $0x1  }
0x17: {  	s4 =	simm.s32 $0x1BF5;
	[smem:$0x3FB2] =	sst s0  }
0x18: {  	s0 =	sld [smem:$0x3F95];
	_ =	swait.ge [sflag:s4], $0x0  }
0x19: {  	s7 =	sld [smem:$0x3F96]  }
0x1a: {  	s8 =	sadd.s32 $0xFFFFE003, lr  }
0x1b: {  	s9 =	sadd.s32 $0xFFFFFEF7, lr;
	s5 =	simm.s32 $0xFFFFFFFF;
	p2 =	slt.u32 s8, $0xFFFFF086  }
0x1c: {  	p1 =	slt.u32 s9, $0xF7A;
	s5 =	simm.s32 @!p2 $0x0  }
0x1d: {  	s5 =	simm.s32 @p1 $0x1;
	p0 =	seq.s32 s7, s2  }
0x1e: {  	s7 =	smul.u32 @!p0 $0xF7A, s2;
	p2 =	seq.s32 @!p0 s5, $0x0  }
0x1f: {  	s9 =	smul.u32 $0xF7A, s1;
	s8 =	simm.s32 @!p0 $0x1BF5;
	p2 =	por !p2, p0  }
0x20: {  	[sflag:s8] =	ssyncset.s32 @!p0 $0xFFFFF086;
	s6 =	sadd.s32 @!p0 s3, s7;
	s7 =	simm.s32 @!p0 $0x108  }
0x21: {  	s3 =	sadd.s32 s3, s9;
	s6 =	sadd.s32 @!p0 $0x88, s6;
	s7 =	simm.s32 @p2 $0x1082  }
0x22: {  	[simem:s7], [sflag:s8] =	dma.local @!p0 [hbm:s6], $0xF7A  }
0x23: {  	s9 =	sor.u32 $0xD0000000, s2;
	s6 =	simm.s32 $0x108;
	_ =	swait.ge @!p0 [sflag:s8], $0x0  }
0x24: {  	s3 =	sadd.s32 $0x88, s3;
	s6 =	simm.s32 @!p1 $0x1082;
	[sflag:s4] =	ssyncset.s32 $0xFFFFF086  }
0x25: {  	[simem:s6], [sflag:s4] =	dma.local [hbm:s3], $0xF7A  }
0x26: {  	[smem:$0x3F96] =	sst s1;
	(tag) =	ssettag s2;
	_ =	strace s9  }
0x27: {  	s1 =	sld [smem:$0x3FA6]  }
0x28: {  	s2 =	sld [smem:$0x3FA7]  }
0x29: {  	s4 =	sld [smem:$0x3FA9]  }
0x2a: {  	p0 =	seq.s32 s5, $0x0;
	s5 =	sld [smem:$0x3FAA]  }
0x2b: {  	s6 =	sld [smem:$0x3FAB]  }
0x2c: {  	s7 =	sld [smem:$0x3FAC]  }
0x2d: {  	s3 =	simm.s32 $0x108;
	s8 =	sld [smem:$0x3FAD]  }
0x2e: {  	s3 =	simm.s32 @!p0 $0x1082;
	s9 =	sld [smem:$0x3FAE]  }
0x2f: {  	lr =	sadd.s32 s0, s3;
	s0 =	sld [smem:$0x3FA5]  }
0x30: {  	s3 =	sld [smem:$0x3FA8]  }
0x31: {  	[smem:$0x3FB1] =	sst s10  }
0x32: {  	s10 =	sld [smem:$0x3FAF];
	_ =	sdelay $0x3  }
0x33: {  	p0 =	seq.s32 s10, $0x1;
	s10 =	sld [smem:$0x3FB1];
	_ =	sdelay $0x3  }
0x34: {  	[smem:$0x3FB1] =	sst s10  }
0x35: {  	s10 =	sld [smem:$0x3FB0];
	_ =	sdelay $0x3  }
0x36: {  	p1 =	seq.s32 s10, $0x1;
	s10 =	sld [smem:$0x3FB1];
	_ =	sdelay $0x3  }
0x37: {  	[smem:$0x3FB1] =	sst s10  }
0x38: {  	s10 =	sld [smem:$0x3FB2]  }
0x39: {  	_ = 	snop;
	(pc) =	sbr.ind lr, $3  }
0x3a: {  	_ = 	snop  }
0x3b: {  	_ = 	snop  }
0x3c: {  	p2 =	seq.s32 s10, $0x1;
	s10 =	sld [smem:$0x3FB1]  }
0x3d: {  	_ =	shalt  }
0x3e: {  	_ =	shalt  }
0x3f: {  	_ =	shalt  }
0x40: {  	_ =	shalt  }
0x41: {  	_ =	shalt  }
0x42: {  	_ =	shalt  }
0x43: {  	_ =	shalt  }
0x44: {  	_ =	shalt  }
0x45: {  	_ =	shalt  }
0x46: {  	_ =	shalt  }
0x47: {  	_ =	shalt  }
0x48: {  	_ =	shalt  }
0x49: {  	_ =	shalt  }
0x4a: {  	_ =	shalt  }
0x4b: {  	_ =	shalt  }
0x4c: {  	_ =	shalt  }
0x4d: {  	_ =	shalt  }
0x4e: {  	_ =	shalt  }
0x4f: {  	_ =	shalt  }
0x50: {  	_ =	shalt  }
0x51: {  	_ =	shalt  }
0x52: {  	_ =	shalt  }
0x53: {  	_ =	shalt  }
0x54: {  	_ =	shalt  }
0x55: {  	_ =	shalt  }
0x56: {  	_ =	shalt  }
0x57: {  	_ =	shalt  }
0x58: {  	_ =	shalt  }
0x59: {  	_ =	shalt  }
0x5a: {  	_ =	shalt  }
0x5b: {  	_ =	shalt  }
0x5c: {  	_ =	shalt  }
0x5d: {  	_ =	shalt  }
0x5e: {  	_ =	shalt  }
0x5f: {  	_ =	shalt  }
0x60: {  	_ =	shalt  }
0x61: {  	_ =	shalt  }
0x62: {  	_ =	shalt  }
0x63: {  	_ =	shalt  }
0x64: {  	_ =	shalt  }
0x65: {  	_ =	shalt  }
0x66: {  	_ =	shalt  }
0x67: {  	_ =	shalt  }
0x68: {  	_ =	shalt  }
0x69: {  	_ =	shalt  }
0x6a: {  	_ =	shalt  }
0x6b: {  	_ =	shalt  }
0x6c: {  	_ =	shalt  }
0x6d: {  	_ =	shalt  }
0x6e: {  	_ =	shalt  }
0x6f: {  	_ =	shalt  }
0x70: {  	_ =	shalt  }
0x71: {  	_ =	shalt  }
0x72: {  	_ =	shalt  }
0x73: {  	_ =	shalt  }
0x74: {  	_ =	shalt  }
0x75: {  	_ =	shalt  }
0x76: {  	_ =	shalt  }
0x77: {  	_ =	shalt  }
0x78: {  	_ =	shalt  }
0x79: {  	_ =	shalt  }
0x7a: {  	_ =	shalt  }
0x7b: {  	_ =	shalt  }
0x7c: {  	_ =	shalt  }
0x7d: {  	_ =	shalt  }
0x7e: {  	_ =	shalt  }
0x7f: {  	_ =	shalt  }
0x80: {  	_ =	shalt  }
0x81: {  	_ =	shalt  }
0x82: {  	_ =	shalt  }
0x83: {  	_ =	shalt  }
0x84: {  	_ =	shalt  }
0x85: {  	_ =	shalt  }
0x86: {  	_ =	shalt  }
0x87: {  	_ =	shalt  }
.Lfunc_end0:
.L_simem_size_0:
called_computation_lowered:
.L_overlay_start_0:
0x88: {  	s2 =	sld [smem:$0x3FD9]  }
0x89: {  	s3 =	sld [smem:$0x3FFE];
	_ =	sdelay $0x1  }
0x8a: {  	s1 =	srdreg.scid  }
0x8b: {  	s0 =	sand.u32 $0x1, s1  }
0x8c: {  	s16 =	sshll.u32 s0, $0xA;
	s2 =	sadd.s32 s3, s2  }
0x8d: {  	s2 =	sadd.s32 s2, s16  }
0x8e: {  	[smem:$0x3FBD] =	sst s2  }
0x8f: {  	_ = 	snop  }
0x90: {  	(tm) =	ssettm $0x1  }
0x91: {  	s17 =	sld [smem:$0x3FFB];
	_ =	sdelay $0x3  }
0x92: {  	_ =	strace s17  }
0x93: {  	s2 =	sld [smem:$0x3FFC];
	_ =	sdelay $0x3  }
0x94: {  	_ =	strace s2  }
0x95: {  	s2 =	sld [smem:$0x3FFD];
	_ =	sdelay $0x3  }
0x96: {  	_ =	strace s2  }
0x97: {  	_ =	strace $0x8FFFFFFF  }
0x98: {  	s18 =	sld [smem:$0x3FDB];
	_ =	sdelay $0x1  }
0x99: {  	s19 =	simm.s32 $_scs_section_size  }
0x9a: {  	s4 =	simm.s32 $_size__tile_overlayer_lowered;
	s5 =	simm.s32 $_tile_overlayer_lowered  }
0x9b: {  	s22 =	simm.s32 $0x1BFF;
	s21 =	sshll.u32 s5, $0x1;
	s2 =	sadd.s32 s19, s18  }
0x9c: {  	s6 =	simm.s32 $0x0;
	s20 =	sshll.u32 s4, $0x1;
	s4 =	sadd.s32 s21, s2  }
0x9d: {  	[timem:s6], [sflag:s22] =	dma.local [hbm:s4], s20  }
0x9e: {  	_ =	swait.ge [sflag:s22], s20  }
0x9f: {  	s3 =	ssub.s32 $0x0, s20;
	[sflag:s22] =	ssyncset.done $0x0  }
0xa0: {  	[sflag:s22] =	ssyncadd.s32 s3;
	_ =	sdelay $0x1  }
0xa1: {  	s23 =	simm.s32 $0x1B8B  }
0xa2: {  	_ =	swait.ge [sflag:s23], $0x1  }
0xa3: {  	[sflag:s23] =	ssyncset.done $0x0  }
0xa4: {  	s25 =	simm.s32 $0x1B8E;
	s24 =	sld [smem:$0x3FFE];
	[sflag:s23] =	ssyncadd.s32 $0xFFFFFFFF  }
0xa5: {  	s26 =	simm.s32 $execute0_lowered;
	[smem:$0x3FD2] =	sst s25  }
0xa6: {  	s4 =	sshll.u32 s26, $0x1;
	_ =	strace $0x80000046;
	[dreg:$0x1] =	wrdreg $0xFFFFFFFF  }
0xa7: {  	s28 =	simm.s32 $_size_execute0_lowered;
	s2 =	sadd.s32 s2, s4;
	[dreg:$0x0] =	wrdreg $0x0  }
0xa8: {  	s4 =	sshll.u32 s28, $0x1;
	[dreg:$0x2] =	wrdreg s2  }
0xa9: {  	[dreg:$0x3] =	wrdreg s4  }
0xaa: {  	[dreg:$0x4] =	wrdreg $0xC0  }
0xab: {  	_ =	task [dreg:s6], $0x5FFFF  }
0xac: {  	[dreg:$0x1] =	wrdreg $0xFFFFFFFF  }
0xad: {  	[dreg:$0x0] =	wrdreg $0x60  }
0xae: {  	[dreg:$0x2] =	wrdreg s24  }
0xaf: {  	[dreg:$0x3] =	wrdreg $0x68000  }
0xb0: {  	[dreg:$0x4] =	wrdreg $0x9  }
0xb1: {  	_ =	task.clear_ibuf [dreg:s6], $0x5FFFF;
	_ =	strace $0x90000046  }
0xb2: {  	s29 =	simm.s32 $0x9;
	_ =	strace $0x80000048  }
0xb3: {  	_ =	swait.ge [sflag:s29], $0x1  }
0xb4: {  	[sflag:s29] =	ssyncadd.s32 $0xFFFFFFFF  }
0xb5: {  	_ =	strace $0x90000048  }
0xb6: {  	_ =	sfence  }
0xb7: {  	s30 =	sld [smem:$0x0];
	_ =	sdelay $0x2  }
0xb8: {  	s31 =	sshll.u32 s1, $0xD;
	s1 =	sshrl.u32 s1, $0x2  }
0xb9: {  	s3 =	sand.u32 $0x4000, s31;
	s1 =	sadd.s32 s1, s30  }
0xba: {  	s0 =	sor.u32 s3, s0;
	s1 =	sshll.u32 s1, $0x11  }
0xbb: {  	s0 =	sor.u32 s1, s0  }
0xbc: {  	s0 =	sadd.s32 $0x8F2B, s0  }
0xbd: {  	[sflag:s0] =	ssyncadd.remote.s32 $0x1  }
0xbe: {  	_ =	sfence.sel $0xFFFF  }
0xbf: {  	[dreg:$0x0] =	wrdreg $0xFFFFFFFF;
	(pc) =	sbr.abs _section_cstart, $3  }
0xc0: {  	[dreg:$0x1] =	wrdreg $0xFFFFFFFF  }
0xc1: {  	_ =	task.clear_ibuf [dreg:s6], $0x2FFFF;
	_ =	strace $0x9FFFFFFF  }
0xc2: {  	(tm) =	ssettm $0x7FFFFFFF  }
0xc3: {  	_ =	shalt  }
tec
execute0_lowered:
.L_overlay_start_1:
0x0: {  	(tag) =	ssettag $0x1  }
0x1: {  	s1 =	srdreg.scid;
	s5 =	rddreg [dreg:$0x0]  }
0x2: {  	s0 =	stileid.u32;
	s2 =	rddreg [dreg:$0x1];
	s3 =	simm.s32 $0x0  }
0x3: {  	s13 =	simm.s32 $0x80;
	s14 =	simm.s32 $0x0;
	s6 =	sand.u32 $0x1, s1  }
0x4: {  	s28 =	sshll.u32 s0, $0x1;
	s1 =	rddreg [dreg:$0x2];
	s7 =	smul.u32 $0x14000, s0  }
0x5: {  	[smem:$0x7FF] =	sst s3;
	s29 =	smul.u32 $0x50000, s0;
	s31 =	sshll.u32 s0, $0x6  }
0x6: {  	s4 =	sor.u32 s6, s28;
	_ =	strace $0x80000047;
	s8 =	smul.u32 $0x140000, s6  }
0x7: {  	s6 =	ssub.s32 $0x2, s6;
	s4 =	smul.u32 $0x500, s4;
	s10 =	sshrl.u32 s7, $0x3  }
0x8: {  	s11 =	sshrl.u32 s6, $0x1;
	s30 =	sshrl.u32 s29, $0x2;
	s7 =	sadd.s32 s7, s8  }
0x9: {  	s10 =	sadd.s32 s10, s5;
	s11 =	ssub.s32 s6, s11;
	s12 =	sadd.s32 s30, s2  }
0xa: {  	s9 =	sadd.s32 s4, s5;
	s4 =	sadd.s32 $0x34C00, s5;
	s7 =	sshrl.u32 s7, $0x3  }
0xb: {  	s6 =	sadd.s32 $0xCC00, s10;
	s8 =	smax.u32 s11, $0x1;
	s10 =	simm.s32 $0x2800  }
0xc: {  	s11 =	sor.u32 $0x1C01, s31;
	s12 =	sshrl.u32 s12, $0x3;
	s7 =	sadd.s32 s7, s5  }
0xd: {  	s5 =	sadd.s32 $0x2C00, s9;
	s9 =	simm.s32 $0x1;
	s7 =	sadd.s32 $0x35400, s7  }
.LBB2_1:
0xe: {  	[tilespmem:s3], [sflag:$0x1] =	stream.linear.gather [hbm4b:s5+s3], $0x2800, $0x38;
	[tilespmem:$0x1A800] =	vst v63  }
0xf: {  	_ =	swait.ge [sflag:s9], $0x2800  }
0x10: {  	[sflag:s9] =	ssyncset.done $0x0  }
0x11: {  	[sflag:s9] =	ssyncadd.s32 $0xFFFFD800  }
0x12: {  	[tilespmem:s10], [sflag:$0x1] =	stream.linear.gather [hbm4b:s4+s3], $0x4000, $0x38;
	[tilespmem:$0x1A800] =	vst v63  }
0x13: {  	_ =	swait.ge [sflag:s9], $0x4000  }
0x14: {  	[sflag:s9] =	ssyncset.done $0x0  }
0x15: {  	[sflag:s9] =	ssyncadd.s32 $0xFFFFC000  }
0x16: {  	[spmem:s12], [sflag:s11] =	dma.local [hbm:s6], $0x2800  }
0x17: {  	_ =	swait.ge [sflag:s9], $0x2800  }
0x18: {  	[sflag:s9] =	ssyncset.done $0x0  }
0x19: {  	[sflag:s9] =	ssyncadd.s32 $0xFFFFD800  }
0x1a: {  	s15 =	simm.s32 $0x0;
	[bflag:$0x0] =	sbarrier.arrive $0xFFFF  }
0x1b: {  	[spmem:s2] =	stream.indirect.scatter.add.f32 [tilespmem:s10], [sflag:$0x1], $0x80, s15, s13, $0xb8;
	[tilespmem:$0x1A800] =	vst v63  }
0x1c: {  	_ =	swait.ge [sflag:s9], $0x4000  }
0x1d: {  	s15 =	simm.s32 $0x200;
	[sflag:s9] =	ssyncset.done $0x0  }
.LBB2_2:
0x1e: {  	s16 =	sshra.s32 s15, $0x2;
	[sflag:s9] =	ssyncadd.s32 $0xFFFFC000;
	p0 =	sne.s32 s15, $0x9E00  }
0x1f: {  	[spmem:s2] =	stream.indirect.scatter.add.f32 [tilespmem:s10], [sflag:$0x1], $0x80, s16, s13, $0xb8;
	[tilespmem:$0x1A800] =	vst v63  }
.Ltmp0:
0x20: {  	_ = 	snop;
	(pc) =	sbr.rel @p0 .LBB2_2-.Ltmp0, $4  }
0x21: {  	_ = 	snop  }
0x22: {  	s15 =	sadd.s32 $0x200, s15  }
0x23: {  	_ =	swait.ge [sflag:s9], $0x4000  }
0x24: {  	[sflag:s9] =	ssyncset.done $0x0  }
0x25: {  	s14 =	sadd.s32 $0x1, s14  }
0x26: {  	[sflag:s9] =	ssyncadd.s32 $0xFFFFC000;
	p0 =	sne.s32 s14, s8  }
.Ltmp1:
0x27: {  	[bflag:$0x0] =	sbarrier.arrive $0xFFFF;
	(pc) =	sbr.rel @p0 .LBB2_1-.Ltmp1, $4  }
0x28: {  	[hbm:s7], [sflag:s11] =	dma.local [spmem:s12], $0x2800  }
0x29: {  	_ =	swait.ge [sflag:s9], $0x2800  }
0x2a: {  	[sflag:s9] =	ssyncset.done $0x0  }
0x2b: {  	[sflag:s9] =	ssyncadd.s32 $0xFFFFD800  }
0x2c: {  	_ =	sfence.sel $0x180000  }
0x2d: {  	[bflag:$0x0] =	sbarrier.arrive $0xFFFF  }
0x2e: {  	p0 =	sne.s32 s0, $0x0;
	_ =	strace $0x90000047  }
0x2f: {  	s0 =	sadd.s32 @!p0 $0x100000, s1;
	[bflag:$0x2] =	sbarrier.arrive $0xFFFF  }
0x30: {  	[sflag:s0] =	ssyncadd.tile.s32 @!p0 $0x1;
	_ =	shalt  }
.Lfunc_end2:
_tile_overlayer_lowered:
.L_overlay_start_2:
0x31: {  	(tag) =	ssettag $0x2  }
0x32: {  	s0 =	rddreg [dreg:$0x0];
	s2 =	stileid.u32  }
0x33: {  	s1 =	rddreg [dreg:$0x1];
	p0 =	sne.s32 s2, $0x0  }
0x34: {  	s3 =	rddreg [dreg:$0x2];
	[bflag:$0x3] =	sbarrier.arrive $0xFFFF;
	s2 =	simm.s32 @!p0 $0x1C01  }
0x35: {  	[timem:s3], [sflag:s2] =	dma.local @!p0 [hbm:s0], s1  }
0x36: {  	s0 =	simm.s32 @!p0 $0x1  }
0x37: {  	_ =	swait.ge @!p0 [sflag:s0], s1  }
0x38: {  	s1 =	ssub.s32 @!p0 $0x0, s1;
	[sflag:s0] =	ssyncset.done @!p0 $0x0  }
0x39: {  	[sflag:s0] =	ssyncadd.s32 @!p0 s1  }
0x3a: {  	[bflag:$0x3] =	sbarrier.arrive $0xFFFF  }
0x3b: {  	_ =	shalt  }

</sc_bundles>
